<compile_context>
chip_gen: v7x
topology: tpu7x:2x2x1
jax: 0.10.2.dev20260603
libtpu: 0.0.44.dev20260713+nightly
codegen_flags: <defaults>
</compile_context>

<pallas_src>
import functools

import jax
import jax.numpy as jnp
from jax.experimental import pallas as pl

EPS = 1e-6
BN_EPS = 1e-5
NEG_SLOPE = 0.2
K = 20
N = 1024
ROWS = 256


def _knn_kernel(coord_ref, coordt_ref, idx_ref):
    c = coord_ref[0]
    ct = coordt_ref[0]
    g = jnp.dot(ct.astype(jnp.bfloat16), c.astype(jnp.bfloat16),
                preferred_element_type=jnp.float32)
    inner2 = -2.0 * g
    xx = jnp.sum(c * c, axis=0, keepdims=True)
    xxr = jnp.sum(ct * ct, axis=1, keepdims=True)
    pd = (-xx - inner2) - xxr
    lane = jax.lax.broadcasted_iota(jnp.int32, (ROWS, N), 1)
    cols = []
    for _ in range(K):
        am = jnp.argmax(pd, axis=1, keepdims=True)
        cols.append(am.astype(jnp.int32))
        pd = jnp.where(lane == am, -jnp.inf, pd)
    cols += [jnp.zeros((ROWS, 1), jnp.int32)] * (32 - K)
    idx_ref[0] = jnp.concatenate(cols, axis=1)


def _knn_topk(coord):
    B = coord.shape[0]
    coordt = jnp.transpose(coord, (0, 2, 1))
    idx = pl.pallas_call(
        _knn_kernel,
        grid=(B, N // ROWS),
        in_specs=[
            pl.BlockSpec((1, 3, N), lambda b, r: (b, 0, 0)),
            pl.BlockSpec((1, ROWS, 3), lambda b, r: (b, r, 0)),
        ],
        out_specs=pl.BlockSpec((1, ROWS, 32), lambda b, r: (b, r, 0)),
        out_shape=jax.ShapeDtypeStruct((B, N, 32), jnp.int32),
    )(coord, coordt)
    return idx[:, :, :K]


def _graph_feature(x, idx):
    B, C, _, Np = x.shape
    xf = jnp.transpose(x.reshape(B, C * 3, Np), (0, 2, 1))
    feat = jax.vmap(lambda xb, ib: xb[ib])(xf, idx)
    feat = feat.reshape(B, Np, K, C, 3)
    xc = jnp.broadcast_to(xf.reshape(B, Np, 1, C, 3), (B, Np, K, C, 3))
    out = jnp.concatenate([feat - xc, xc], axis=3)
    return jnp.transpose(out, (0, 3, 4, 1, 2))


def _vn_bn(p, dim):
    n = jnp.linalg.norm(p, axis=2) + EPS
    axes = (0, 2, 3) if dim == 5 else (0, 2)
    m = jnp.mean(n, axis=axes, keepdims=True)
    v = jnp.mean((n - m) ** 2, axis=axes, keepdims=True)
    nbn = (n - m) / jnp.sqrt(v + BN_EPS)
    return p / jnp.expand_dims(n, 2) * jnp.expand_dims(nbn, 2)


def _vn_lrelu(x, W, D, dim):
    p = jnp.einsum('oi,bi...->bo...', W, x)
    p = _vn_bn(p, dim)
    d = jnp.einsum('oi,bi...->bo...', D, x)
    dot = jnp.sum(p * d, axis=2, keepdims=True)
    dsq = jnp.sum(d * d, axis=2, keepdims=True)
    mask = (dot >= 0).astype(p.dtype)
    relu = mask * p + (1.0 - mask) * (p - (dot / (dsq + EPS)) * d)
    return NEG_SLOPE * p + (1.0 - NEG_SLOPE) * relu


def _vn_maxpool(x, P):
    B, C, _, Np, Kn = x.shape
    d = jnp.einsum('oi,bi...->bo...', P, x)
    dot = jnp.sum(x * d, axis=2, keepdims=True)
    am = jnp.argmax(dot, axis=-1)
    idxb = jnp.broadcast_to(am[..., None], (B, C, 3, Np, 1))
    return jnp.take_along_axis(x, idxb, axis=-1)[..., 0]


def kernel(x, W1, D1, W2, D2, W3, D3, W4, D4, W5, D5, P1, P2, P3, P4):
    coord = x
    idx = _knn_topk(coord)
    h = _vn_lrelu(_graph_feature(x[:, None, :, :], idx), W1, D1, 5)
    x1 = _vn_maxpool(h, P1)
    h = _vn_lrelu(_graph_feature(x1, idx), W2, D2, 5)
    x2 = _vn_maxpool(h, P2)
    h = _vn_lrelu(_graph_feature(x2, idx), W3, D3, 5)
    x3 = _vn_maxpool(h, P3)
    h = _vn_lrelu(_graph_feature(x3, idx), W4, D4, 5)
    x4 = _vn_maxpool(h, P4)
    xp = jnp.concatenate([x1, x2, x3, x4], axis=1)
    return (x4, xp, coord)

# --- scband reference (transcript-rebuilt; emitter-appended) ---
"""Pipeline reference for scband-vn-dgcnn-se3-62457414419064 (READ-ONLY COPY).

The authoritative reference and input builder live on the scoring server;
editing this copy changes nothing except your own understanding.
"""

import jax, jax.numpy as jnp
import numpy as np

EPS = 1e-6
BN_EPS = 1e-5
NEG_SLOPE = 0.2
K = 20

def knn_idx(coord, k):
    inner = -2.0 * jnp.einsum('bcn,bcm->bnm', coord, coord)
    xx = jnp.sum(coord * coord, axis=1, keepdims=True)
    pd = -xx - inner - jnp.transpose(xx, (0, 2, 1))
    return jax.lax.top_k(pd, k)[1]

def get_graph_feature(x, k, coord):
    B, C, _, N = x.shape
    idx = knn_idx(coord, k)
    xf = jnp.transpose(x.reshape(B, C * 3, N), (0, 2, 1))
    feat = jax.vmap(lambda xb, ib: xb[ib])(xf, idx)
    feat = feat.reshape(B, N, k, C, 3)
    xc = jnp.broadcast_to(xf.reshape(B, N, 1, C, 3), (B, N, k, C, 3))
    out = jnp.concatenate([feat - xc, xc], axis=3)
    return jnp.transpose(out, (0, 3, 4, 1, 2))

def vn_bn(p, dim):
    n = jnp.linalg.norm(p, axis=2) + EPS
    axes = (0, 2, 3) if dim == 5 else (0, 2)
    m = jnp.mean(n, axis=axes, keepdims=True)
    v = jnp.mean((n - m) ** 2, axis=axes, keepdims=True)
    nbn = (n - m) / jnp.sqrt(v + BN_EPS)
    return p / jnp.expand_dims(n, 2) * jnp.expand_dims(nbn, 2)

def vn_lrelu(x, W, D, dim):
    p = jnp.einsum('oi,bi...->bo...', W, x)
    p = vn_bn(p, dim)
    d = jnp.einsum('oi,bi...->bo...', D, x)
    dot = jnp.sum(p * d, axis=2, keepdims=True)
    dsq = jnp.sum(d * d, axis=2, keepdims=True)
    mask = (dot >= 0).astype(p.dtype)
    relu = mask * p + (1.0 - mask) * (p - (dot / (dsq + EPS)) * d)
    return NEG_SLOPE * p + (1.0 - NEG_SLOPE) * relu

def vn_maxpool(x, P):
    B, C, _, N, Kn = x.shape
    d = jnp.einsum('oi,bi...->bo...', P, x)
    dot = jnp.sum(x * d, axis=2, keepdims=True)
    idx = jnp.argmax(dot, axis=-1)
    idxb = jnp.broadcast_to(idx[..., None], (B, C, 3, N, 1))
    return jnp.take_along_axis(x, idxb, axis=-1)[..., 0]

def setup_inputs(seed: int = 0):
    key = jax.random.key(seed)
    ks = jax.random.split(key, 15)
    def lin(k, o, i):
        b = 1.0 / np.sqrt(i)
        return jax.random.uniform(k, (o, i), minval=-b, maxval=b, dtype=jnp.float32)
    return {
        'x': jax.random.normal(ks[0], (8, 3, 1024), dtype=jnp.float32),
        'W1': lin(ks[1], 21, 2), 'D1': lin(ks[2], 21, 2),
        'W2': lin(ks[3], 21, 42), 'D2': lin(ks[4], 21, 42),
        'W3': lin(ks[5], 42, 42), 'D3': lin(ks[6], 42, 42),
        'W4': lin(ks[7], 85, 84), 'D4': lin(ks[8], 85, 84),
        'W5': lin(ks[9], 341, 169), 'D5': lin(ks[10], 1, 169),
        'P1': lin(ks[11], 21, 21), 'P2': lin(ks[12], 21, 21),
        'P3': lin(ks[13], 42, 42), 'P4': lin(ks[14], 85, 85),
    }

def reference(x, W1, D1, W2, D2, W3, D3, W4, D4, W5, D5, P1, P2, P3, P4):
    coord = x
    h = get_graph_feature(x[:, None, :, :], K, coord)
    h = vn_lrelu(h, W1, D1, 5)
    x1 = vn_maxpool(h, P1)
    h = get_graph_feature(x1, K, coord)
    h = vn_lrelu(h, W2, D2, 5)
    x2 = vn_maxpool(h, P2)
    h = get_graph_feature(x2, K, coord)
    h = vn_lrelu(h, W3, D3, 5)
    x3 = vn_maxpool(h, P3)
    h = get_graph_feature(x3, K, coord)
    h = vn_lrelu(h, W4, D4, 5)
    x4 = vn_maxpool(h, P4)
    xp = jnp.concatenate([x1, x2, x3, x4], axis=1)
    x5 = vn_lrelu(xp, W5, D5, 4)
    return (x4, xp, coord)

if __name__ == "__main__":
    import jax
    _d = setup_inputs()
    print(jax.jit(kernel)(*tuple(_d.values())))

</pallas_src>

<mosaic_0001>
module attributes {stable_mosaic.version = 14 : i64} {
  func.func @_knn_kernel(%arg0: i32, %arg1: i32, %arg2: memref<1x3x1024xf32, #tpu.memory_space<vmem>>, %arg3: memref<1x256x3xf32, #tpu.memory_space<vmem>>, %arg4: memref<1x256x32xi32, #tpu.memory_space<vmem>>) attributes {dimension_semantics = [#tpu.dimension_semantics<arbitrary>, #tpu.dimension_semantics<arbitrary>], iteration_bounds = array<i64: 8, 4>, scalar_prefetch = 0 : i64, scratch_operands = 0 : i64, tpu.core_type = #tpu.core_type<tc>, window_params = [{transform_indices = @transform_0, window_bounds = array<i64: 1, 3, 1024>}, {transform_indices = @transform_1, window_bounds = array<i64: 1, 256, 3>}, {transform_indices = @transform_2, window_bounds = array<i64: 1, 256, 32>}]} {
    %get3A = arith.constant 0 : index
    %get3A_0 = arith.constant 0 : index
    %get3A_1 = arith.constant 0 : index
    %get3A_2 = vector.load %arg2[%get3A, %get3A_0, %get3A_1] : memref<1x3x1024xf32, #tpu.memory_space<vmem>>, vector<1x3x1024xf32>
    %get3A_3 = vector.shape_cast %get3A_2 : vector<1x3x1024xf32> to vector<3x1024xf32>
    %get3A_4 = arith.constant 0 : index
    %get3A_5 = arith.constant 0 : index
    %get3A_6 = arith.constant 0 : index
    %get3A_7 = vector.load %arg3[%get3A_4, %get3A_5, %get3A_6] : memref<1x256x3xf32, #tpu.memory_space<vmem>>, vector<1x256x3xf32>
    %get3A_8 = vector.shape_cast %get3A_7 : vector<1x256x3xf32> to vector<256x3xf32>
    %convert_element_type3A = arith.truncf %get3A_8 : vector<256x3xf32> to vector<256x3xbf16>
    %convert_element_type3A_9 = arith.truncf %get3A_3 : vector<3x1024xf32> to vector<3x1024xbf16>
    %dot_general3A = arith.constant dense<0.000000e+00> : vector<256x1024xf32>
    %dot_general3A_10 = tpu.matmul %convert_element_type3A, %convert_element_type3A_9, %dot_general3A {dimension_numbers = #tpu.dot_dimension_numbers<[1], [0], [0], [1], [0, 0, 1, 1], [], []>, transpose_lhs_hint = false} : vector<256x3xbf16>, vector<3x1024xbf16>, vector<256x1024xf32> -> vector<256x1024xf32>
    %mul3A = arith.constant -2.000000e+00 : f32
    %mul3A_11 = vector.broadcast %mul3A : f32 to vector<256x1024xf32>
    %mul3A_12 = arith.mulf %mul3A_11, %dot_general3A_10 : vector<256x1024xf32>
    %mul3A_13 = arith.mulf %get3A_3, %get3A_3 : vector<3x1024xf32>
    %reduce_sum3A = arith.constant dense<0.000000e+00> : vector<1024xf32>
    %reduce_sum3A_14 = vector.multi_reduction <add>, %mul3A_13, %reduce_sum3A [0] : vector<3x1024xf32> to vector<1024xf32>
    %broadcast_in_dim3A = vector.shape_cast %reduce_sum3A_14 : vector<1024xf32> to vector<1x1024xf32>
    %mul3A_15 = arith.mulf %get3A_8, %get3A_8 : vector<256x3xf32>
    %reduce_sum3A_16 = arith.constant dense<0.000000e+00> : vector<256xf32>
    %reduce_sum3A_17 = vector.multi_reduction <add>, %mul3A_15, %reduce_sum3A_16 [1] : vector<256x3xf32> to vector<256xf32>
    %broadcast_in_dim3A_18 = vector.shape_cast %reduce_sum3A_17 : vector<256xf32> to vector<256x1xf32>
    %neg3A = arith.constant 0.000000e+00 : f32
    %neg3A_19 = vector.broadcast %neg3A : f32 to vector<1x1024xf32>
    %neg3A_20 = arith.subf %neg3A_19, %broadcast_in_dim3A : vector<1x1024xf32>
    %sub3A = vector.broadcast %neg3A_20 : vector<1x1024xf32> to vector<256x1024xf32>
    %sub3A_21 = arith.subf %sub3A, %mul3A_12 : vector<256x1024xf32>
    %sub3A_22 = vector.broadcast %broadcast_in_dim3A_18 : vector<256x1xf32> to vector<256x1024xf32>
    %sub3A_23 = arith.subf %sub3A_21, %sub3A_22 : vector<256x1024xf32>
    %iota3A = tpu.iota {dimensions = array<i32: 1>} : vector<256x1024xi32>
    %argmax3A = tpu.reduce_index %sub3A_23 {axis = 1 : i32, kind = #tpu.reduction_kind<arg_max>} : vector<256x1024xf32> -> vector<256xi32>
    %broadcast_in_dim3A_24 = vector.shape_cast %argmax3A : vector<256xi32> to vector<256x1xi32>
    %eq3A = vector.broadcast %broadcast_in_dim3A_24 : vector<256x1xi32> to vector<256x1024xi32>
    %eq3A_25 = arith.cmpi eq, %iota3A, %eq3A : vector<256x1024xi32>
    %jit3A = arith.constant 0xFF800000 : f32
    %broadcast_in_dim3A_26 = vector.broadcast %jit3A : f32 to vector<256x1024xf32>
    %select_n3A = arith.select %eq3A_25, %broadcast_in_dim3A_26, %sub3A_23 : vector<256x1024xi1>, vector<256x1024xf32>
    %argmax3A_27 = tpu.reduce_index %select_n3A {axis = 1 : i32, kind = #tpu.reduction_kind<arg_max>} : vector<256x1024xf32> -> vector<256xi32>
    %broadcast_in_dim3A_28 = vector.shape_cast %argmax3A_27 : vector<256xi32> to vector<256x1xi32>
    %eq3A_29 = vector.broadcast %broadcast_in_dim3A_28 : vector<256x1xi32> to vector<256x1024xi32>
    %eq3A_30 = arith.cmpi eq, %iota3A, %eq3A_29 : vector<256x1024xi32>
    %jit3A_31 = arith.constant 0xFF800000 : f32
    %broadcast_in_dim3A_32 = vector.broadcast %jit3A_31 : f32 to vector<256x1024xf32>
    %select_n3A_33 = arith.select %eq3A_30, %broadcast_in_dim3A_32, %select_n3A : vector<256x1024xi1>, vector<256x1024xf32>
    %argmax3A_34 = tpu.reduce_index %select_n3A_33 {axis = 1 : i32, kind = #tpu.reduction_kind<arg_max>} : vector<256x1024xf32> -> vector<256xi32>
    %broadcast_in_dim3A_35 = vector.shape_cast %argmax3A_34 : vector<256xi32> to vector<256x1xi32>
    %eq3A_36 = vector.broadcast %broadcast_in_dim3A_35 : vector<256x1xi32> to vector<256x1024xi32>
    %eq3A_37 = arith.cmpi eq, %iota3A, %eq3A_36 : vector<256x1024xi32>
    %jit3A_38 = arith.constant 0xFF800000 : f32
    %broadcast_in_dim3A_39 = vector.broadcast %jit3A_38 : f32 to vector<256x1024xf32>
    %select_n3A_40 = arith.select %eq3A_37, %broadcast_in_dim3A_39, %select_n3A_33 : vector<256x1024xi1>, vector<256x1024xf32>
    %argmax3A_41 = tpu.reduce_index %select_n3A_40 {axis = 1 : i32, kind = #tpu.reduction_kind<arg_max>} : vector<256x1024xf32> -> vector<256xi32>
    %broadcast_in_dim3A_42 = vector.shape_cast %argmax3A_41 : vector<256xi32> to vector<256x1xi32>
    %eq3A_43 = vector.broadcast %broadcast_in_dim3A_42 : vector<256x1xi32> to vector<256x1024xi32>
    %eq3A_44 = arith.cmpi eq, %iota3A, %eq3A_43 : vector<256x1024xi32>
    %jit3A_45 = arith.constant 0xFF800000 : f32
    %broadcast_in_dim3A_46 = vector.broadcast %jit3A_45 : f32 to vector<256x1024xf32>
    %select_n3A_47 = arith.select %eq3A_44, %broadcast_in_dim3A_46, %select_n3A_40 : vector<256x1024xi1>, vector<256x1024xf32>
    %argmax3A_48 = tpu.reduce_index %select_n3A_47 {axis = 1 : i32, kind = #tpu.reduction_kind<arg_max>} : vector<256x1024xf32> -> vector<256xi32>
    %broadcast_in_dim3A_49 = vector.shape_cast %argmax3A_48 : vector<256xi32> to vector<256x1xi32>
    %eq3A_50 = vector.broadcast %broadcast_in_dim3A_49 : vector<256x1xi32> to vector<256x1024xi32>
    %eq3A_51 = arith.cmpi eq, %iota3A, %eq3A_50 : vector<256x1024xi32>
    %jit3A_52 = arith.constant 0xFF800000 : f32
    %broadcast_in_dim3A_53 = vector.broadcast %jit3A_52 : f32 to vector<256x1024xf32>
    %select_n3A_54 = arith.select %eq3A_51, %broadcast_in_dim3A_53, %select_n3A_47 : vector<256x1024xi1>, vector<256x1024xf32>
    %argmax3A_55 = tpu.reduce_index %select_n3A_54 {axis = 1 : i32, kind = #tpu.reduction_kind<arg_max>} : vector<256x1024xf32> -> vector<256xi32>
    %broadcast_in_dim3A_56 = vector.shape_cast %argmax3A_55 : vector<256xi32> to vector<256x1xi32>
    %eq3A_57 = vector.broadcast %broadcast_in_dim3A_56 : vector<256x1xi32> to vector<256x1024xi32>
    %eq3A_58 = arith.cmpi eq, %iota3A, %eq3A_57 : vector<256x1024xi32>
    %jit3A_59 = arith.constant 0xFF800000 : f32
    %broadcast_in_dim3A_60 = vector.broadcast %jit3A_59 : f32 to vector<256x1024xf32>
    %select_n3A_61 = arith.select %eq3A_58, %broadcast_in_dim3A_60, %select_n3A_54 : vector<256x1024xi1>, vector<256x1024xf32>
    %argmax3A_62 = tpu.reduce_index %select_n3A_61 {axis = 1 : i32, kind = #tpu.reduction_kind<arg_max>} : vector<256x1024xf32> -> vector<256xi32>
    %broadcast_in_dim3A_63 = vector.shape_cast %argmax3A_62 : vector<256xi32> to vector<256x1xi32>
    %eq3A_64 = vector.broadcast %broadcast_in_dim3A_63 : vector<256x1xi32> to vector<256x1024xi32>
    %eq3A_65 = arith.cmpi eq, %iota3A, %eq3A_64 : vector<256x1024xi32>
    %jit3A_66 = arith.constant 0xFF800000 : f32
    %broadcast_in_dim3A_67 = vector.broadcast %jit3A_66 : f32 to vector<256x1024xf32>
    %select_n3A_68 = arith.select %eq3A_65, %broadcast_in_dim3A_67, %select_n3A_61 : vector<256x1024xi1>, vector<256x1024xf32>
    %argmax3A_69 = tpu.reduce_index %select_n3A_68 {axis = 1 : i32, kind = #tpu.reduction_kind<arg_max>} : vector<256x1024xf32> -> vector<256xi32>
    %broadcast_in_dim3A_70 = vector.shape_cast %argmax3A_69 : vector<256xi32> to vector<256x1xi32>
    %eq3A_71 = vector.broadcast %broadcast_in_dim3A_70 : vector<256x1xi32> to vector<256x1024xi32>
    %eq3A_72 = arith.cmpi eq, %iota3A, %eq3A_71 : vector<256x1024xi32>
    %jit3A_73 = arith.constant 0xFF800000 : f32
    %broadcast_in_dim3A_74 = vector.broadcast %jit3A_73 : f32 to vector<256x1024xf32>
    %select_n3A_75 = arith.select %eq3A_72, %broadcast_in_dim3A_74, %select_n3A_68 : vector<256x1024xi1>, vector<256x1024xf32>
    %argmax3A_76 = tpu.reduce_index %select_n3A_75 {axis = 1 : i32, kind = #tpu.reduction_kind<arg_max>} : vector<256x1024xf32> -> vector<256xi32>
    %broadcast_in_dim3A_77 = vector.shape_cast %argmax3A_76 : vector<256xi32> to vector<256x1xi32>
    %eq3A_78 = vector.broadcast %broadcast_in_dim3A_77 : vector<256x1xi32> to vector<256x1024xi32>
    %eq3A_79 = arith.cmpi eq, %iota3A, %eq3A_78 : vector<256x1024xi32>
    %jit3A_80 = arith.constant 0xFF800000 : f32
    %broadcast_in_dim3A_81 = vector.broadcast %jit3A_80 : f32 to vector<256x1024xf32>
    %select_n3A_82 = arith.select %eq3A_79, %broadcast_in_dim3A_81, %select_n3A_75 : vector<256x1024xi1>, vector<256x1024xf32>
    %argmax3A_83 = tpu.reduce_index %select_n3A_82 {axis = 1 : i32, kind = #tpu.reduction_kind<arg_max>} : vector<256x1024xf32> -> vector<256xi32>
    %broadcast_in_dim3A_84 = vector.shape_cast %argmax3A_83 : vector<256xi32> to vector<256x1xi32>
    %eq3A_85 = vector.broadcast %broadcast_in_dim3A_84 : vector<256x1xi32> to vector<256x1024xi32>
    %eq3A_86 = arith.cmpi eq, %iota3A, %eq3A_85 : vector<256x1024xi32>
    %jit3A_87 = arith.constant 0xFF800000 : f32
    %broadcast_in_dim3A_88 = vector.broadcast %jit3A_87 : f32 to vector<256x1024xf32>
    %select_n3A_89 = arith.select %eq3A_86, %broadcast_in_dim3A_88, %select_n3A_82 : vector<256x1024xi1>, vector<256x1024xf32>
    %argmax3A_90 = tpu.reduce_index %select_n3A_89 {axis = 1 : i32, kind = #tpu.reduction_kind<arg_max>} : vector<256x1024xf32> -> vector<256xi32>
    %broadcast_in_dim3A_91 = vector.shape_cast %argmax3A_90 : vector<256xi32> to vector<256x1xi32>
    %eq3A_92 = vector.broadcast %broadcast_in_dim3A_91 : vector<256x1xi32> to vector<256x1024xi32>
    %eq3A_93 = arith.cmpi eq, %iota3A, %eq3A_92 : vector<256x1024xi32>
    %jit3A_94 = arith.constant 0xFF800000 : f32
    %broadcast_in_dim3A_95 = vector.broadcast %jit3A_94 : f32 to vector<256x1024xf32>
    %select_n3A_96 = arith.select %eq3A_93, %broadcast_in_dim3A_95, %select_n3A_89 : vector<256x1024xi1>, vector<256x1024xf32>
    %argmax3A_97 = tpu.reduce_index %select_n3A_96 {axis = 1 : i32, kind = #tpu.reduction_kind<arg_max>} : vector<256x1024xf32> -> vector<256xi32>
    %broadcast_in_dim3A_98 = vector.shape_cast %argmax3A_97 : vector<256xi32> to vector<256x1xi32>
    %eq3A_99 = vector.broadcast %broadcast_in_dim3A_98 : vector<256x1xi32> to vector<256x1024xi32>
    %eq3A_100 = arith.cmpi eq, %iota3A, %eq3A_99 : vector<256x1024xi32>
    %jit3A_101 = arith.constant 0xFF800000 : f32
    %broadcast_in_dim3A_102 = vector.broadcast %jit3A_101 : f32 to vector<256x1024xf32>
    %select_n3A_103 = arith.select %eq3A_100, %broadcast_in_dim3A_102, %select_n3A_96 : vector<256x1024xi1>, vector<256x1024xf32>
    %argmax3A_104 = tpu.reduce_index %select_n3A_103 {axis = 1 : i32, kind = #tpu.reduction_kind<arg_max>} : vector<256x1024xf32> -> vector<256xi32>
    %broadcast_in_dim3A_105 = vector.shape_cast %argmax3A_104 : vector<256xi32> to vector<256x1xi32>
    %eq3A_106 = vector.broadcast %broadcast_in_dim3A_105 : vector<256x1xi32> to vector<256x1024xi32>
    %eq3A_107 = arith.cmpi eq, %iota3A, %eq3A_106 : vector<256x1024xi32>
    %jit3A_108 = arith.constant 0xFF800000 : f32
    %broadcast_in_dim3A_109 = vector.broadcast %jit3A_108 : f32 to vector<256x1024xf32>
    %select_n3A_110 = arith.select %eq3A_107, %broadcast_in_dim3A_109, %select_n3A_103 : vector<256x1024xi1>, vector<256x1024xf32>
    %argmax3A_111 = tpu.reduce_index %select_n3A_110 {axis = 1 : i32, kind = #tpu.reduction_kind<arg_max>} : vector<256x1024xf32> -> vector<256xi32>
    %broadcast_in_dim3A_112 = vector.shape_cast %argmax3A_111 : vector<256xi32> to vector<256x1xi32>
    %eq3A_113 = vector.broadcast %broadcast_in_dim3A_112 : vector<256x1xi32> to vector<256x1024xi32>
    %eq3A_114 = arith.cmpi eq, %iota3A, %eq3A_113 : vector<256x1024xi32>
    %jit3A_115 = arith.constant 0xFF800000 : f32
    %broadcast_in_dim3A_116 = vector.broadcast %jit3A_115 : f32 to vector<256x1024xf32>
    %select_n3A_117 = arith.select %eq3A_114, %broadcast_in_dim3A_116, %select_n3A_110 : vector<256x1024xi1>, vector<256x1024xf32>
    %argmax3A_118 = tpu.reduce_index %select_n3A_117 {axis = 1 : i32, kind = #tpu.reduction_kind<arg_max>} : vector<256x1024xf32> -> vector<256xi32>
    %broadcast_in_dim3A_119 = vector.shape_cast %argmax3A_118 : vector<256xi32> to vector<256x1xi32>
    %eq3A_120 = vector.broadcast %broadcast_in_dim3A_119 : vector<256x1xi32> to vector<256x1024xi32>
    %eq3A_121 = arith.cmpi eq, %iota3A, %eq3A_120 : vector<256x1024xi32>
    %jit3A_122 = arith.constant 0xFF800000 : f32
    %broadcast_in_dim3A_123 = vector.broadcast %jit3A_122 : f32 to vector<256x1024xf32>
    %select_n3A_124 = arith.select %eq3A_121, %broadcast_in_dim3A_123, %select_n3A_117 : vector<256x1024xi1>, vector<256x1024xf32>
    %argmax3A_125 = tpu.reduce_index %select_n3A_124 {axis = 1 : i32, kind = #tpu.reduction_kind<arg_max>} : vector<256x1024xf32> -> vector<256xi32>
    %broadcast_in_dim3A_126 = vector.shape_cast %argmax3A_125 : vector<256xi32> to vector<256x1xi32>
    %eq3A_127 = vector.broadcast %broadcast_in_dim3A_126 : vector<256x1xi32> to vector<256x1024xi32>
    %eq3A_128 = arith.cmpi eq, %iota3A, %eq3A_127 : vector<256x1024xi32>
    %jit3A_129 = arith.constant 0xFF800000 : f32
    %broadcast_in_dim3A_130 = vector.broadcast %jit3A_129 : f32 to vector<256x1024xf32>
    %select_n3A_131 = arith.select %eq3A_128, %broadcast_in_dim3A_130, %select_n3A_124 : vector<256x1024xi1>, vector<256x1024xf32>
    %argmax3A_132 = tpu.reduce_index %select_n3A_131 {axis = 1 : i32, kind = #tpu.reduction_kind<arg_max>} : vector<256x1024xf32> -> vector<256xi32>
    %broadcast_in_dim3A_133 = vector.shape_cast %argmax3A_132 : vector<256xi32> to vector<256x1xi32>
    %eq3A_134 = vector.broadcast %broadcast_in_dim3A_133 : vector<256x1xi32> to vector<256x1024xi32>
    %eq3A_135 = arith.cmpi eq, %iota3A, %eq3A_134 : vector<256x1024xi32>
    %jit3A_136 = arith.constant 0xFF800000 : f32
    %broadcast_in_dim3A_137 = vector.broadcast %jit3A_136 : f32 to vector<256x1024xf32>
    %select_n3A_138 = arith.select %eq3A_135, %broadcast_in_dim3A_137, %select_n3A_131 : vector<256x1024xi1>, vector<256x1024xf32>
    %argmax3A_139 = tpu.reduce_index %select_n3A_138 {axis = 1 : i32, kind = #tpu.reduction_kind<arg_max>} : vector<256x1024xf32> -> vector<256xi32>
    %broadcast_in_dim3A_140 = vector.shape_cast %argmax3A_139 : vector<256xi32> to vector<256x1xi32>
    %eq3A_141 = vector.broadcast %broadcast_in_dim3A_140 : vector<256x1xi32> to vector<256x1024xi32>
    %eq3A_142 = arith.cmpi eq, %iota3A, %eq3A_141 : vector<256x1024xi32>
    %jit3A_143 = arith.constant 0xFF800000 : f32
    %broadcast_in_dim3A_144 = vector.broadcast %jit3A_143 : f32 to vector<256x1024xf32>
    %select_n3A_145 = arith.select %eq3A_142, %broadcast_in_dim3A_144, %select_n3A_138 : vector<256x1024xi1>, vector<256x1024xf32>
    %argmax3A_146 = tpu.reduce_index %select_n3A_145 {axis = 1 : i32, kind = #tpu.reduction_kind<arg_max>} : vector<256x1024xf32> -> vector<256xi32>
    %broadcast_in_dim3A_147 = vector.shape_cast %argmax3A_146 : vector<256xi32> to vector<256x1xi32>
    %eq3A_148 = vector.broadcast %broadcast_in_dim3A_147 : vector<256x1xi32> to vector<256x1024xi32>
    %eq3A_149 = arith.cmpi eq, %iota3A, %eq3A_148 : vector<256x1024xi32>
    %jit3A_150 = arith.constant 0xFF800000 : f32
    %broadcast_in_dim3A_151 = vector.broadcast %jit3A_150 : f32 to vector<256x1024xf32>
    %select_n3A_152 = arith.select %eq3A_149, %broadcast_in_dim3A_151, %select_n3A_145 : vector<256x1024xi1>, vector<256x1024xf32>
    %argmax3A_153 = tpu.reduce_index %select_n3A_152 {axis = 1 : i32, kind = #tpu.reduction_kind<arg_max>} : vector<256x1024xf32> -> vector<256xi32>
    %broadcast_in_dim3A_154 = vector.shape_cast %argmax3A_153 : vector<256xi32> to vector<256x1xi32>
    %broadcast_in_dim3A_155 = arith.constant 0 : i32
    %broadcast_in_dim3A_156 = vector.broadcast %broadcast_in_dim3A_155 : i32 to vector<256x1xi32>
    %concatenate3A = tpu.concatenate %broadcast_in_dim3A_24, %broadcast_in_dim3A_28, %broadcast_in_dim3A_35, %broadcast_in_dim3A_42, %broadcast_in_dim3A_49, %broadcast_in_dim3A_56, %broadcast_in_dim3A_63, %broadcast_in_dim3A_70, %broadcast_in_dim3A_77, %broadcast_in_dim3A_84, %broadcast_in_dim3A_91, %broadcast_in_dim3A_98, %broadcast_in_dim3A_105, %broadcast_in_dim3A_112, %broadcast_in_dim3A_119, %broadcast_in_dim3A_126, %broadcast_in_dim3A_133, %broadcast_in_dim3A_140, %broadcast_in_dim3A_147, %broadcast_in_dim3A_154, %broadcast_in_dim3A_156, %broadcast_in_dim3A_156, %broadcast_in_dim3A_156, %broadcast_in_dim3A_156, %broadcast_in_dim3A_156, %broadcast_in_dim3A_156, %broadcast_in_dim3A_156, %broadcast_in_dim3A_156, %broadcast_in_dim3A_156, %broadcast_in_dim3A_156, %broadcast_in_dim3A_156, %broadcast_in_dim3A_156 in 1 : vector<256x1xi32>, vector<256x1xi32>, vector<256x1xi32>, vector<256x1xi32>, vector<256x1xi32>, vector<256x1xi32>, vector<256x1xi32>, vector<256x1xi32>, vector<256x1xi32>, vector<256x1xi32>, vector<256x1xi32>, vector<256x1xi32>, vector<256x1xi32>, vector<256x1xi32>, vector<256x1xi32>, vector<256x1xi32>, vector<256x1xi32>, vector<256x1xi32>, vector<256x1xi32>, vector<256x1xi32>, vector<256x1xi32>, vector<256x1xi32>, vector<256x1xi32>, vector<256x1xi32>, vector<256x1xi32>, vector<256x1xi32>, vector<256x1xi32>, vector<256x1xi32>, vector<256x1xi32>, vector<256x1xi32>, vector<256x1xi32>, vector<256x1xi32> -> vector<256x32xi32>
    %swap3A = arith.constant 0 : index
    %swap3A_157 = arith.constant 0 : index
    %swap3A_158 = arith.constant 0 : index
    %swap3A_159 = vector.load %arg4[%swap3A, %swap3A_157, %swap3A_158] : memref<1x256x32xi32, #tpu.memory_space<vmem>>, vector<1x256x32xi32>
    %swap3A_160 = vector.shape_cast %swap3A_159 : vector<1x256x32xi32> to vector<256x32xi32>
    %swap3A_161 = vector.shape_cast %concatenate3A : vector<256x32xi32> to vector<1x256x32xi32>
    tpu.vector_store %arg4[%swap3A, %swap3A_157, %swap3A_158], %swap3A_161 {strides = array<i32>} : memref<1x256x32xi32, #tpu.memory_space<vmem>>, vector<1x256x32xi32>,
    return
  }
  func.func @transform_0(%arg0: i32, %arg1: i32) -> (i32, i32, i32) {
    %c0_i32 = arith.constant 0 : i32
    %c0_i32_0 = arith.constant 0 : i32
    %c0_i32_1 = arith.constant 0 : i32
    return %arg0, %c0_i32, %c0_i32_0 : i32, i32, i32
  }
  func.func @transform_1(%arg0: i32, %arg1: i32) -> (i32, i32, i32) {
    %c0_i32 = arith.constant 0 : i32
    %c0_i32_0 = arith.constant 0 : i32
    return %arg0, %arg1, %c0_i32 : i32, i32, i32
  }
  func.func @transform_2(%arg0: i32, %arg1: i32) -> (i32, i32, i32) {
    %c0_i32 = arith.constant 0 : i32
    %c0_i32_0 = arith.constant 0 : i32
    return %arg0, %arg1, %c0_i32 : i32, i32, i32
  }
}

</mosaic_0001>

<sc_bundles>
// kernel: gather_offload_async_start.1
scs
__scs_entry_jumppad:
0x0: {  	(pc) =	sbr.rel $0x88, $3  }
0x1: {  	(tag) =	ssettag $0x0;
	lr =	simm.s32 $0x1  }
0x2: {  	[smem:$0x3F94] =	sst lr;
	_ =	strace $0xD0000000  }
0x3: {  	_ = 	snop  }
0x4: {  	_ = 	snop  }
0x5: {  	_ = 	snop  }
0x6: {  	_ = 	snop  }
0x7: {  	_ = 	snop  }
__scs_overlays_trampoline_lowered:
0x8: {  	[smem:$0x3FA3] =	sst s0  }
0x9: {  	[smem:$0x3FA4] =	sst s1  }
0xa: {  	[smem:$0x3FA5] =	sst s2  }
0xb: {  	[smem:$0x3FA6] =	sst s3  }
0xc: {  	[smem:$0x3FA7] =	sst s4  }
0xd: {  	[smem:$0x3FA8] =	sst s5  }
0xe: {  	[smem:$0x3FA9] =	sst s6  }
0xf: {  	[smem:$0x3FAA] =	sst s7  }
0x10: {  	[smem:$0x3FAB] =	sst s8  }
0x11: {  	[smem:$0x3FAC] =	sst s9;
	s0 =	simm.s32 @!p0 $0x0  }
0x12: {  	s1 =	sld [smem:$0x3F92];
	s0 =	simm.s32 @p0 $0x1  }
0x13: {  	[smem:$0x3FAD] =	sst s0;
	s0 =	simm.s32 @!p1 $0x0  }
0x14: {  	s2 =	sld [smem:$0x3F91];
	s0 =	simm.s32 @p1 $0x1  }
0x15: {  	[smem:$0x3FAE] =	sst s0;
	s0 =	simm.s32 @!p2 $0x0  }
0x16: {  	s3 =	sld [smem:$0x3FDB];
	s0 =	simm.s32 @p2 $0x1  }
0x17: {  	s4 =	simm.s32 $0x1BF5;
	[smem:$0x3FB0] =	sst s0  }
0x18: {  	s0 =	sld [smem:$0x3F93];
	_ =	swait.ge [sflag:s4], $0x0  }
0x19: {  	s7 =	sld [smem:$0x3F94]  }
0x1a: {  	s8 =	sadd.s32 $0xFFFFE003, lr  }
0x1b: {  	s9 =	sadd.s32 $0xFFFFFEF7, lr;
	s5 =	simm.s32 $0xFFFFFFFF;
	p2 =	slt.u32 s8, $0xFFFFF086  }
0x1c: {  	p1 =	slt.u32 s9, $0xF7A;
	s5 =	simm.s32 @!p2 $0x0  }
0x1d: {  	s5 =	simm.s32 @p1 $0x1;
	p0 =	seq.s32 s7, s2  }
0x1e: {  	s7 =	smul.u32 @!p0 $0xF7A, s2;
	p2 =	seq.s32 @!p0 s5, $0x0  }
0x1f: {  	s9 =	smul.u32 $0xF7A, s1;
	s8 =	simm.s32 @!p0 $0x1BF5;
	p2 =	por !p2, p0  }
0x20: {  	[sflag:s8] =	ssyncset.s32 @!p0 $0xFFFFF086;
	s6 =	sadd.s32 @!p0 s3, s7;
	s7 =	simm.s32 @!p0 $0x108  }
0x21: {  	s3 =	sadd.s32 s3, s9;
	s6 =	sadd.s32 @!p0 $0x88, s6;
	s7 =	simm.s32 @p2 $0x1082  }
0x22: {  	[simem:s7], [sflag:s8] =	dma.local @!p0 [hbm:s6], $0xF7A  }
0x23: {  	s9 =	sor.u32 $0xD0000000, s2;
	s6 =	simm.s32 $0x108;
	_ =	swait.ge @!p0 [sflag:s8], $0x0  }
0x24: {  	s3 =	sadd.s32 $0x88, s3;
	s6 =	simm.s32 @!p1 $0x1082;
	[sflag:s4] =	ssyncset.s32 $0xFFFFF086  }
0x25: {  	[simem:s6], [sflag:s4] =	dma.local [hbm:s3], $0xF7A  }
0x26: {  	[smem:$0x3F94] =	sst s1;
	(tag) =	ssettag s2;
	_ =	strace s9  }
0x27: {  	s1 =	sld [smem:$0x3FA4]  }
0x28: {  	s2 =	sld [smem:$0x3FA5]  }
0x29: {  	s4 =	sld [smem:$0x3FA7]  }
0x2a: {  	p0 =	seq.s32 s5, $0x0;
	s5 =	sld [smem:$0x3FA8]  }
0x2b: {  	s6 =	sld [smem:$0x3FA9]  }
0x2c: {  	s7 =	sld [smem:$0x3FAA]  }
0x2d: {  	s3 =	simm.s32 $0x108;
	s8 =	sld [smem:$0x3FAB]  }
0x2e: {  	s3 =	simm.s32 @!p0 $0x1082;
	s9 =	sld [smem:$0x3FAC]  }
0x2f: {  	lr =	sadd.s32 s0, s3;
	s0 =	sld [smem:$0x3FA3]  }
0x30: {  	s3 =	sld [smem:$0x3FA6]  }
0x31: {  	[smem:$0x3FAF] =	sst s10  }
0x32: {  	s10 =	sld [smem:$0x3FAD];
	_ =	sdelay $0x3  }
0x33: {  	p0 =	seq.s32 s10, $0x1;
	s10 =	sld [smem:$0x3FAF];
	_ =	sdelay $0x3  }
0x34: {  	[smem:$0x3FAF] =	sst s10  }
0x35: {  	s10 =	sld [smem:$0x3FAE];
	_ =	sdelay $0x3  }
0x36: {  	p1 =	seq.s32 s10, $0x1;
	s10 =	sld [smem:$0x3FAF];
	_ =	sdelay $0x3  }
0x37: {  	[smem:$0x3FAF] =	sst s10  }
0x38: {  	s10 =	sld [smem:$0x3FB0]  }
0x39: {  	_ = 	snop;
	(pc) =	sbr.ind lr, $3  }
0x3a: {  	_ = 	snop  }
0x3b: {  	_ = 	snop  }
0x3c: {  	p2 =	seq.s32 s10, $0x1;
	s10 =	sld [smem:$0x3FAF]  }
0x3d: {  	_ =	shalt  }
0x3e: {  	_ =	shalt  }
0x3f: {  	_ =	shalt  }
0x40: {  	_ =	shalt  }
0x41: {  	_ =	shalt  }
0x42: {  	_ =	shalt  }
0x43: {  	_ =	shalt  }
0x44: {  	_ =	shalt  }
0x45: {  	_ =	shalt  }
0x46: {  	_ =	shalt  }
0x47: {  	_ =	shalt  }
0x48: {  	_ =	shalt  }
0x49: {  	_ =	shalt  }
0x4a: {  	_ =	shalt  }
0x4b: {  	_ =	shalt  }
0x4c: {  	_ =	shalt  }
0x4d: {  	_ =	shalt  }
0x4e: {  	_ =	shalt  }
0x4f: {  	_ =	shalt  }
0x50: {  	_ =	shalt  }
0x51: {  	_ =	shalt  }
0x52: {  	_ =	shalt  }
0x53: {  	_ =	shalt  }
0x54: {  	_ =	shalt  }
0x55: {  	_ =	shalt  }
0x56: {  	_ =	shalt  }
0x57: {  	_ =	shalt  }
0x58: {  	_ =	shalt  }
0x59: {  	_ =	shalt  }
0x5a: {  	_ =	shalt  }
0x5b: {  	_ =	shalt  }
0x5c: {  	_ =	shalt  }
0x5d: {  	_ =	shalt  }
0x5e: {  	_ =	shalt  }
0x5f: {  	_ =	shalt  }
0x60: {  	_ =	shalt  }
0x61: {  	_ =	shalt  }
0x62: {  	_ =	shalt  }
0x63: {  	_ =	shalt  }
0x64: {  	_ =	shalt  }
0x65: {  	_ =	shalt  }
0x66: {  	_ =	shalt  }
0x67: {  	_ =	shalt  }
0x68: {  	_ =	shalt  }
0x69: {  	_ =	shalt  }
0x6a: {  	_ =	shalt  }
0x6b: {  	_ =	shalt  }
0x6c: {  	_ =	shalt  }
0x6d: {  	_ =	shalt  }
0x6e: {  	_ =	shalt  }
0x6f: {  	_ =	shalt  }
0x70: {  	_ =	shalt  }
0x71: {  	_ =	shalt  }
0x72: {  	_ =	shalt  }
0x73: {  	_ =	shalt  }
0x74: {  	_ =	shalt  }
0x75: {  	_ =	shalt  }
0x76: {  	_ =	shalt  }
0x77: {  	_ =	shalt  }
0x78: {  	_ =	shalt  }
0x79: {  	_ =	shalt  }
0x7a: {  	_ =	shalt  }
0x7b: {  	_ =	shalt  }
0x7c: {  	_ =	shalt  }
0x7d: {  	_ =	shalt  }
0x7e: {  	_ =	shalt  }
0x7f: {  	_ =	shalt  }
0x80: {  	_ =	shalt  }
0x81: {  	_ =	shalt  }
0x82: {  	_ =	shalt  }
0x83: {  	_ =	shalt  }
0x84: {  	_ =	shalt  }
0x85: {  	_ =	shalt  }
0x86: {  	_ =	shalt  }
0x87: {  	_ =	shalt  }
.Lfunc_end0:
.L_simem_size_0:
called_computation.7_lowered:
.L_overlay_start_0:
0x88: {  	s2 =	sld [smem:$0x3FD9]  }
0x89: {  	s3 =	sld [smem:$0x3FFE];
	_ =	sdelay $0x1  }
0x8a: {  	s1 =	srdreg.scid  }
0x8b: {  	s0 =	sand.u32 $0x1, s1  }
0x8c: {  	s14 =	sshll.u32 s0, $0xA;
	s2 =	sadd.s32 s3, s2  }
0x8d: {  	s2 =	sadd.s32 s2, s14  }
0x8e: {  	[smem:$0x3FBB] =	sst s2  }
0x8f: {  	_ = 	snop  }
0x90: {  	s2 =	sld [smem:$0x3FD0];
	_ =	sdelay $0x2  }
0x91: {  	s15 =	simm.s32 $0xA;
	s4 =	simm.s32 $0x10  }
0x92: {  	[smem:s4], [sflag:s15] =	dma.local [hbm:s2], $0x1  }
0x93: {  	_ =	swait.eq [sflag:s15], $0x1  }
0x94: {  	[sflag:s15] =	ssyncset.done $0x0  }
0x95: {  	s16 =	sld [smem:$0x10];
	[sflag:s15] =	ssyncadd.s32 $0xFFFFFFFF  }
0x96: {  	s17 =	sld [smem:$0x11];
	(tm) =	ssettm $0x1  }
0x97: {  	s18 =	sld [smem:$0x3FFB];
	_ =	sdelay $0x3  }
0x98: {  	_ =	strace s18  }
0x99: {  	s4 =	sld [smem:$0x3FFC];
	_ =	sdelay $0x3  }
0x9a: {  	_ =	strace s4  }
0x9b: {  	s4 =	sld [smem:$0x3FFD];
	_ =	sdelay $0x3  }
0x9c: {  	_ =	strace s4  }
0x9d: {  	_ =	strace $0x8FFFFFFF  }
0x9e: {  	s19 =	sld [smem:$0x3FDB];
	_ =	sdelay $0x1  }
0x9f: {  	s5 =	simm.s32 $_scs_section_size  }
0xa0: {  	s6 =	simm.s32 $_size__tile_overlayer_lowered;
	s7 =	simm.s32 $_tile_overlayer_lowered  }
0xa1: {  	s22 =	simm.s32 $0x1BFF;
	s21 =	sshll.u32 s7, $0x1;
	s4 =	sadd.s32 s5, s19  }
0xa2: {  	s8 =	simm.s32 $0x0;
	s20 =	sshll.u32 s6, $0x1;
	s6 =	sadd.s32 s21, s4  }
0xa3: {  	[timem:s8], [sflag:s22] =	dma.local [hbm:s6], s20  }
0xa4: {  	_ =	swait.ge [sflag:s22], s20  }
0xa5: {  	s5 =	ssub.s32 $0x0, s20;
	[sflag:s22] =	ssyncset.done $0x0  }
0xa6: {  	[sflag:s22] =	ssyncadd.s32 s5;
	_ =	sdelay $0x1  }
0xa7: {  	s23 =	simm.s32 $0x1B8B  }
0xa8: {  	_ =	swait.ge [sflag:s23], $0x1  }
0xa9: {  	[sflag:s23] =	ssyncset.done $0x0  }
0xaa: {  	s25 =	simm.s32 $0x1B8E;
	s24 =	sld [smem:$0x3FFE];
	[sflag:s23] =	ssyncadd.s32 $0xFFFFFFFF  }
0xab: {  	s26 =	simm.s32 $execute0_lowered;
	[smem:$0x3FD2] =	sst s25  }
0xac: {  	s6 =	sshll.u32 s26, $0x1;
	_ =	strace $0x80000061;
	[dreg:$0x1] =	wrdreg $0xFFFFFFFF  }
0xad: {  	s28 =	simm.s32 $_size_execute0_lowered;
	s4 =	sadd.s32 s4, s6;
	[dreg:$0x0] =	wrdreg $0x0  }
0xae: {  	s6 =	sshll.u32 s28, $0x1;
	[dreg:$0x2] =	wrdreg s4  }
0xaf: {  	[dreg:$0x3] =	wrdreg s6  }
0xb0: {  	[dreg:$0x4] =	wrdreg $0xC0  }
0xb1: {  	_ =	task [dreg:s8], $0x5FFFF  }
0xb2: {  	[dreg:$0x1] =	wrdreg $0xFFFFFFFF  }
0xb3: {  	[dreg:$0x0] =	wrdreg $0x60  }
0xb4: {  	[dreg:$0x2] =	wrdreg s24  }
0xb5: {  	[dreg:$0x3] =	wrdreg s16  }
0xb6: {  	[dreg:$0x4] =	wrdreg s17  }
0xb7: {  	[dreg:$0x5] =	wrdreg $0x9  }
0xb8: {  	_ =	task.clear_ibuf [dreg:s8], $0x6FFFF;
	_ =	strace $0x90000061  }
0xb9: {  	s29 =	simm.s32 $0x9;
	_ =	strace $0x80000063  }
0xba: {  	_ =	swait.ge [sflag:s29], $0x1  }
0xbb: {  	[sflag:s29] =	ssyncadd.s32 $0xFFFFFFFF  }
0xbc: {  	_ =	strace $0x90000063  }
0xbd: {  	_ =	sfence  }
0xbe: {  	s30 =	sld [smem:$0x0];
	_ =	sdelay $0x2  }
0xbf: {  	s31 =	sshll.u32 s1, $0xD;
	s1 =	sshrl.u32 s1, $0x2  }
0xc0: {  	s3 =	sand.u32 $0x4000, s31;
	s1 =	sadd.s32 s1, s30  }
0xc1: {  	s0 =	sor.u32 s3, s0;
	s1 =	sshll.u32 s1, $0x11  }
0xc2: {  	s0 =	sor.u32 s1, s0  }
0xc3: {  	s0 =	sadd.s32 $0x8F2B, s0  }
0xc4: {  	[sflag:s0] =	ssyncadd.remote.s32 $0x1  }
0xc5: {  	_ =	sfence.sel $0xFFFF  }
0xc6: {  	[dreg:$0x0] =	wrdreg $0xFFFFFFFF;
	(pc) =	sbr.abs _section_cstart, $3  }
0xc7: {  	[dreg:$0x1] =	wrdreg $0xFFFFFFFF  }
0xc8: {  	_ =	task.clear_ibuf [dreg:s8], $0x2FFFF;
	_ =	strace $0x9FFFFFFF  }
0xc9: {  	(tm) =	ssettm $0x7FFFFFFF  }
tec
execute0_lowered:
.L_overlay_start_1:
0x0: {  	(tag) =	ssettag $0x1  }
0x1: {  	s0 =	stileid.u32;
	s1 =	srdreg.scid  }
0x2: {  	s1 =	sand.u32 $0x1, s1;
	s2 =	sshll.u32 s0, $0x1  }
0x3: {  	s1 =	sor.u32 s2, s1  }
0x4: {  	s2 =	smul.u32 $0x7F80, s1;
	_ =	sdelay $0x1  }
0x5: {  	s8 =	rddreg [dreg:$0x0];
	s6 =	ssub.s32 $0x1FE000, s2  }
0x6: {  	s3 =	rddreg [dreg:$0x1];
	s31 =	smulhi.u32 $0x202021, s6  }
0x7: {  	s4 =	rddreg [dreg:$0x2]  }
0x8: {  	s5 =	simm.s32 $0x1;
	s10 =	simm.s32 $0x3;
	s7 =	sshrl.u32 s31, $0x9  }
0x9: {  	s13 =	simm.s32 $0x0;
	s12 =	simm.s32 $0x0;
	s9 =	smul.u32 $0xFF000, s7  }
.Ltmp0:
0xa: {  	s8 =	sadd.s32 $0xEED000, s8;
	s1 =	rddreg [dreg:$0x3];
	(pc) =	sbr.rel .LBB2_1-.Ltmp0, $4  }
0xb: {  	_ =	strace $0x80000062;
	p0 =	sne.s32 s6, s9;
	s9 =	simm.s32 $0x1  }
0xc: {  	[sflag:s5] =	ssyncpa.u1 $0x0;
	s6 =	simm.s32 $0x2;
	s9 =	simm.s32 @!p0 $0x0  }
0xd: {  	s11 =	smov.u32 s2;
	[sflag:s6] =	ssyncpa.u1 $0x0;
	s7 =	sadd.s32 s9, s7  }
0xe: {  	vm0 =	vmmov $0xffff;
	[sflag:s10] =	ssyncpa.u1 $0x0;
	s10 =	simm.s32 $0x0;
	s9 =	sadd.s32 $0x1, s7  }
.LBB2_4:
0xf: {  	v3 =	vmul.u32 $0x1B8000, v3;
	v4 =	vsel vm1, $0xFFFFFFFF, v4;
	v5 =	vsel vm1, $0xFFFFFFFF, v5  }
0x10: {  	v2 =	vmul.u32 $0x16000, v2;
	v6 =	vshll.u32 v4, $0xA;
	v62 =	vand.u32 $0x7F, v5  }
0x11: {  	v5 =	vshll.u32 v5, $0x3;
	v4 =	vshll.u32 v4, $0x7;
	v6 =	vand.u32 $0xFFFFE000, v6  }
0x12: {  	v1 =	vadd.s32 v1, v3;
	v5 =	vand.u32 $0xFFFFFC00, v5;
	v3 =	vor.u32 v62, v6  }
0x13: {  	v63 =	vand.u32 $0x380, v4;
	v1 =	vadd.s32 v2, v1;
	v3 =	vadd.s32 v5, v3  }
0x14: {  	v1 =	vsel vm1, $0xFF90A000, v1;
	v2 =	vor.u32 v63, v3  }
0x15: {  	v1 =	vadd.s32 v1, v2;
	_ =	sdelay $0x1  }
0x16: {  	(ifvalue) =	ssetifvalue $0x7FFFFFFF;
	s15 =	sadd.s32 $0x10, s15  }
0x17: {  	[tilespmem:s15], [sflag:$0x1] =	stream.indirect_vreg.gather [hbm4b:s8+s10], $0x1, v0, vm0, $0x4038;
	[tilespmem:$0x1FE00] =	vst v63  }
0x18: {  	(ifvalue) =	ssetifvalue $0x7FFFFFFF;
	s15 =	sadd.s32 $0x10, s15  }
0x19: {  	[tilespmem:s15], [sflag:$0x1] =	stream.indirect_vreg.gather [hbm4b:s8+s10], $0x1, v1, vm0, $0x4038;
	[tilespmem:$0x1FE00] =	vst v63  }
0x1a: {  	_ =	swait.ge [sflag:s5], $0x7F80  }
0x1b: {  	s30 =	sshrl.u32 s13, $0x3;
	[sflag:s5] =	ssyncset.done $0x0  }
0x1c: {  	s31 =	sand.u32 $0x7, s13;
	s15 =	sadd.s32 s4, s30;
	[sflag:s5] =	ssyncadd.s32 $0xFFFF8080  }
0x1d: {  	[hbm4b:s15+s31] =	stream.linear.scatter [tilespmem:s14], [sflag:$0x3], $0x7F80, $0x38;
	[tilespmem:$0x1FE00] =	vst v63  }
.LBB2_5:
0x1e: {  	s15 =	sadd.s32 $0xFF000, s11  }
0x1f: {  	p1 =	sgt.s32 s15, $0x1FDFFF  }
0x20: {  	s15 =	smov.u32 @p1 s2;
	p1 =	sne.s32 s12, s9  }
.Ltmp1:
0x21: {  	p0 =	slt.u32 s12, $0x2;
	(pc) =	sbr.rel @!p1 .LBB2_6-.Ltmp1, $4  }
0x22: {  	s14 =	simm.s32 @!p0 $0x3  }
0x23: {  	_ =	swait.ge @!p0 [sflag:s14], $0x7F80  }
0x24: {  	s16 =	sadd.s32 $0x1, s12;
	s13 =	smov.u32 s11;
	[sflag:s14] =	ssyncset.done @!p0 $0x0  }
0x25: {  	s12 =	smov.u32 s16;
	s11 =	smov.u32 s15;
	[sflag:s14] =	ssyncadd.s32 @!p0 $0xFFFF8080  }
.LBB2_1:
0x26: {  	p0 =	sge.u32 s12, s7  }
0x27: {  	s14 =	sxor.u32 @!p0 $0xFFFFFFFF, s12  }
0x28: {  	s14 =	sand.u32 @!p0 $0x1, s14  }
0x29: {  	s14 =	smul.u32 @!p0 $0x1FE00, s14  }
0x2a: {  	s31 =	sadd.s32 $0xFFFFFFFF, s12;
	s15 =	sshrl.u32 @!p0 s11, $0x3  }
0x2b: {  	s16 =	sand.u32 @!p0 $0x7, s11;
	s15 =	sadd.s32 @!p0 s3, s15;
	s14 =	sshrl.u32 @!p0 s14, $0x2  }
0x2c: {  	[tilespmem:s14], [sflag:$0x2] =	stream.linear.gather @!p0 [hbm4b:s15+s16], $0x7F80, $0x38;
	[tilespmem:$0x1FE00] =	vst v63  }
0x2d: {  	p0 =	sge.u32 s31, s7  }
.Ltmp2:
0x2e: {  	_ = 	snop;
	(pc) =	sbr.rel @p0 .LBB2_5-.Ltmp2, $1  }
0x2f: {  	_ =	sdelay $0x3  }
0x30: {  	s14 =	sand.u32 $0x1, s12  }
0x31: {  	_ =	swait.ge [sflag:s6], $0x7F80;
	p0 =	seq.s32 s14, $0x1;
	s14 =	simm.s32 $0x7F80  }
0x32: {  	[sflag:s6] =	ssyncset.done $0x0;
	s14 =	simm.s32 @!p0 $0x0  }
0x33: {  	[sflag:s6] =	ssyncadd.s32 $0xFFFF8080;
	(ifvalue) =	ssetifvalue $0x7FFFFFFF;
	v0 =	vld.msk [tilespmem:s14+$0x0 ss:$0x1], $0xffff;
	_ =	sdelay $0x4  }
0x34: {  	v1 =	vand.u32 $0x7, v0  }
0x35: {  	v2 =	vshrl.u32 v0, $0x16;
	vm1 =	veq.s32 v0, $0x80000000;
	v3 =	vshrl.u32 v0, $0xA  }
0x36: {  	v4 =	vshrl.u32 v0, $0xC;
	v0 =	vshrl.u32 v0, $0x3;
	v2 =	vand.u32 $0x1F, v2  }
0x37: {  	s15 =	sadd.s32 $0x10, s14;
	v1 =	vmul.u32 $0x528000, v1;
	v0 =	vand.u32 $0x7F, v0;
	v4 =	vand.u32 $0x3FF, v4  }
0x38: {  	v5 =	vld.msk [tilespmem:s15+$0x0 ss:$0x1], $0xffff;
	v3 =	vand.u32 $0x3, v3;
	v0 =	vsel vm1, $0xFFFFFFFF, v0;
	v4 =	vsel vm1, $0xFFFFFFFF, v4  }
0x39: {  	v2 =	vmul.u32 $0x16000, v2;
	v3 =	vmul.u32 $0x1B8000, v3;
	v6 =	vshll.u32 v0, $0xA  }
0x3a: {  	v0 =	vshll.u32 v0, $0x7;
	v7 =	vand.u32 $0x7F, v4;
	v4 =	vshll.u32 v4, $0x3  }
0x3b: {  	v6 =	vand.u32 $0xFFFFE000, v6;
	v1 =	vadd.s32 v1, v3;
	v3 =	vand.u32 $0xFFFFFC00, v4  }
0x3c: {  	v0 =	vand.u32 $0x380, v0;
	v4 =	vor.u32 v7, v6;
	v1 =	vadd.s32 v2, v1  }
0x3d: {  	v2 =	vadd.s32 v3, v4;
	v1 =	vsel vm1, $0xFF90A000, v1;
	v3 =	vshrl.u32 v5, $0x16  }
0x3e: {  	vm1 =	veq.s32 v5, $0x80000000;
	v4 =	vshrl.u32 v5, $0xC;
	v0 =	vor.u32 v0, v2  }
0x3f: {  	v2 =	vand.u32 $0x7, v5;
	v1 =	vadd.s32 v1, v0;
	v0 =	vshrl.u32 v5, $0xA  }
0x40: {  	v4 =	vand.u32 $0x3FF, v4;
	v5 =	vshrl.u32 v5, $0x3;
	v0 =	vand.u32 $0x3, v0  }
0x41: {  	v2 =	vmul.u32 $0x528000, v2;
	v5 =	vand.u32 $0x7F, v5;
	v0 =	vmul.u32 $0x1B8000, v0  }
0x42: {  	s15 =	sadd.s32 $0x10, s15;
	v3 =	vand.u32 $0x1F, v3;
	v4 =	vsel vm1, $0xFFFFFFFF, v4;
	v5 =	vsel vm1, $0xFFFFFFFF, v5  }
0x43: {  	v6 =	vld.msk [tilespmem:s15+$0x0 ss:$0x1], $0xffff;
	v3 =	vmul.u32 $0x16000, v3;
	v7 =	vshll.u32 v5, $0xA;
	v0 =	vadd.s32 v2, v0  }
0x44: {  	v2 =	vand.u32 $0x7F, v4;
	v7 =	vand.u32 $0xFFFFE000, v7;
	v4 =	vshll.u32 v4, $0x3  }
0x45: {  	v5 =	vshll.u32 v5, $0x7;
	v4 =	vand.u32 $0xFFFFFC00, v4;
	v2 =	vor.u32 v2, v7  }
0x46: {  	v0 =	vadd.s32 v3, v0;
	v3 =	vand.u32 $0x380, v5;
	v2 =	vadd.s32 v4, v2  }
0x47: {  	v0 =	vsel vm1, $0xFF90A000, v0;
	v2 =	vor.u32 v3, v2  }
0x48: {  	v5 =	vshrl.u32 v6, $0xA;
	v7 =	vshrl.u32 v6, $0xC;
	v0 =	vadd.s32 v0, v2  }
0x49: {  	s14 =	sadd.s32 $0xFF00, s14;
	(ifvalue) =	ssetifvalue $0x7FFFFFFF;
	v4 =	vshrl.u32 v6, $0x16;
	vm1 =	veq.s32 v6, $0x80000000;
	v3 =	vand.u32 $0x7, v6  }
0x4a: {  	[tilespmem:s14], [sflag:$0x1] =	stream.indirect_vreg.gather [hbm4b:s8+s10], $0x1, v1, vm0, $0x4038;
	v6 =	vshrl.u32 v6, $0x3;
	v2 =	vand.u32 $0x1F, v4;
	v1 =	vmul.u32 $0x528000, v3;
	[tilespmem:$0x1FE00] =	vst v63  }
0x4b: {  	s16 =	simm.s32 $0x20;
	s17 =	sadd.s32 $0x10, s15;
	s15 =	smov.u32 s14;
	v4 =	vand.u32 $0x7F, v6;
	v3 =	vand.u32 $0x3, v5;
	v5 =	vand.u32 $0x3FF, v7  }
.LBB2_3:
0x4c: {  	v6 =	vld.msk [tilespmem:s17+$0x0 ss:$0x1], $0xffff;
	v4 =	vsel vm1, $0xFFFFFFFF, v4;
	v5 =	vsel vm1, $0xFFFFFFFF, v5;
	v2 =	vmul.u32 $0x16000, v2;
	(ifvalue) =	ssetifvalue $0x7FFFFFFF;
	s15 =	sadd.s32 $0x10, s15  }
0x4d: {  	v3 =	vmul.u32 $0x1B8000, v3;
	v7 =	vshll.u32 v4, $0xA;
	v4 =	vshll.u32 v4, $0x7;
	[tilespmem:s15], [sflag:$0x1] =	stream.indirect_vreg.gather [hbm4b:s8+s10], $0x1, v0, vm0, $0x4038;
	[tilespmem:$0x1FE00] =	vst v63  }
0x4e: {  	s16 =	sadd.s32 $0x10, s16;
	v0 =	vand.u32 $0x7F, v5;
	v5 =	vshll.u32 v5, $0x3;
	v7 =	vand.u32 $0xFFFFE000, v7  }
0x4f: {  	p0 =	slt.u32 s16, $0x7F70;
	v1 =	vadd.s32 v1, v3;
	v3 =	vand.u32 $0xFFFFFC00, v5;
	v0 =	vor.u32 v0, v7  }
0x50: {  	v1 =	vadd.s32 v2, v1;
	v2 =	vand.u32 $0x380, v4;
	v0 =	vadd.s32 v3, v0  }
.Ltmp3:
0x51: {  	v1 =	vsel vm1, $0xFF90A000, v1;
	v0 =	vor.u32 v2, v0;
	(pc) =	sbr.rel @p0 .LBB2_3-.Ltmp3, $4  }
0x52: {  	v3 =	vand.u32 $0x7, v6;
	v2 =	vshrl.u32 v6, $0x16;
	v0 =	vadd.s32 v1, v0  }
0x53: {  	vm1 =	veq.s32 v6, $0x80000000;
	v5 =	vshrl.u32 v6, $0xA;
	v7 =	vshrl.u32 v6, $0xC  }
0x54: {  	v4 =	vshrl.u32 v6, $0x3;
	v2 =	vand.u32 $0x1F, v2;
	v1 =	vmul.u32 $0x528000, v3  }
0x55: {  	s17 =	sadd.s32 $0x10, s17;
	v4 =	vand.u32 $0x7F, v4;
	v3 =	vand.u32 $0x3, v5;
	v5 =	vand.u32 $0x3FF, v7  }
.Ltmp4:
0x56: {  	_ = 	snop;
	(pc) =	sbr.rel .LBB2_4-.Ltmp4, $1  }
0x57: {  	_ =	sdelay $0x3  }
.LBB2_6:
0x58: {  	_ =	sfence.sel $0x180000  }
0x59: {  	s2 =	simm.s32 $0x2;
	[bflag:$0x0] =	sbarrier.arrive $0xFFFF  }
0x5a: {  	s30 =	simm.s32 $0x3;
	[sflag:s2] =	ssyncpa.u1 $0x1  }
0x5b: {  	s31 =	simm.s32 $0x1;
	[sflag:s30] =	ssyncpa.u1 $0x1  }
0x5c: {  	[sflag:s31] =	ssyncpa.u1 $0x1  }
0x5d: {  	p0 =	sne.s32 s0, $0x0;
	_ =	strace $0x90000062  }
0x5e: {  	s0 =	sadd.s32 @!p0 $0x100000, s1;
	[bflag:$0x2] =	sbarrier.arrive $0xFFFF  }
0x5f: {  	[sflag:s0] =	ssyncadd.tile.s32 @!p0 $0x1;
	_ =	shalt  }
.Lfunc_end2:
_tile_overlayer_lowered:
.L_overlay_start_2:
0x60: {  	(tag) =	ssettag $0x2  }
0x61: {  	s0 =	rddreg [dreg:$0x0];
	s2 =	stileid.u32  }
0x62: {  	s1 =	rddreg [dreg:$0x1];
	p0 =	sne.s32 s2, $0x0  }
0x63: {  	s3 =	rddreg [dreg:$0x2];
	[bflag:$0x3] =	sbarrier.arrive $0xFFFF;
	s2 =	simm.s32 @!p0 $0x1C01  }
0x64: {  	[timem:s3], [sflag:s2] =	dma.local @!p0 [hbm:s0], s1  }
0x65: {  	s0 =	simm.s32 @!p0 $0x1  }
0x66: {  	_ =	swait.ge @!p0 [sflag:s0], s1  }
0x67: {  	s1 =	ssub.s32 @!p0 $0x0, s1;
	[sflag:s0] =	ssyncset.done @!p0 $0x0  }
0x68: {  	[sflag:s0] =	ssyncadd.s32 @!p0 s1  }
0x69: {  	[bflag:$0x3] =	sbarrier.arrive $0xFFFF  }
0x6a: {  	_ =	shalt  }

// kernel: gather_offload_async_start.2
scs
__scs_entry_jumppad:
0x0: {  	(pc) =	sbr.rel $0x88, $3  }
0x1: {  	(tag) =	ssettag $0x0;
	lr =	simm.s32 $0x1  }
0x2: {  	[smem:$0x3F94] =	sst lr;
	_ =	strace $0xD0000000  }
0x3: {  	_ = 	snop  }
0x4: {  	_ = 	snop  }
0x5: {  	_ = 	snop  }
0x6: {  	_ = 	snop  }
0x7: {  	_ = 	snop  }
__scs_overlays_trampoline_lowered:
0x8: {  	[smem:$0x3FA3] =	sst s0  }
0x9: {  	[smem:$0x3FA4] =	sst s1  }
0xa: {  	[smem:$0x3FA5] =	sst s2  }
0xb: {  	[smem:$0x3FA6] =	sst s3  }
0xc: {  	[smem:$0x3FA7] =	sst s4  }
0xd: {  	[smem:$0x3FA8] =	sst s5  }
0xe: {  	[smem:$0x3FA9] =	sst s6  }
0xf: {  	[smem:$0x3FAA] =	sst s7  }
0x10: {  	[smem:$0x3FAB] =	sst s8  }
0x11: {  	[smem:$0x3FAC] =	sst s9;
	s0 =	simm.s32 @!p0 $0x0  }
0x12: {  	s1 =	sld [smem:$0x3F92];
	s0 =	simm.s32 @p0 $0x1  }
0x13: {  	[smem:$0x3FAD] =	sst s0;
	s0 =	simm.s32 @!p1 $0x0  }
0x14: {  	s2 =	sld [smem:$0x3F91];
	s0 =	simm.s32 @p1 $0x1  }
0x15: {  	[smem:$0x3FAE] =	sst s0;
	s0 =	simm.s32 @!p2 $0x0  }
0x16: {  	s3 =	sld [smem:$0x3FDB];
	s0 =	simm.s32 @p2 $0x1  }
0x17: {  	s4 =	simm.s32 $0x1BF5;
	[smem:$0x3FB0] =	sst s0  }
0x18: {  	s0 =	sld [smem:$0x3F93];
	_ =	swait.ge [sflag:s4], $0x0  }
0x19: {  	s7 =	sld [smem:$0x3F94]  }
0x1a: {  	s8 =	sadd.s32 $0xFFFFE003, lr  }
0x1b: {  	s9 =	sadd.s32 $0xFFFFFEF7, lr;
	s5 =	simm.s32 $0xFFFFFFFF;
	p2 =	slt.u32 s8, $0xFFFFF086  }
0x1c: {  	p1 =	slt.u32 s9, $0xF7A;
	s5 =	simm.s32 @!p2 $0x0  }
0x1d: {  	s5 =	simm.s32 @p1 $0x1;
	p0 =	seq.s32 s7, s2  }
0x1e: {  	s7 =	smul.u32 @!p0 $0xF7A, s2;
	p2 =	seq.s32 @!p0 s5, $0x0  }
0x1f: {  	s9 =	smul.u32 $0xF7A, s1;
	s8 =	simm.s32 @!p0 $0x1BF5;
	p2 =	por !p2, p0  }
0x20: {  	[sflag:s8] =	ssyncset.s32 @!p0 $0xFFFFF086;
	s6 =	sadd.s32 @!p0 s3, s7;
	s7 =	simm.s32 @!p0 $0x108  }
0x21: {  	s3 =	sadd.s32 s3, s9;
	s6 =	sadd.s32 @!p0 $0x88, s6;
	s7 =	simm.s32 @p2 $0x1082  }
0x22: {  	[simem:s7], [sflag:s8] =	dma.local @!p0 [hbm:s6], $0xF7A  }
0x23: {  	s9 =	sor.u32 $0xD0000000, s2;
	s6 =	simm.s32 $0x108;
	_ =	swait.ge @!p0 [sflag:s8], $0x0  }
0x24: {  	s3 =	sadd.s32 $0x88, s3;
	s6 =	simm.s32 @!p1 $0x1082;
	[sflag:s4] =	ssyncset.s32 $0xFFFFF086  }
0x25: {  	[simem:s6], [sflag:s4] =	dma.local [hbm:s3], $0xF7A  }
0x26: {  	[smem:$0x3F94] =	sst s1;
	(tag) =	ssettag s2;
	_ =	strace s9  }
0x27: {  	s1 =	sld [smem:$0x3FA4]  }
0x28: {  	s2 =	sld [smem:$0x3FA5]  }
0x29: {  	s4 =	sld [smem:$0x3FA7]  }
0x2a: {  	p0 =	seq.s32 s5, $0x0;
	s5 =	sld [smem:$0x3FA8]  }
0x2b: {  	s6 =	sld [smem:$0x3FA9]  }
0x2c: {  	s7 =	sld [smem:$0x3FAA]  }
0x2d: {  	s3 =	simm.s32 $0x108;
	s8 =	sld [smem:$0x3FAB]  }
0x2e: {  	s3 =	simm.s32 @!p0 $0x1082;
	s9 =	sld [smem:$0x3FAC]  }
0x2f: {  	lr =	sadd.s32 s0, s3;
	s0 =	sld [smem:$0x3FA3]  }
0x30: {  	s3 =	sld [smem:$0x3FA6]  }
0x31: {  	[smem:$0x3FAF] =	sst s10  }
0x32: {  	s10 =	sld [smem:$0x3FAD];
	_ =	sdelay $0x3  }
0x33: {  	p0 =	seq.s32 s10, $0x1;
	s10 =	sld [smem:$0x3FAF];
	_ =	sdelay $0x3  }
0x34: {  	[smem:$0x3FAF] =	sst s10  }
0x35: {  	s10 =	sld [smem:$0x3FAE];
	_ =	sdelay $0x3  }
0x36: {  	p1 =	seq.s32 s10, $0x1;
	s10 =	sld [smem:$0x3FAF];
	_ =	sdelay $0x3  }
0x37: {  	[smem:$0x3FAF] =	sst s10  }
0x38: {  	s10 =	sld [smem:$0x3FB0]  }
0x39: {  	_ = 	snop;
	(pc) =	sbr.ind lr, $3  }
0x3a: {  	_ = 	snop  }
0x3b: {  	_ = 	snop  }
0x3c: {  	p2 =	seq.s32 s10, $0x1;
	s10 =	sld [smem:$0x3FAF]  }
0x3d: {  	_ =	shalt  }
0x3e: {  	_ =	shalt  }
0x3f: {  	_ =	shalt  }
0x40: {  	_ =	shalt  }
0x41: {  	_ =	shalt  }
0x42: {  	_ =	shalt  }
0x43: {  	_ =	shalt  }
0x44: {  	_ =	shalt  }
0x45: {  	_ =	shalt  }
0x46: {  	_ =	shalt  }
0x47: {  	_ =	shalt  }
0x48: {  	_ =	shalt  }
0x49: {  	_ =	shalt  }
0x4a: {  	_ =	shalt  }
0x4b: {  	_ =	shalt  }
0x4c: {  	_ =	shalt  }
0x4d: {  	_ =	shalt  }
0x4e: {  	_ =	shalt  }
0x4f: {  	_ =	shalt  }
0x50: {  	_ =	shalt  }
0x51: {  	_ =	shalt  }
0x52: {  	_ =	shalt  }
0x53: {  	_ =	shalt  }
0x54: {  	_ =	shalt  }
0x55: {  	_ =	shalt  }
0x56: {  	_ =	shalt  }
0x57: {  	_ =	shalt  }
0x58: {  	_ =	shalt  }
0x59: {  	_ =	shalt  }
0x5a: {  	_ =	shalt  }
0x5b: {  	_ =	shalt  }
0x5c: {  	_ =	shalt  }
0x5d: {  	_ =	shalt  }
0x5e: {  	_ =	shalt  }
0x5f: {  	_ =	shalt  }
0x60: {  	_ =	shalt  }
0x61: {  	_ =	shalt  }
0x62: {  	_ =	shalt  }
0x63: {  	_ =	shalt  }
0x64: {  	_ =	shalt  }
0x65: {  	_ =	shalt  }
0x66: {  	_ =	shalt  }
0x67: {  	_ =	shalt  }
0x68: {  	_ =	shalt  }
0x69: {  	_ =	shalt  }
0x6a: {  	_ =	shalt  }
0x6b: {  	_ =	shalt  }
0x6c: {  	_ =	shalt  }
0x6d: {  	_ =	shalt  }
0x6e: {  	_ =	shalt  }
0x6f: {  	_ =	shalt  }
0x70: {  	_ =	shalt  }
0x71: {  	_ =	shalt  }
0x72: {  	_ =	shalt  }
0x73: {  	_ =	shalt  }
0x74: {  	_ =	shalt  }
0x75: {  	_ =	shalt  }
0x76: {  	_ =	shalt  }
0x77: {  	_ =	shalt  }
0x78: {  	_ =	shalt  }
0x79: {  	_ =	shalt  }
0x7a: {  	_ =	shalt  }
0x7b: {  	_ =	shalt  }
0x7c: {  	_ =	shalt  }
0x7d: {  	_ =	shalt  }
0x7e: {  	_ =	shalt  }
0x7f: {  	_ =	shalt  }
0x80: {  	_ =	shalt  }
0x81: {  	_ =	shalt  }
0x82: {  	_ =	shalt  }
0x83: {  	_ =	shalt  }
0x84: {  	_ =	shalt  }
0x85: {  	_ =	shalt  }
0x86: {  	_ =	shalt  }
0x87: {  	_ =	shalt  }
.Lfunc_end0:
.L_simem_size_0:
called_computation.8_lowered:
.L_overlay_start_0:
0x88: {  	s2 =	sld [smem:$0x3FD9]  }
0x89: {  	s3 =	sld [smem:$0x3FFE];
	_ =	sdelay $0x1  }
0x8a: {  	s1 =	srdreg.scid  }
0x8b: {  	s0 =	sand.u32 $0x1, s1  }
0x8c: {  	s14 =	sshll.u32 s0, $0xA;
	s2 =	sadd.s32 s3, s2  }
0x8d: {  	s2 =	sadd.s32 s2, s14  }
0x8e: {  	[smem:$0x3FBB] =	sst s2  }
0x8f: {  	_ = 	snop  }
0x90: {  	s2 =	sld [smem:$0x3FD0];
	_ =	sdelay $0x2  }
0x91: {  	s15 =	simm.s32 $0xA;
	s4 =	simm.s32 $0x10  }
0x92: {  	[smem:s4], [sflag:s15] =	dma.local [hbm:s2], $0x1  }
0x93: {  	_ =	swait.eq [sflag:s15], $0x1  }
0x94: {  	[sflag:s15] =	ssyncset.done $0x0  }
0x95: {  	s16 =	sld [smem:$0x10];
	[sflag:s15] =	ssyncadd.s32 $0xFFFFFFFF  }
0x96: {  	s17 =	sld [smem:$0x11];
	(tm) =	ssettm $0x1  }
0x97: {  	s18 =	sld [smem:$0x3FFB];
	_ =	sdelay $0x3  }
0x98: {  	_ =	strace s18  }
0x99: {  	s4 =	sld [smem:$0x3FFC];
	_ =	sdelay $0x3  }
0x9a: {  	_ =	strace s4  }
0x9b: {  	s4 =	sld [smem:$0x3FFD];
	_ =	sdelay $0x3  }
0x9c: {  	_ =	strace s4  }
0x9d: {  	_ =	strace $0x8FFFFFFF  }
0x9e: {  	s19 =	sld [smem:$0x3FDB];
	_ =	sdelay $0x1  }
0x9f: {  	s5 =	simm.s32 $_scs_section_size  }
0xa0: {  	s6 =	simm.s32 $_size__tile_overlayer_lowered;
	s7 =	simm.s32 $_tile_overlayer_lowered  }
0xa1: {  	s22 =	simm.s32 $0x1BFF;
	s21 =	sshll.u32 s7, $0x1;
	s4 =	sadd.s32 s5, s19  }
0xa2: {  	s8 =	simm.s32 $0x0;
	s20 =	sshll.u32 s6, $0x1;
	s6 =	sadd.s32 s21, s4  }
0xa3: {  	[timem:s8], [sflag:s22] =	dma.local [hbm:s6], s20  }
0xa4: {  	_ =	swait.ge [sflag:s22], s20  }
0xa5: {  	s5 =	ssub.s32 $0x0, s20;
	[sflag:s22] =	ssyncset.done $0x0  }
0xa6: {  	[sflag:s22] =	ssyncadd.s32 s5;
	_ =	sdelay $0x1  }
0xa7: {  	s23 =	simm.s32 $0x1B8B  }
0xa8: {  	_ =	swait.ge [sflag:s23], $0x1  }
0xa9: {  	[sflag:s23] =	ssyncset.done $0x0  }
0xaa: {  	s25 =	simm.s32 $0x1B8E;
	s24 =	sld [smem:$0x3FFE];
	[sflag:s23] =	ssyncadd.s32 $0xFFFFFFFF  }
0xab: {  	s26 =	simm.s32 $execute0_lowered;
	[smem:$0x3FD2] =	sst s25  }
0xac: {  	s6 =	sshll.u32 s26, $0x1;
	_ =	strace $0x80000046;
	[dreg:$0x1] =	wrdreg $0xFFFFFFFF  }
0xad: {  	s28 =	simm.s32 $_size_execute0_lowered;
	s4 =	sadd.s32 s4, s6;
	[dreg:$0x0] =	wrdreg $0x0  }
0xae: {  	s6 =	sshll.u32 s28, $0x1;
	[dreg:$0x2] =	wrdreg s4  }
0xaf: {  	[dreg:$0x3] =	wrdreg s6  }
0xb0: {  	[dreg:$0x4] =	wrdreg $0xC0  }
0xb1: {  	_ =	task [dreg:s8], $0x5FFFF  }
0xb2: {  	[dreg:$0x1] =	wrdreg $0xFFFFFFFF  }
0xb3: {  	[dreg:$0x0] =	wrdreg $0x60  }
0xb4: {  	[dreg:$0x2] =	wrdreg s24  }
0xb5: {  	[dreg:$0x3] =	wrdreg s16  }
0xb6: {  	[dreg:$0x4] =	wrdreg s17  }
0xb7: {  	[dreg:$0x5] =	wrdreg $0x9  }
0xb8: {  	_ =	task.clear_ibuf [dreg:s8], $0x6FFFF;
	_ =	strace $0x90000046  }
0xb9: {  	s29 =	simm.s32 $0x9;
	_ =	strace $0x80000048  }
0xba: {  	_ =	swait.ge [sflag:s29], $0x1  }
0xbb: {  	[sflag:s29] =	ssyncadd.s32 $0xFFFFFFFF  }
0xbc: {  	_ =	strace $0x90000048  }
0xbd: {  	_ =	sfence  }
0xbe: {  	s30 =	sld [smem:$0x0];
	_ =	sdelay $0x2  }
0xbf: {  	s31 =	sshll.u32 s1, $0xD;
	s1 =	sshrl.u32 s1, $0x2  }
0xc0: {  	s3 =	sand.u32 $0x4000, s31;
	s1 =	sadd.s32 s1, s30  }
0xc1: {  	s0 =	sor.u32 s3, s0;
	s1 =	sshll.u32 s1, $0x11  }
0xc2: {  	s0 =	sor.u32 s1, s0  }
0xc3: {  	s0 =	sadd.s32 $0x8F2B, s0  }
0xc4: {  	[sflag:s0] =	ssyncadd.remote.s32 $0x1  }
0xc5: {  	_ =	sfence.sel $0xFFFF  }
0xc6: {  	[dreg:$0x0] =	wrdreg $0xFFFFFFFF;
	(pc) =	sbr.abs _section_cstart, $3  }
0xc7: {  	[dreg:$0x1] =	wrdreg $0xFFFFFFFF  }
0xc8: {  	_ =	task.clear_ibuf [dreg:s8], $0x2FFFF;
	_ =	strace $0x9FFFFFFF  }
0xc9: {  	(tm) =	ssettm $0x7FFFFFFF  }
tec
execute0_lowered:
.L_overlay_start_1:
0x0: {  	(tag) =	ssettag $0x1  }
0x1: {  	s8 =	rddreg [dreg:$0x0]  }
0x2: {  	s2 =	rddreg [dreg:$0x1]  }
0x3: {  	s0 =	stileid.u32;
	s1 =	srdreg.scid  }
0x4: {  	s3 =	rddreg [dreg:$0x2];
	s9 =	simm.s32 $0x1;
	s10 =	simm.s32 $0x3  }
0x5: {  	s13 =	simm.s32 $0x0;
	s4 =	sand.u32 $0x1, s1;
	s5 =	sshll.u32 s0, $0x1  }
0x6: {  	s12 =	simm.s32 $0x0;
	s1 =	rddreg [dreg:$0x3];
	s6 =	sor.u32 s5, s4  }
0x7: {  	_ =	strace $0x80000047;
	s8 =	sadd.s32 $0x4B5000, s8;
	s4 =	smul.u32 $0x3800, s6  }
0x8: {  	s5 =	simm.s32 $0x1;
	p0 =	slt.u32 s6, $0x5;
	s6 =	simm.s32 $0x70000  }
.Ltmp0:
0x9: {  	s6 =	simm.s32 @!p0 $0x0;
	s7 =	ssub.s32 $0x7E000, s4;
	(pc) =	sbr.rel .LBB2_1-.Ltmp0, $4  }
0xa: {  	s9 =	simm.s32 @!p0 $0x0;
	p0 =	sne.s32 s7, s6;
	s7 =	simm.s32 $0x1  }
0xb: {  	[sflag:s5] =	ssyncpa.u1 $0x0;
	s6 =	simm.s32 $0x2;
	s7 =	simm.s32 @!p0 $0x0  }
0xc: {  	s11 =	smov.u32 s4;
	[sflag:s6] =	ssyncpa.u1 $0x0;
	s7 =	sadd.s32 s9, s7  }
0xd: {  	vm0 =	vmmov $0xffff;
	[sflag:s10] =	ssyncpa.u1 $0x0;
	s10 =	simm.s32 $0x0;
	s9 =	sadd.s32 $0x1, s7  }
.LBB2_4:
0xe: {  	v3 =	vmul.u32 $0x78000, v3;
	v4 =	vsel vm1, $0xFFFFFFFF, v4;
	v5 =	vsel vm1, $0xFFFFFFFF, v5  }
0xf: {  	v2 =	vmul.u32 $0x6000, v2;
	v6 =	vshll.u32 v4, $0xA;
	v62 =	vand.u32 $0x7F, v5  }
0x10: {  	v5 =	vshll.u32 v5, $0x3;
	v4 =	vshll.u32 v4, $0x7;
	v6 =	vand.u32 $0xFFFFE000, v6  }
0x11: {  	v1 =	vadd.s32 v1, v3;
	v5 =	vand.u32 $0xFFFFFC00, v5;
	v3 =	vor.u32 v62, v6  }
0x12: {  	v63 =	vand.u32 $0x380, v4;
	v1 =	vadd.s32 v2, v1;
	v3 =	vadd.s32 v5, v3  }
0x13: {  	v1 =	vsel vm1, $0xFFE1A000, v1;
	v2 =	vor.u32 v63, v3  }
0x14: {  	v1 =	vadd.s32 v1, v2;
	_ =	sdelay $0x1  }
0x15: {  	(ifvalue) =	ssetifvalue $0x7FFFFFFF;
	s15 =	sadd.s32 $0x10, s15  }
0x16: {  	[tilespmem:s15], [sflag:$0x1] =	stream.indirect_vreg.gather [hbm4b:s8+s10], $0x1, v0, vm0, $0x4038;
	[tilespmem:$0xE000] =	vst v63  }
0x17: {  	(ifvalue) =	ssetifvalue $0x7FFFFFFF;
	s15 =	sadd.s32 $0x10, s15  }
0x18: {  	[tilespmem:s15], [sflag:$0x1] =	stream.indirect_vreg.gather [hbm4b:s8+s10], $0x1, v1, vm0, $0x4038;
	[tilespmem:$0xE000] =	vst v63  }
0x19: {  	_ =	swait.ge [sflag:s5], $0x3800  }
0x1a: {  	s30 =	sshrl.u32 s13, $0x3;
	[sflag:s5] =	ssyncset.done $0x0  }
0x1b: {  	s31 =	sand.u32 $0x7, s13;
	s15 =	sadd.s32 s3, s30;
	[sflag:s5] =	ssyncadd.s32 $0xFFFFC800  }
0x1c: {  	[hbm4b:s15+s31] =	stream.linear.scatter [tilespmem:s14], [sflag:$0x3], $0x3800, $0x38;
	[tilespmem:$0xE000] =	vst v63  }
.LBB2_5:
0x1d: {  	s15 =	sadd.s32 $0x70000, s11  }
0x1e: {  	p1 =	sgt.s32 s15, $0x7DFFF  }
0x1f: {  	s15 =	smov.u32 @p1 s4;
	p1 =	sne.s32 s12, s9  }
.Ltmp1:
0x20: {  	p0 =	slt.u32 s12, $0x2;
	(pc) =	sbr.rel @!p1 .LBB2_6-.Ltmp1, $4  }
0x21: {  	s14 =	simm.s32 @!p0 $0x3  }
0x22: {  	_ =	swait.ge @!p0 [sflag:s14], $0x3800  }
0x23: {  	s16 =	sadd.s32 $0x1, s12;
	s13 =	smov.u32 s11;
	[sflag:s14] =	ssyncset.done @!p0 $0x0  }
0x24: {  	s12 =	smov.u32 s16;
	s11 =	smov.u32 s15;
	[sflag:s14] =	ssyncadd.s32 @!p0 $0xFFFFC800  }
.LBB2_1:
0x25: {  	p0 =	sge.u32 s12, s7  }
0x26: {  	s14 =	sxor.u32 @!p0 $0x1, s12  }
0x27: {  	s14 =	smul.u32 @!p0 $0xE000, s14  }
0x28: {  	s31 =	sadd.s32 $0xFFFFFFFF, s12;
	s15 =	sshrl.u32 @!p0 s11, $0x3  }
0x29: {  	s16 =	sand.u32 @!p0 $0x7, s11;
	s15 =	sadd.s32 @!p0 s2, s15;
	s14 =	sshra.s32 @!p0 s14, $0x2  }
0x2a: {  	[tilespmem:s14], [sflag:$0x2] =	stream.linear.gather @!p0 [hbm4b:s15+s16], $0x3800, $0x38;
	[tilespmem:$0xE000] =	vst v63  }
0x2b: {  	p0 =	sge.u32 s31, s7  }
.Ltmp2:
0x2c: {  	_ = 	snop;
	(pc) =	sbr.rel @p0 .LBB2_5-.Ltmp2, $1  }
0x2d: {  	_ =	sdelay $0x3  }
0x2e: {  	s14 =	sand.u32 $0x1, s12  }
0x2f: {  	_ =	swait.ge [sflag:s6], $0x3800;
	p0 =	seq.s32 s14, $0x1;
	s14 =	simm.s32 $0x3800  }
0x30: {  	[sflag:s6] =	ssyncset.done $0x0;
	s14 =	simm.s32 @!p0 $0x0  }
0x31: {  	[sflag:s6] =	ssyncadd.s32 $0xFFFFC800;
	(ifvalue) =	ssetifvalue $0x7FFFFFFF;
	v0 =	vld.msk [tilespmem:s14+$0x0 ss:$0x1], $0xffff;
	_ =	sdelay $0x4  }
0x32: {  	v1 =	vand.u32 $0x7, v0  }
0x33: {  	v2 =	vshrl.u32 v0, $0x14;
	vm1 =	veq.s32 v0, $0x80000000;
	v3 =	vshrl.u32 v0, $0x8  }
0x34: {  	v4 =	vshrl.u32 v0, $0xA;
	v0 =	vshrl.u32 v0, $0x3;
	v2 =	vand.u32 $0x1F, v2  }
0x35: {  	s15 =	sadd.s32 $0x10, s14;
	v1 =	vmul.u32 $0x168000, v1;
	v0 =	vand.u32 $0x1F, v0;
	v4 =	vand.u32 $0x3FF, v4  }
0x36: {  	v5 =	vld.msk [tilespmem:s15+$0x0 ss:$0x1], $0xffff;
	v3 =	vand.u32 $0x3, v3;
	v0 =	vsel vm1, $0xFFFFFFFF, v0;
	v4 =	vsel vm1, $0xFFFFFFFF, v4  }
0x37: {  	v2 =	vmul.u32 $0x6000, v2;
	v3 =	vmul.u32 $0x78000, v3;
	v6 =	vshll.u32 v0, $0xA  }
0x38: {  	v0 =	vshll.u32 v0, $0x7;
	v7 =	vand.u32 $0x7F, v4;
	v4 =	vshll.u32 v4, $0x3  }
0x39: {  	v6 =	vand.u32 $0xFFFFE000, v6;
	v1 =	vadd.s32 v1, v3;
	v3 =	vand.u32 $0xFFFFFC00, v4  }
0x3a: {  	v0 =	vand.u32 $0x380, v0;
	v4 =	vor.u32 v7, v6;
	v1 =	vadd.s32 v2, v1  }
0x3b: {  	v2 =	vadd.s32 v3, v4;
	v1 =	vsel vm1, $0xFFE1A000, v1;
	v3 =	vshrl.u32 v5, $0x14  }
0x3c: {  	vm1 =	veq.s32 v5, $0x80000000;
	v4 =	vshrl.u32 v5, $0xA;
	v0 =	vor.u32 v0, v2  }
0x3d: {  	v2 =	vand.u32 $0x7, v5;
	v1 =	vadd.s32 v1, v0;
	v0 =	vshrl.u32 v5, $0x8  }
0x3e: {  	v4 =	vand.u32 $0x3FF, v4;
	v5 =	vshrl.u32 v5, $0x3;
	v0 =	vand.u32 $0x3, v0  }
0x3f: {  	v2 =	vmul.u32 $0x168000, v2;
	v5 =	vand.u32 $0x1F, v5;
	v0 =	vmul.u32 $0x78000, v0  }
0x40: {  	s15 =	sadd.s32 $0x10, s15;
	v3 =	vand.u32 $0x1F, v3;
	v4 =	vsel vm1, $0xFFFFFFFF, v4;
	v5 =	vsel vm1, $0xFFFFFFFF, v5  }
0x41: {  	v6 =	vld.msk [tilespmem:s15+$0x0 ss:$0x1], $0xffff;
	v3 =	vmul.u32 $0x6000, v3;
	v7 =	vshll.u32 v5, $0xA;
	v0 =	vadd.s32 v2, v0  }
0x42: {  	v2 =	vand.u32 $0x7F, v4;
	v7 =	vand.u32 $0xFFFFE000, v7;
	v4 =	vshll.u32 v4, $0x3  }
0x43: {  	v5 =	vshll.u32 v5, $0x7;
	v4 =	vand.u32 $0xFFFFFC00, v4;
	v2 =	vor.u32 v2, v7  }
0x44: {  	v0 =	vadd.s32 v3, v0;
	v3 =	vand.u32 $0x380, v5;
	v2 =	vadd.s32 v4, v2  }
0x45: {  	v0 =	vsel vm1, $0xFFE1A000, v0;
	v2 =	vor.u32 v3, v2  }
0x46: {  	v5 =	vshrl.u32 v6, $0x8;
	v7 =	vshrl.u32 v6, $0xA;
	v0 =	vadd.s32 v0, v2  }
0x47: {  	s14 =	sadd.s32 $0x7000, s14;
	(ifvalue) =	ssetifvalue $0x7FFFFFFF;
	v4 =	vshrl.u32 v6, $0x14;
	vm1 =	veq.s32 v6, $0x80000000;
	v3 =	vand.u32 $0x7, v6  }
0x48: {  	[tilespmem:s14], [sflag:$0x1] =	stream.indirect_vreg.gather [hbm4b:s8+s10], $0x1, v1, vm0, $0x4038;
	v6 =	vshrl.u32 v6, $0x3;
	v2 =	vand.u32 $0x1F, v4;
	v1 =	vmul.u32 $0x168000, v3;
	[tilespmem:$0xE000] =	vst v63  }
0x49: {  	s16 =	simm.s32 $0x20;
	s17 =	sadd.s32 $0x10, s15;
	s15 =	smov.u32 s14;
	v4 =	vand.u32 $0x1F, v6;
	v3 =	vand.u32 $0x3, v5;
	v5 =	vand.u32 $0x3FF, v7  }
.LBB2_3:
0x4a: {  	v6 =	vld.msk [tilespmem:s17+$0x0 ss:$0x1], $0xffff;
	v4 =	vsel vm1, $0xFFFFFFFF, v4;
	v5 =	vsel vm1, $0xFFFFFFFF, v5;
	v2 =	vmul.u32 $0x6000, v2;
	(ifvalue) =	ssetifvalue $0x7FFFFFFF;
	s15 =	sadd.s32 $0x10, s15  }
0x4b: {  	v3 =	vmul.u32 $0x78000, v3;
	v7 =	vshll.u32 v4, $0xA;
	v4 =	vshll.u32 v4, $0x7;
	[tilespmem:s15], [sflag:$0x1] =	stream.indirect_vreg.gather [hbm4b:s8+s10], $0x1, v0, vm0, $0x4038;
	[tilespmem:$0xE000] =	vst v63  }
0x4c: {  	s16 =	sadd.s32 $0x10, s16;
	v0 =	vand.u32 $0x7F, v5;
	v5 =	vshll.u32 v5, $0x3;
	v7 =	vand.u32 $0xFFFFE000, v7  }
0x4d: {  	p0 =	slt.u32 s16, $0x37F0;
	v1 =	vadd.s32 v1, v3;
	v3 =	vand.u32 $0xFFFFFC00, v5;
	v0 =	vor.u32 v0, v7  }
0x4e: {  	v1 =	vadd.s32 v2, v1;
	v2 =	vand.u32 $0x380, v4;
	v0 =	vadd.s32 v3, v0  }
.Ltmp3:
0x4f: {  	v1 =	vsel vm1, $0xFFE1A000, v1;
	v0 =	vor.u32 v2, v0;
	(pc) =	sbr.rel @p0 .LBB2_3-.Ltmp3, $4  }
0x50: {  	v3 =	vand.u32 $0x7, v6;
	v2 =	vshrl.u32 v6, $0x14;
	v0 =	vadd.s32 v1, v0  }
0x51: {  	vm1 =	veq.s32 v6, $0x80000000;
	v5 =	vshrl.u32 v6, $0x8;
	v7 =	vshrl.u32 v6, $0xA  }
0x52: {  	v4 =	vshrl.u32 v6, $0x3;
	v2 =	vand.u32 $0x1F, v2;
	v1 =	vmul.u32 $0x168000, v3  }
0x53: {  	s17 =	sadd.s32 $0x10, s17;
	v4 =	vand.u32 $0x1F, v4;
	v3 =	vand.u32 $0x3, v5;
	v5 =	vand.u32 $0x3FF, v7  }
.Ltmp4:
0x54: {  	_ = 	snop;
	(pc) =	sbr.rel .LBB2_4-.Ltmp4, $1  }
0x55: {  	_ =	sdelay $0x3  }
.LBB2_6:
0x56: {  	_ =	sfence.sel $0x180000  }
0x57: {  	s2 =	simm.s32 $0x2;
	[bflag:$0x0] =	sbarrier.arrive $0xFFFF  }
0x58: {  	s30 =	simm.s32 $0x3;
	[sflag:s2] =	ssyncpa.u1 $0x1  }
0x59: {  	s31 =	simm.s32 $0x1;
	[sflag:s30] =	ssyncpa.u1 $0x1  }
0x5a: {  	[sflag:s31] =	ssyncpa.u1 $0x1  }
0x5b: {  	p0 =	sne.s32 s0, $0x0;
	_ =	strace $0x90000047  }
0x5c: {  	s0 =	sadd.s32 @!p0 $0x100000, s1;
	[bflag:$0x2] =	sbarrier.arrive $0xFFFF  }
0x5d: {  	[sflag:s0] =	ssyncadd.tile.s32 @!p0 $0x1;
	_ =	shalt  }
.Lfunc_end2:
_tile_overlayer_lowered:
.L_overlay_start_2:
0x5e: {  	(tag) =	ssettag $0x2  }
0x5f: {  	s0 =	rddreg [dreg:$0x0];
	s2 =	stileid.u32  }
0x60: {  	s1 =	rddreg [dreg:$0x1];
	p0 =	sne.s32 s2, $0x0  }
0x61: {  	s3 =	rddreg [dreg:$0x2];
	[bflag:$0x3] =	sbarrier.arrive $0xFFFF;
	s2 =	simm.s32 @!p0 $0x1C01  }
0x62: {  	[timem:s3], [sflag:s2] =	dma.local @!p0 [hbm:s0], s1  }
0x63: {  	s0 =	simm.s32 @!p0 $0x1  }
0x64: {  	_ =	swait.ge @!p0 [sflag:s0], s1  }
0x65: {  	s1 =	ssub.s32 @!p0 $0x0, s1;
	[sflag:s0] =	ssyncset.done @!p0 $0x0  }
0x66: {  	[sflag:s0] =	ssyncadd.s32 @!p0 s1  }
0x67: {  	[bflag:$0x3] =	sbarrier.arrive $0xFFFF  }
0x68: {  	_ =	shalt  }

// kernel: gather_offload_async_start.3
scs
__scs_entry_jumppad:
0x0: {  	(pc) =	sbr.rel $0x88, $3  }
0x1: {  	(tag) =	ssettag $0x0;
	lr =	simm.s32 $0x1  }
0x2: {  	[smem:$0x3F94] =	sst lr;
	_ =	strace $0xD0000000  }
0x3: {  	_ = 	snop  }
0x4: {  	_ = 	snop  }
0x5: {  	_ = 	snop  }
0x6: {  	_ = 	snop  }
0x7: {  	_ = 	snop  }
__scs_overlays_trampoline_lowered:
0x8: {  	[smem:$0x3FA3] =	sst s0  }
0x9: {  	[smem:$0x3FA4] =	sst s1  }
0xa: {  	[smem:$0x3FA5] =	sst s2  }
0xb: {  	[smem:$0x3FA6] =	sst s3  }
0xc: {  	[smem:$0x3FA7] =	sst s4  }
0xd: {  	[smem:$0x3FA8] =	sst s5  }
0xe: {  	[smem:$0x3FA9] =	sst s6  }
0xf: {  	[smem:$0x3FAA] =	sst s7  }
0x10: {  	[smem:$0x3FAB] =	sst s8  }
0x11: {  	[smem:$0x3FAC] =	sst s9;
	s0 =	simm.s32 @!p0 $0x0  }
0x12: {  	s1 =	sld [smem:$0x3F92];
	s0 =	simm.s32 @p0 $0x1  }
0x13: {  	[smem:$0x3FAD] =	sst s0;
	s0 =	simm.s32 @!p1 $0x0  }
0x14: {  	s2 =	sld [smem:$0x3F91];
	s0 =	simm.s32 @p1 $0x1  }
0x15: {  	[smem:$0x3FAE] =	sst s0;
	s0 =	simm.s32 @!p2 $0x0  }
0x16: {  	s3 =	sld [smem:$0x3FDB];
	s0 =	simm.s32 @p2 $0x1  }
0x17: {  	s4 =	simm.s32 $0x1BF5;
	[smem:$0x3FB0] =	sst s0  }
0x18: {  	s0 =	sld [smem:$0x3F93];
	_ =	swait.ge [sflag:s4], $0x0  }
0x19: {  	s7 =	sld [smem:$0x3F94]  }
0x1a: {  	s8 =	sadd.s32 $0xFFFFE003, lr  }
0x1b: {  	s9 =	sadd.s32 $0xFFFFFEF7, lr;
	s5 =	simm.s32 $0xFFFFFFFF;
	p2 =	slt.u32 s8, $0xFFFFF086  }
0x1c: {  	p1 =	slt.u32 s9, $0xF7A;
	s5 =	simm.s32 @!p2 $0x0  }
0x1d: {  	s5 =	simm.s32 @p1 $0x1;
	p0 =	seq.s32 s7, s2  }
0x1e: {  	s7 =	smul.u32 @!p0 $0xF7A, s2;
	p2 =	seq.s32 @!p0 s5, $0x0  }
0x1f: {  	s9 =	smul.u32 $0xF7A, s1;
	s8 =	simm.s32 @!p0 $0x1BF5;
	p2 =	por !p2, p0  }
0x20: {  	[sflag:s8] =	ssyncset.s32 @!p0 $0xFFFFF086;
	s6 =	sadd.s32 @!p0 s3, s7;
	s7 =	simm.s32 @!p0 $0x108  }
0x21: {  	s3 =	sadd.s32 s3, s9;
	s6 =	sadd.s32 @!p0 $0x88, s6;
	s7 =	simm.s32 @p2 $0x1082  }
0x22: {  	[simem:s7], [sflag:s8] =	dma.local @!p0 [hbm:s6], $0xF7A  }
0x23: {  	s9 =	sor.u32 $0xD0000000, s2;
	s6 =	simm.s32 $0x108;
	_ =	swait.ge @!p0 [sflag:s8], $0x0  }
0x24: {  	s3 =	sadd.s32 $0x88, s3;
	s6 =	simm.s32 @!p1 $0x1082;
	[sflag:s4] =	ssyncset.s32 $0xFFFFF086  }
0x25: {  	[simem:s6], [sflag:s4] =	dma.local [hbm:s3], $0xF7A  }
0x26: {  	[smem:$0x3F94] =	sst s1;
	(tag) =	ssettag s2;
	_ =	strace s9  }
0x27: {  	s1 =	sld [smem:$0x3FA4]  }
0x28: {  	s2 =	sld [smem:$0x3FA5]  }
0x29: {  	s4 =	sld [smem:$0x3FA7]  }
0x2a: {  	p0 =	seq.s32 s5, $0x0;
	s5 =	sld [smem:$0x3FA8]  }
0x2b: {  	s6 =	sld [smem:$0x3FA9]  }
0x2c: {  	s7 =	sld [smem:$0x3FAA]  }
0x2d: {  	s3 =	simm.s32 $0x108;
	s8 =	sld [smem:$0x3FAB]  }
0x2e: {  	s3 =	simm.s32 @!p0 $0x1082;
	s9 =	sld [smem:$0x3FAC]  }
0x2f: {  	lr =	sadd.s32 s0, s3;
	s0 =	sld [smem:$0x3FA3]  }
0x30: {  	s3 =	sld [smem:$0x3FA6]  }
0x31: {  	[smem:$0x3FAF] =	sst s10  }
0x32: {  	s10 =	sld [smem:$0x3FAD];
	_ =	sdelay $0x3  }
0x33: {  	p0 =	seq.s32 s10, $0x1;
	s10 =	sld [smem:$0x3FAF];
	_ =	sdelay $0x3  }
0x34: {  	[smem:$0x3FAF] =	sst s10  }
0x35: {  	s10 =	sld [smem:$0x3FAE];
	_ =	sdelay $0x3  }
0x36: {  	p1 =	seq.s32 s10, $0x1;
	s10 =	sld [smem:$0x3FAF];
	_ =	sdelay $0x3  }
0x37: {  	[smem:$0x3FAF] =	sst s10  }
0x38: {  	s10 =	sld [smem:$0x3FB0]  }
0x39: {  	_ = 	snop;
	(pc) =	sbr.ind lr, $3  }
0x3a: {  	_ = 	snop  }
0x3b: {  	_ = 	snop  }
0x3c: {  	p2 =	seq.s32 s10, $0x1;
	s10 =	sld [smem:$0x3FAF]  }
0x3d: {  	_ =	shalt  }
0x3e: {  	_ =	shalt  }
0x3f: {  	_ =	shalt  }
0x40: {  	_ =	shalt  }
0x41: {  	_ =	shalt  }
0x42: {  	_ =	shalt  }
0x43: {  	_ =	shalt  }
0x44: {  	_ =	shalt  }
0x45: {  	_ =	shalt  }
0x46: {  	_ =	shalt  }
0x47: {  	_ =	shalt  }
0x48: {  	_ =	shalt  }
0x49: {  	_ =	shalt  }
0x4a: {  	_ =	shalt  }
0x4b: {  	_ =	shalt  }
0x4c: {  	_ =	shalt  }
0x4d: {  	_ =	shalt  }
0x4e: {  	_ =	shalt  }
0x4f: {  	_ =	shalt  }
0x50: {  	_ =	shalt  }
0x51: {  	_ =	shalt  }
0x52: {  	_ =	shalt  }
0x53: {  	_ =	shalt  }
0x54: {  	_ =	shalt  }
0x55: {  	_ =	shalt  }
0x56: {  	_ =	shalt  }
0x57: {  	_ =	shalt  }
0x58: {  	_ =	shalt  }
0x59: {  	_ =	shalt  }
0x5a: {  	_ =	shalt  }
0x5b: {  	_ =	shalt  }
0x5c: {  	_ =	shalt  }
0x5d: {  	_ =	shalt  }
0x5e: {  	_ =	shalt  }
0x5f: {  	_ =	shalt  }
0x60: {  	_ =	shalt  }
0x61: {  	_ =	shalt  }
0x62: {  	_ =	shalt  }
0x63: {  	_ =	shalt  }
0x64: {  	_ =	shalt  }
0x65: {  	_ =	shalt  }
0x66: {  	_ =	shalt  }
0x67: {  	_ =	shalt  }
0x68: {  	_ =	shalt  }
0x69: {  	_ =	shalt  }
0x6a: {  	_ =	shalt  }
0x6b: {  	_ =	shalt  }
0x6c: {  	_ =	shalt  }
0x6d: {  	_ =	shalt  }
0x6e: {  	_ =	shalt  }
0x6f: {  	_ =	shalt  }
0x70: {  	_ =	shalt  }
0x71: {  	_ =	shalt  }
0x72: {  	_ =	shalt  }
0x73: {  	_ =	shalt  }
0x74: {  	_ =	shalt  }
0x75: {  	_ =	shalt  }
0x76: {  	_ =	shalt  }
0x77: {  	_ =	shalt  }
0x78: {  	_ =	shalt  }
0x79: {  	_ =	shalt  }
0x7a: {  	_ =	shalt  }
0x7b: {  	_ =	shalt  }
0x7c: {  	_ =	shalt  }
0x7d: {  	_ =	shalt  }
0x7e: {  	_ =	shalt  }
0x7f: {  	_ =	shalt  }
0x80: {  	_ =	shalt  }
0x81: {  	_ =	shalt  }
0x82: {  	_ =	shalt  }
0x83: {  	_ =	shalt  }
0x84: {  	_ =	shalt  }
0x85: {  	_ =	shalt  }
0x86: {  	_ =	shalt  }
0x87: {  	_ =	shalt  }
.Lfunc_end0:
.L_simem_size_0:
called_computation.9_lowered:
.L_overlay_start_0:
0x88: {  	s2 =	sld [smem:$0x3FD9]  }
0x89: {  	s3 =	sld [smem:$0x3FFE];
	_ =	sdelay $0x1  }
0x8a: {  	s1 =	srdreg.scid  }
0x8b: {  	s0 =	sand.u32 $0x1, s1  }
0x8c: {  	s14 =	sshll.u32 s0, $0xA;
	s2 =	sadd.s32 s3, s2  }
0x8d: {  	s2 =	sadd.s32 s2, s14  }
0x8e: {  	[smem:$0x3FBB] =	sst s2  }
0x8f: {  	_ = 	snop  }
0x90: {  	s2 =	sld [smem:$0x3FD0];
	_ =	sdelay $0x2  }
0x91: {  	s15 =	simm.s32 $0xA;
	s4 =	simm.s32 $0x10  }
0x92: {  	[smem:s4], [sflag:s15] =	dma.local [hbm:s2], $0x1  }
0x93: {  	_ =	swait.eq [sflag:s15], $0x1  }
0x94: {  	[sflag:s15] =	ssyncset.done $0x0  }
0x95: {  	s16 =	sld [smem:$0x10];
	[sflag:s15] =	ssyncadd.s32 $0xFFFFFFFF  }
0x96: {  	s17 =	sld [smem:$0x11];
	(tm) =	ssettm $0x1  }
0x97: {  	s18 =	sld [smem:$0x3FFB];
	_ =	sdelay $0x3  }
0x98: {  	_ =	strace s18  }
0x99: {  	s4 =	sld [smem:$0x3FFC];
	_ =	sdelay $0x3  }
0x9a: {  	_ =	strace s4  }
0x9b: {  	s4 =	sld [smem:$0x3FFD];
	_ =	sdelay $0x3  }
0x9c: {  	_ =	strace s4  }
0x9d: {  	_ =	strace $0x8FFFFFFF  }
0x9e: {  	s19 =	sld [smem:$0x3FDB];
	_ =	sdelay $0x1  }
0x9f: {  	s5 =	simm.s32 $_scs_section_size  }
0xa0: {  	s6 =	simm.s32 $_size__tile_overlayer_lowered;
	s7 =	simm.s32 $_tile_overlayer_lowered  }
0xa1: {  	s22 =	simm.s32 $0x1BFF;
	s21 =	sshll.u32 s7, $0x1;
	s4 =	sadd.s32 s5, s19  }
0xa2: {  	s8 =	simm.s32 $0x0;
	s20 =	sshll.u32 s6, $0x1;
	s6 =	sadd.s32 s21, s4  }
0xa3: {  	[timem:s8], [sflag:s22] =	dma.local [hbm:s6], s20  }
0xa4: {  	_ =	swait.ge [sflag:s22], s20  }
0xa5: {  	s5 =	ssub.s32 $0x0, s20;
	[sflag:s22] =	ssyncset.done $0x0  }
0xa6: {  	[sflag:s22] =	ssyncadd.s32 s5;
	_ =	sdelay $0x1  }
0xa7: {  	s23 =	simm.s32 $0x1B8B  }
0xa8: {  	_ =	swait.ge [sflag:s23], $0x1  }
0xa9: {  	[sflag:s23] =	ssyncset.done $0x0  }
0xaa: {  	s25 =	simm.s32 $0x1B8E;
	s24 =	sld [smem:$0x3FFE];
	[sflag:s23] =	ssyncadd.s32 $0xFFFFFFFF  }
0xab: {  	s26 =	simm.s32 $execute0_lowered;
	[smem:$0x3FD2] =	sst s25  }
0xac: {  	s6 =	sshll.u32 s26, $0x1;
	_ =	strace $0x8000004F;
	[dreg:$0x1] =	wrdreg $0xFFFFFFFF  }
0xad: {  	s28 =	simm.s32 $_size_execute0_lowered;
	s4 =	sadd.s32 s4, s6;
	[dreg:$0x0] =	wrdreg $0x0  }
0xae: {  	s6 =	sshll.u32 s28, $0x1;
	[dreg:$0x2] =	wrdreg s4  }
0xaf: {  	[dreg:$0x3] =	wrdreg s6  }
0xb0: {  	[dreg:$0x4] =	wrdreg $0xC0  }
0xb1: {  	_ =	task [dreg:s8], $0x5FFFF  }
0xb2: {  	[dreg:$0x1] =	wrdreg $0xFFFFFFFF  }
0xb3: {  	[dreg:$0x0] =	wrdreg $0x60  }
0xb4: {  	[dreg:$0x2] =	wrdreg s24  }
0xb5: {  	[dreg:$0x3] =	wrdreg s16  }
0xb6: {  	[dreg:$0x4] =	wrdreg s17  }
0xb7: {  	[dreg:$0x5] =	wrdreg $0x9  }
0xb8: {  	_ =	task.clear_ibuf [dreg:s8], $0x6FFFF;
	_ =	strace $0x9000004F  }
0xb9: {  	s29 =	simm.s32 $0x9;
	_ =	strace $0x80000051  }
0xba: {  	_ =	swait.ge [sflag:s29], $0x1  }
0xbb: {  	[sflag:s29] =	ssyncadd.s32 $0xFFFFFFFF  }
0xbc: {  	_ =	strace $0x90000051  }
0xbd: {  	_ =	sfence  }
0xbe: {  	s30 =	sld [smem:$0x0];
	_ =	sdelay $0x2  }
0xbf: {  	s31 =	sshll.u32 s1, $0xD;
	s1 =	sshrl.u32 s1, $0x2  }
0xc0: {  	s3 =	sand.u32 $0x4000, s31;
	s1 =	sadd.s32 s1, s30  }
0xc1: {  	s0 =	sor.u32 s3, s0;
	s1 =	sshll.u32 s1, $0x11  }
0xc2: {  	s0 =	sor.u32 s1, s0  }
0xc3: {  	s0 =	sadd.s32 $0x8F2B, s0  }
0xc4: {  	[sflag:s0] =	ssyncadd.remote.s32 $0x1  }
0xc5: {  	_ =	sfence.sel $0xFFFF  }
0xc6: {  	[dreg:$0x0] =	wrdreg $0xFFFFFFFF;
	(pc) =	sbr.abs _section_cstart, $3  }
0xc7: {  	[dreg:$0x1] =	wrdreg $0xFFFFFFFF  }
0xc8: {  	_ =	task.clear_ibuf [dreg:s8], $0x2FFFF;
	_ =	strace $0x9FFFFFFF  }
0xc9: {  	(tm) =	ssettm $0x7FFFFFFF  }
tec
execute0_lowered:
.L_overlay_start_1:
0x0: {  	(tag) =	ssettag $0x1  }
0x1: {  	s8 =	rddreg [dreg:$0x0]  }
0x2: {  	s2 =	rddreg [dreg:$0x1]  }
0x3: {  	s0 =	stileid.u32;
	s1 =	srdreg.scid  }
0x4: {  	s3 =	rddreg [dreg:$0x2];
	s9 =	simm.s32 $0x1;
	s10 =	simm.s32 $0x3  }
0x5: {  	s13 =	simm.s32 $0x0;
	s4 =	sand.u32 $0x1, s1;
	s5 =	sshll.u32 s0, $0x1  }
0x6: {  	s1 =	rddreg [dreg:$0x3];
	_ =	strace $0x80000050;
	s6 =	sor.u32 s5, s4  }
0x7: {  	s12 =	simm.s32 $0x0;
	s8 =	sadd.s32 $0x5F4800, s8;
	s4 =	smul.u32 $0x3800, s6  }
0x8: {  	s5 =	simm.s32 $0x1;
	p0 =	slt.u32 s6, $0x5;
	s6 =	simm.s32 $0x70000  }
.Ltmp0:
0x9: {  	s6 =	simm.s32 @!p0 $0x0;
	s7 =	ssub.s32 $0x7E000, s4;
	(pc) =	sbr.rel .LBB2_1-.Ltmp0, $4  }
0xa: {  	s9 =	simm.s32 @!p0 $0x0;
	p0 =	sne.s32 s7, s6;
	s7 =	simm.s32 $0x1  }
0xb: {  	[sflag:s5] =	ssyncpa.u1 $0x0;
	s6 =	simm.s32 $0x2;
	s7 =	simm.s32 @!p0 $0x0  }
0xc: {  	s11 =	smov.u32 s4;
	[sflag:s6] =	ssyncpa.u1 $0x0;
	s7 =	sadd.s32 s9, s7  }
0xd: {  	vm0 =	vmmov $0xffff;
	[sflag:s10] =	ssyncpa.u1 $0x0;
	s10 =	simm.s32 $0x0;
	s9 =	sadd.s32 $0x1, s7  }
.LBB2_4:
0xe: {  	v3 =	vmul.u32 $0x78000, v3;
	v4 =	vsel vm1, $0xFFFFFFFF, v4;
	v5 =	vsel vm1, $0xFFFFFFFF, v5  }
0xf: {  	v2 =	vmul.u32 $0x6000, v2;
	v6 =	vshll.u32 v4, $0xA;
	v62 =	vand.u32 $0x7F, v5  }
0x10: {  	v5 =	vshll.u32 v5, $0x3;
	v4 =	vshll.u32 v4, $0x7;
	v6 =	vand.u32 $0xFFFFE000, v6  }
0x11: {  	v1 =	vadd.s32 v1, v3;
	v5 =	vand.u32 $0xFFFFFC00, v5;
	v3 =	vor.u32 v62, v6  }
0x12: {  	v63 =	vand.u32 $0x380, v4;
	v1 =	vadd.s32 v2, v1;
	v3 =	vadd.s32 v5, v3  }
0x13: {  	v1 =	vsel vm1, $0xFFE1A000, v1;
	v2 =	vor.u32 v63, v3  }
0x14: {  	v1 =	vadd.s32 v1, v2;
	_ =	sdelay $0x1  }
0x15: {  	(ifvalue) =	ssetifvalue $0x7FFFFFFF;
	s15 =	sadd.s32 $0x10, s15  }
0x16: {  	[tilespmem:s15], [sflag:$0x1] =	stream.indirect_vreg.gather [hbm4b:s8+s10], $0x1, v0, vm0, $0x4038;
	[tilespmem:$0xE000] =	vst v63  }
0x17: {  	(ifvalue) =	ssetifvalue $0x7FFFFFFF;
	s15 =	sadd.s32 $0x10, s15  }
0x18: {  	[tilespmem:s15], [sflag:$0x1] =	stream.indirect_vreg.gather [hbm4b:s8+s10], $0x1, v1, vm0, $0x4038;
	[tilespmem:$0xE000] =	vst v63  }
0x19: {  	_ =	swait.ge [sflag:s5], $0x3800  }
0x1a: {  	s30 =	sshrl.u32 s13, $0x3;
	[sflag:s5] =	ssyncset.done $0x0  }
0x1b: {  	s31 =	sand.u32 $0x7, s13;
	s15 =	sadd.s32 s3, s30;
	[sflag:s5] =	ssyncadd.s32 $0xFFFFC800  }
0x1c: {  	[hbm4b:s15+s31] =	stream.linear.scatter [tilespmem:s14], [sflag:$0x3], $0x3800, $0x38;
	[tilespmem:$0xE000] =	vst v63  }
.LBB2_5:
0x1d: {  	s15 =	sadd.s32 $0x70000, s11  }
0x1e: {  	p1 =	sgt.s32 s15, $0x7DFFF  }
0x1f: {  	s15 =	smov.u32 @p1 s4;
	p1 =	sne.s32 s12, s9  }
.Ltmp1:
0x20: {  	p0 =	slt.u32 s12, $0x2;
	(pc) =	sbr.rel @!p1 .LBB2_6-.Ltmp1, $4  }
0x21: {  	s14 =	simm.s32 @!p0 $0x3  }
0x22: {  	_ =	swait.ge @!p0 [sflag:s14], $0x3800  }
0x23: {  	s16 =	sadd.s32 $0x1, s12;
	s13 =	smov.u32 s11;
	[sflag:s14] =	ssyncset.done @!p0 $0x0  }
0x24: {  	s12 =	smov.u32 s16;
	s11 =	smov.u32 s15;
	[sflag:s14] =	ssyncadd.s32 @!p0 $0xFFFFC800  }
.LBB2_1:
0x25: {  	p0 =	sge.u32 s12, s7  }
0x26: {  	s14 =	sxor.u32 @!p0 $0x1, s12  }
0x27: {  	s14 =	smul.u32 @!p0 $0xE000, s14  }
0x28: {  	s31 =	sadd.s32 $0xFFFFFFFF, s12;
	s15 =	sshrl.u32 @!p0 s11, $0x3  }
0x29: {  	s16 =	sand.u32 @!p0 $0x7, s11;
	s15 =	sadd.s32 @!p0 s2, s15;
	s14 =	sshra.s32 @!p0 s14, $0x2  }
0x2a: {  	[tilespmem:s14], [sflag:$0x2] =	stream.linear.gather @!p0 [hbm4b:s15+s16], $0x3800, $0x38;
	[tilespmem:$0xE000] =	vst v63  }
0x2b: {  	p0 =	sge.u32 s31, s7  }
.Ltmp2:
0x2c: {  	_ = 	snop;
	(pc) =	sbr.rel @p0 .LBB2_5-.Ltmp2, $1  }
0x2d: {  	_ =	sdelay $0x3  }
0x2e: {  	s14 =	sand.u32 $0x1, s12  }
0x2f: {  	_ =	swait.ge [sflag:s6], $0x3800;
	p0 =	seq.s32 s14, $0x1;
	s14 =	simm.s32 $0x3800  }
0x30: {  	[sflag:s6] =	ssyncset.done $0x0;
	s14 =	simm.s32 @!p0 $0x0  }
0x31: {  	[sflag:s6] =	ssyncadd.s32 $0xFFFFC800;
	(ifvalue) =	ssetifvalue $0x7FFFFFFF;
	v0 =	vld.msk [tilespmem:s14+$0x0 ss:$0x1], $0xffff;
	_ =	sdelay $0x4  }
0x32: {  	v1 =	vand.u32 $0x7, v0  }
0x33: {  	v2 =	vshrl.u32 v0, $0x14;
	vm1 =	veq.s32 v0, $0x80000000;
	v3 =	vshrl.u32 v0, $0x8  }
0x34: {  	v4 =	vshrl.u32 v0, $0xA;
	v0 =	vshrl.u32 v0, $0x3;
	v2 =	vand.u32 $0x1F, v2  }
0x35: {  	s15 =	sadd.s32 $0x10, s14;
	v1 =	vmul.u32 $0x168000, v1;
	v0 =	vand.u32 $0x1F, v0;
	v4 =	vand.u32 $0x3FF, v4  }
0x36: {  	v5 =	vld.msk [tilespmem:s15+$0x0 ss:$0x1], $0xffff;
	v3 =	vand.u32 $0x3, v3;
	v0 =	vsel vm1, $0xFFFFFFFF, v0;
	v4 =	vsel vm1, $0xFFFFFFFF, v4  }
0x37: {  	v2 =	vmul.u32 $0x6000, v2;
	v3 =	vmul.u32 $0x78000, v3;
	v6 =	vshll.u32 v0, $0xA  }
0x38: {  	v0 =	vshll.u32 v0, $0x7;
	v7 =	vand.u32 $0x7F, v4;
	v4 =	vshll.u32 v4, $0x3  }
0x39: {  	v6 =	vand.u32 $0xFFFFE000, v6;
	v1 =	vadd.s32 v1, v3;
	v3 =	vand.u32 $0xFFFFFC00, v4  }
0x3a: {  	v0 =	vand.u32 $0x380, v0;
	v4 =	vor.u32 v7, v6;
	v1 =	vadd.s32 v2, v1  }
0x3b: {  	v2 =	vadd.s32 v3, v4;
	v1 =	vsel vm1, $0xFFE1A000, v1;
	v3 =	vshrl.u32 v5, $0x14  }
0x3c: {  	vm1 =	veq.s32 v5, $0x80000000;
	v4 =	vshrl.u32 v5, $0xA;
	v0 =	vor.u32 v0, v2  }
0x3d: {  	v2 =	vand.u32 $0x7, v5;
	v1 =	vadd.s32 v1, v0;
	v0 =	vshrl.u32 v5, $0x8  }
0x3e: {  	v4 =	vand.u32 $0x3FF, v4;
	v5 =	vshrl.u32 v5, $0x3;
	v0 =	vand.u32 $0x3, v0  }
0x3f: {  	v2 =	vmul.u32 $0x168000, v2;
	v5 =	vand.u32 $0x1F, v5;
	v0 =	vmul.u32 $0x78000, v0  }
0x40: {  	s15 =	sadd.s32 $0x10, s15;
	v3 =	vand.u32 $0x1F, v3;
	v4 =	vsel vm1, $0xFFFFFFFF, v4;
	v5 =	vsel vm1, $0xFFFFFFFF, v5  }
0x41: {  	v6 =	vld.msk [tilespmem:s15+$0x0 ss:$0x1], $0xffff;
	v3 =	vmul.u32 $0x6000, v3;
	v7 =	vshll.u32 v5, $0xA;
	v0 =	vadd.s32 v2, v0  }
0x42: {  	v2 =	vand.u32 $0x7F, v4;
	v7 =	vand.u32 $0xFFFFE000, v7;
	v4 =	vshll.u32 v4, $0x3  }
0x43: {  	v5 =	vshll.u32 v5, $0x7;
	v4 =	vand.u32 $0xFFFFFC00, v4;
	v2 =	vor.u32 v2, v7  }
0x44: {  	v0 =	vadd.s32 v3, v0;
	v3 =	vand.u32 $0x380, v5;
	v2 =	vadd.s32 v4, v2  }
0x45: {  	v0 =	vsel vm1, $0xFFE1A000, v0;
	v2 =	vor.u32 v3, v2  }
0x46: {  	v5 =	vshrl.u32 v6, $0x8;
	v7 =	vshrl.u32 v6, $0xA;
	v0 =	vadd.s32 v0, v2  }
0x47: {  	s14 =	sadd.s32 $0x7000, s14;
	(ifvalue) =	ssetifvalue $0x7FFFFFFF;
	v4 =	vshrl.u32 v6, $0x14;
	vm1 =	veq.s32 v6, $0x80000000;
	v3 =	vand.u32 $0x7, v6  }
0x48: {  	[tilespmem:s14], [sflag:$0x1] =	stream.indirect_vreg.gather [hbm4b:s8+s10], $0x1, v1, vm0, $0x4038;
	v6 =	vshrl.u32 v6, $0x3;
	v2 =	vand.u32 $0x1F, v4;
	v1 =	vmul.u32 $0x168000, v3;
	[tilespmem:$0xE000] =	vst v63  }
0x49: {  	s16 =	simm.s32 $0x20;
	s17 =	sadd.s32 $0x10, s15;
	s15 =	smov.u32 s14;
	v4 =	vand.u32 $0x1F, v6;
	v3 =	vand.u32 $0x3, v5;
	v5 =	vand.u32 $0x3FF, v7  }
.LBB2_3:
0x4a: {  	v6 =	vld.msk [tilespmem:s17+$0x0 ss:$0x1], $0xffff;
	v4 =	vsel vm1, $0xFFFFFFFF, v4;
	v5 =	vsel vm1, $0xFFFFFFFF, v5;
	v2 =	vmul.u32 $0x6000, v2;
	(ifvalue) =	ssetifvalue $0x7FFFFFFF;
	s15 =	sadd.s32 $0x10, s15  }
0x4b: {  	v3 =	vmul.u32 $0x78000, v3;
	v7 =	vshll.u32 v4, $0xA;
	v4 =	vshll.u32 v4, $0x7;
	[tilespmem:s15], [sflag:$0x1] =	stream.indirect_vreg.gather [hbm4b:s8+s10], $0x1, v0, vm0, $0x4038;
	[tilespmem:$0xE000] =	vst v63  }
0x4c: {  	s16 =	sadd.s32 $0x10, s16;
	v0 =	vand.u32 $0x7F, v5;
	v5 =	vshll.u32 v5, $0x3;
	v7 =	vand.u32 $0xFFFFE000, v7  }
0x4d: {  	p0 =	slt.u32 s16, $0x37F0;
	v1 =	vadd.s32 v1, v3;
	v3 =	vand.u32 $0xFFFFFC00, v5;
	v0 =	vor.u32 v0, v7  }
0x4e: {  	v1 =	vadd.s32 v2, v1;
	v2 =	vand.u32 $0x380, v4;
	v0 =	vadd.s32 v3, v0  }
.Ltmp3:
0x4f: {  	v1 =	vsel vm1, $0xFFE1A000, v1;
	v0 =	vor.u32 v2, v0;
	(pc) =	sbr.rel @p0 .LBB2_3-.Ltmp3, $4  }
0x50: {  	v3 =	vand.u32 $0x7, v6;
	v2 =	vshrl.u32 v6, $0x14;
	v0 =	vadd.s32 v1, v0  }
0x51: {  	vm1 =	veq.s32 v6, $0x80000000;
	v5 =	vshrl.u32 v6, $0x8;
	v7 =	vshrl.u32 v6, $0xA  }
0x52: {  	v4 =	vshrl.u32 v6, $0x3;
	v2 =	vand.u32 $0x1F, v2;
	v1 =	vmul.u32 $0x168000, v3  }
0x53: {  	s17 =	sadd.s32 $0x10, s17;
	v4 =	vand.u32 $0x1F, v4;
	v3 =	vand.u32 $0x3, v5;
	v5 =	vand.u32 $0x3FF, v7  }
.Ltmp4:
0x54: {  	_ = 	snop;
	(pc) =	sbr.rel .LBB2_4-.Ltmp4, $1  }
0x55: {  	_ =	sdelay $0x3  }
.LBB2_6:
0x56: {  	_ =	sfence.sel $0x180000  }
0x57: {  	s2 =	simm.s32 $0x2;
	[bflag:$0x0] =	sbarrier.arrive $0xFFFF  }
0x58: {  	s30 =	simm.s32 $0x3;
	[sflag:s2] =	ssyncpa.u1 $0x1  }
0x59: {  	s31 =	simm.s32 $0x1;
	[sflag:s30] =	ssyncpa.u1 $0x1  }
0x5a: {  	[sflag:s31] =	ssyncpa.u1 $0x1  }
0x5b: {  	p0 =	sne.s32 s0, $0x0;
	_ =	strace $0x90000050  }
0x5c: {  	s0 =	sadd.s32 @!p0 $0x100000, s1;
	[bflag:$0x2] =	sbarrier.arrive $0xFFFF  }
0x5d: {  	[sflag:s0] =	ssyncadd.tile.s32 @!p0 $0x1;
	_ =	shalt  }
.Lfunc_end2:
_tile_overlayer_lowered:
.L_overlay_start_2:
0x5e: {  	(tag) =	ssettag $0x2  }
0x5f: {  	s0 =	rddreg [dreg:$0x0];
	s2 =	stileid.u32  }
0x60: {  	s1 =	rddreg [dreg:$0x1];
	p0 =	sne.s32 s2, $0x0  }
0x61: {  	s3 =	rddreg [dreg:$0x2];
	[bflag:$0x3] =	sbarrier.arrive $0xFFFF;
	s2 =	simm.s32 @!p0 $0x1C01  }
0x62: {  	[timem:s3], [sflag:s2] =	dma.local @!p0 [hbm:s0], s1  }
0x63: {  	s0 =	simm.s32 @!p0 $0x1  }
0x64: {  	_ =	swait.ge @!p0 [sflag:s0], s1  }
0x65: {  	s1 =	ssub.s32 @!p0 $0x0, s1;
	[sflag:s0] =	ssyncset.done @!p0 $0x0  }
0x66: {  	[sflag:s0] =	ssyncadd.s32 @!p0 s1  }
0x67: {  	[bflag:$0x3] =	sbarrier.arrive $0xFFFF  }
0x68: {  	_ =	shalt  }

// kernel: gather_offload_async_start
scs
__scs_entry_jumppad:
0x0: {  	(pc) =	sbr.rel $0x88, $3  }
0x1: {  	(tag) =	ssettag $0x0;
	lr =	simm.s32 $0x1  }
0x2: {  	[smem:$0x3F94] =	sst lr;
	_ =	strace $0xD0000000  }
0x3: {  	_ = 	snop  }
0x4: {  	_ = 	snop  }
0x5: {  	_ = 	snop  }
0x6: {  	_ = 	snop  }
0x7: {  	_ = 	snop  }
__scs_overlays_trampoline_lowered:
0x8: {  	[smem:$0x3FA3] =	sst s0  }
0x9: {  	[smem:$0x3FA4] =	sst s1  }
0xa: {  	[smem:$0x3FA5] =	sst s2  }
0xb: {  	[smem:$0x3FA6] =	sst s3  }
0xc: {  	[smem:$0x3FA7] =	sst s4  }
0xd: {  	[smem:$0x3FA8] =	sst s5  }
0xe: {  	[smem:$0x3FA9] =	sst s6  }
0xf: {  	[smem:$0x3FAA] =	sst s7  }
0x10: {  	[smem:$0x3FAB] =	sst s8  }
0x11: {  	[smem:$0x3FAC] =	sst s9;
	s0 =	simm.s32 @!p0 $0x0  }
0x12: {  	s1 =	sld [smem:$0x3F92];
	s0 =	simm.s32 @p0 $0x1  }
0x13: {  	[smem:$0x3FAD] =	sst s0;
	s0 =	simm.s32 @!p1 $0x0  }
0x14: {  	s2 =	sld [smem:$0x3F91];
	s0 =	simm.s32 @p1 $0x1  }
0x15: {  	[smem:$0x3FAE] =	sst s0;
	s0 =	simm.s32 @!p2 $0x0  }
0x16: {  	s3 =	sld [smem:$0x3FDB];
	s0 =	simm.s32 @p2 $0x1  }
0x17: {  	s4 =	simm.s32 $0x1BF5;
	[smem:$0x3FB0] =	sst s0  }
0x18: {  	s0 =	sld [smem:$0x3F93];
	_ =	swait.ge [sflag:s4], $0x0  }
0x19: {  	s7 =	sld [smem:$0x3F94]  }
0x1a: {  	s8 =	sadd.s32 $0xFFFFE003, lr  }
0x1b: {  	s9 =	sadd.s32 $0xFFFFFEF7, lr;
	s5 =	simm.s32 $0xFFFFFFFF;
	p2 =	slt.u32 s8, $0xFFFFF086  }
0x1c: {  	p1 =	slt.u32 s9, $0xF7A;
	s5 =	simm.s32 @!p2 $0x0  }
0x1d: {  	s5 =	simm.s32 @p1 $0x1;
	p0 =	seq.s32 s7, s2  }
0x1e: {  	s7 =	smul.u32 @!p0 $0xF7A, s2;
	p2 =	seq.s32 @!p0 s5, $0x0  }
0x1f: {  	s9 =	smul.u32 $0xF7A, s1;
	s8 =	simm.s32 @!p0 $0x1BF5;
	p2 =	por !p2, p0  }
0x20: {  	[sflag:s8] =	ssyncset.s32 @!p0 $0xFFFFF086;
	s6 =	sadd.s32 @!p0 s3, s7;
	s7 =	simm.s32 @!p0 $0x108  }
0x21: {  	s3 =	sadd.s32 s3, s9;
	s6 =	sadd.s32 @!p0 $0x88, s6;
	s7 =	simm.s32 @p2 $0x1082  }
0x22: {  	[simem:s7], [sflag:s8] =	dma.local @!p0 [hbm:s6], $0xF7A  }
0x23: {  	s9 =	sor.u32 $0xD0000000, s2;
	s6 =	simm.s32 $0x108;
	_ =	swait.ge @!p0 [sflag:s8], $0x0  }
0x24: {  	s3 =	sadd.s32 $0x88, s3;
	s6 =	simm.s32 @!p1 $0x1082;
	[sflag:s4] =	ssyncset.s32 $0xFFFFF086  }
0x25: {  	[simem:s6], [sflag:s4] =	dma.local [hbm:s3], $0xF7A  }
0x26: {  	[smem:$0x3F94] =	sst s1;
	(tag) =	ssettag s2;
	_ =	strace s9  }
0x27: {  	s1 =	sld [smem:$0x3FA4]  }
0x28: {  	s2 =	sld [smem:$0x3FA5]  }
0x29: {  	s4 =	sld [smem:$0x3FA7]  }
0x2a: {  	p0 =	seq.s32 s5, $0x0;
	s5 =	sld [smem:$0x3FA8]  }
0x2b: {  	s6 =	sld [smem:$0x3FA9]  }
0x2c: {  	s7 =	sld [smem:$0x3FAA]  }
0x2d: {  	s3 =	simm.s32 $0x108;
	s8 =	sld [smem:$0x3FAB]  }
0x2e: {  	s3 =	simm.s32 @!p0 $0x1082;
	s9 =	sld [smem:$0x3FAC]  }
0x2f: {  	lr =	sadd.s32 s0, s3;
	s0 =	sld [smem:$0x3FA3]  }
0x30: {  	s3 =	sld [smem:$0x3FA6]  }
0x31: {  	[smem:$0x3FAF] =	sst s10  }
0x32: {  	s10 =	sld [smem:$0x3FAD];
	_ =	sdelay $0x3  }
0x33: {  	p0 =	seq.s32 s10, $0x1;
	s10 =	sld [smem:$0x3FAF];
	_ =	sdelay $0x3  }
0x34: {  	[smem:$0x3FAF] =	sst s10  }
0x35: {  	s10 =	sld [smem:$0x3FAE];
	_ =	sdelay $0x3  }
0x36: {  	p1 =	seq.s32 s10, $0x1;
	s10 =	sld [smem:$0x3FAF];
	_ =	sdelay $0x3  }
0x37: {  	[smem:$0x3FAF] =	sst s10  }
0x38: {  	s10 =	sld [smem:$0x3FB0]  }
0x39: {  	_ = 	snop;
	(pc) =	sbr.ind lr, $3  }
0x3a: {  	_ = 	snop  }
0x3b: {  	_ = 	snop  }
0x3c: {  	p2 =	seq.s32 s10, $0x1;
	s10 =	sld [smem:$0x3FAF]  }
0x3d: {  	_ =	shalt  }
0x3e: {  	_ =	shalt  }
0x3f: {  	_ =	shalt  }
0x40: {  	_ =	shalt  }
0x41: {  	_ =	shalt  }
0x42: {  	_ =	shalt  }
0x43: {  	_ =	shalt  }
0x44: {  	_ =	shalt  }
0x45: {  	_ =	shalt  }
0x46: {  	_ =	shalt  }
0x47: {  	_ =	shalt  }
0x48: {  	_ =	shalt  }
0x49: {  	_ =	shalt  }
0x4a: {  	_ =	shalt  }
0x4b: {  	_ =	shalt  }
0x4c: {  	_ =	shalt  }
0x4d: {  	_ =	shalt  }
0x4e: {  	_ =	shalt  }
0x4f: {  	_ =	shalt  }
0x50: {  	_ =	shalt  }
0x51: {  	_ =	shalt  }
0x52: {  	_ =	shalt  }
0x53: {  	_ =	shalt  }
0x54: {  	_ =	shalt  }
0x55: {  	_ =	shalt  }
0x56: {  	_ =	shalt  }
0x57: {  	_ =	shalt  }
0x58: {  	_ =	shalt  }
0x59: {  	_ =	shalt  }
0x5a: {  	_ =	shalt  }
0x5b: {  	_ =	shalt  }
0x5c: {  	_ =	shalt  }
0x5d: {  	_ =	shalt  }
0x5e: {  	_ =	shalt  }
0x5f: {  	_ =	shalt  }
0x60: {  	_ =	shalt  }
0x61: {  	_ =	shalt  }
0x62: {  	_ =	shalt  }
0x63: {  	_ =	shalt  }
0x64: {  	_ =	shalt  }
0x65: {  	_ =	shalt  }
0x66: {  	_ =	shalt  }
0x67: {  	_ =	shalt  }
0x68: {  	_ =	shalt  }
0x69: {  	_ =	shalt  }
0x6a: {  	_ =	shalt  }
0x6b: {  	_ =	shalt  }
0x6c: {  	_ =	shalt  }
0x6d: {  	_ =	shalt  }
0x6e: {  	_ =	shalt  }
0x6f: {  	_ =	shalt  }
0x70: {  	_ =	shalt  }
0x71: {  	_ =	shalt  }
0x72: {  	_ =	shalt  }
0x73: {  	_ =	shalt  }
0x74: {  	_ =	shalt  }
0x75: {  	_ =	shalt  }
0x76: {  	_ =	shalt  }
0x77: {  	_ =	shalt  }
0x78: {  	_ =	shalt  }
0x79: {  	_ =	shalt  }
0x7a: {  	_ =	shalt  }
0x7b: {  	_ =	shalt  }
0x7c: {  	_ =	shalt  }
0x7d: {  	_ =	shalt  }
0x7e: {  	_ =	shalt  }
0x7f: {  	_ =	shalt  }
0x80: {  	_ =	shalt  }
0x81: {  	_ =	shalt  }
0x82: {  	_ =	shalt  }
0x83: {  	_ =	shalt  }
0x84: {  	_ =	shalt  }
0x85: {  	_ =	shalt  }
0x86: {  	_ =	shalt  }
0x87: {  	_ =	shalt  }
.Lfunc_end0:
.L_simem_size_0:
called_computation.6_lowered:
.L_overlay_start_0:
0x88: {  	s2 =	sld [smem:$0x3FD9]  }
0x89: {  	s3 =	sld [smem:$0x3FFE];
	_ =	sdelay $0x1  }
0x8a: {  	s1 =	srdreg.scid  }
0x8b: {  	s0 =	sand.u32 $0x1, s1  }
0x8c: {  	s14 =	sshll.u32 s0, $0xA;
	s2 =	sadd.s32 s3, s2  }
0x8d: {  	s2 =	sadd.s32 s2, s14  }
0x8e: {  	[smem:$0x3FBB] =	sst s2  }
0x8f: {  	_ = 	snop  }
0x90: {  	s2 =	sld [smem:$0x3FD0];
	_ =	sdelay $0x2  }
0x91: {  	s15 =	simm.s32 $0xA;
	s4 =	simm.s32 $0x10  }
0x92: {  	[smem:s4], [sflag:s15] =	dma.local [hbm:s2], $0x1  }
0x93: {  	_ =	swait.eq [sflag:s15], $0x1  }
0x94: {  	[sflag:s15] =	ssyncset.done $0x0  }
0x95: {  	[sflag:s15] =	ssyncadd.s32 $0xFFFFFFFF  }
0x96: {  	s16 =	sld [smem:$0x10];
	(tm) =	ssettm $0x1  }
0x97: {  	s17 =	sld [smem:$0x3FFB];
	_ =	sdelay $0x3  }
0x98: {  	_ =	strace s17  }
0x99: {  	s3 =	sld [smem:$0x3FFC];
	_ =	sdelay $0x3  }
0x9a: {  	_ =	strace s3  }
0x9b: {  	s3 =	sld [smem:$0x3FFD];
	_ =	sdelay $0x3  }
0x9c: {  	_ =	strace s3  }
0x9d: {  	_ =	strace $0x8FFFFFFF  }
0x9e: {  	s18 =	sld [smem:$0x3FDB];
	_ =	sdelay $0x1  }
0x9f: {  	s19 =	simm.s32 $_scs_section_size  }
0xa0: {  	s5 =	simm.s32 $_size__tile_overlayer_lowered;
	s6 =	simm.s32 $_tile_overlayer_lowered  }
0xa1: {  	s22 =	simm.s32 $0x1BFF;
	s21 =	sshll.u32 s6, $0x1;
	s3 =	sadd.s32 s19, s18  }
0xa2: {  	s7 =	simm.s32 $0x0;
	s20 =	sshll.u32 s5, $0x1;
	s5 =	sadd.s32 s21, s3  }
0xa3: {  	[timem:s7], [sflag:s22] =	dma.local [hbm:s5], s20  }
0xa4: {  	_ =	swait.ge [sflag:s22], s20  }
0xa5: {  	s4 =	ssub.s32 $0x0, s20;
	[sflag:s22] =	ssyncset.done $0x0  }
0xa6: {  	[sflag:s22] =	ssyncadd.s32 s4;
	_ =	sdelay $0x1  }
0xa7: {  	s23 =	simm.s32 $0x1B8B  }
0xa8: {  	_ =	swait.ge [sflag:s23], $0x1  }
0xa9: {  	[sflag:s23] =	ssyncset.done $0x0  }
0xaa: {  	s25 =	simm.s32 $0x1B8E;
	s24 =	sld [smem:$0x3FFE];
	[sflag:s23] =	ssyncadd.s32 $0xFFFFFFFF  }
0xab: {  	s26 =	simm.s32 $execute0_lowered;
	[smem:$0x3FD2] =	sst s25  }
0xac: {  	s5 =	sshll.u32 s26, $0x1;
	_ =	strace $0x80000058;
	[dreg:$0x1] =	wrdreg $0xFFFFFFFF  }
0xad: {  	s28 =	simm.s32 $_size_execute0_lowered;
	s3 =	sadd.s32 s3, s5;
	[dreg:$0x0] =	wrdreg $0x0  }
0xae: {  	s5 =	sshll.u32 s28, $0x1;
	[dreg:$0x2] =	wrdreg s3  }
0xaf: {  	[dreg:$0x3] =	wrdreg s5  }
0xb0: {  	[dreg:$0x4] =	wrdreg $0xC0  }
0xb1: {  	_ =	task [dreg:s7], $0x5FFFF  }
0xb2: {  	[dreg:$0x1] =	wrdreg $0xFFFFFFFF  }
0xb3: {  	[dreg:$0x0] =	wrdreg $0x60  }
0xb4: {  	[dreg:$0x2] =	wrdreg s24  }
0xb5: {  	[dreg:$0x3] =	wrdreg s16  }
0xb6: {  	[dreg:$0x4] =	wrdreg $0x9  }
0xb7: {  	_ =	task.clear_ibuf [dreg:s7], $0x5FFFF;
	_ =	strace $0x90000058  }
0xb8: {  	s29 =	simm.s32 $0x9;
	_ =	strace $0x8000005A  }
0xb9: {  	_ =	swait.ge [sflag:s29], $0x1  }
0xba: {  	[sflag:s29] =	ssyncadd.s32 $0xFFFFFFFF  }
0xbb: {  	_ =	strace $0x9000005A  }
0xbc: {  	_ =	sfence  }
0xbd: {  	s30 =	sld [smem:$0x0];
	_ =	sdelay $0x2  }
0xbe: {  	s31 =	sshll.u32 s1, $0xD;
	s1 =	sshrl.u32 s1, $0x2  }
0xbf: {  	s3 =	sand.u32 $0x4000, s31;
	s1 =	sadd.s32 s1, s30  }
0xc0: {  	s0 =	sor.u32 s3, s0;
	s1 =	sshll.u32 s1, $0x11  }
0xc1: {  	s0 =	sor.u32 s1, s0  }
0xc2: {  	s0 =	sadd.s32 $0x8F2B, s0  }
0xc3: {  	[sflag:s0] =	ssyncadd.remote.s32 $0x1  }
0xc4: {  	_ =	sfence.sel $0xFFFF  }
0xc5: {  	[dreg:$0x0] =	wrdreg $0xFFFFFFFF;
	(pc) =	sbr.abs _section_cstart, $3  }
0xc6: {  	[dreg:$0x1] =	wrdreg $0xFFFFFFFF  }
0xc7: {  	_ =	task.clear_ibuf [dreg:s7], $0x2FFFF;
	_ =	strace $0x9FFFFFFF  }
0xc8: {  	(tm) =	ssettm $0x7FFFFFFF  }
0xc9: {  	_ =	shalt  }
tec
execute0_lowered:
.L_overlay_start_1:
0x0: {  	(tag) =	ssettag $0x1  }
0x1: {  	s8 =	rddreg [dreg:$0x0];
	s0 =	stileid.u32  }
0x2: {  	s1 =	srdreg.scid;
	s2 =	rddreg [dreg:$0x1]  }
0x3: {  	s5 =	simm.s32 $0x1;
	s9 =	simm.s32 $0x1;
	s10 =	simm.s32 $0x3  }
0x4: {  	s13 =	simm.s32 $0x0;
	s3 =	sand.u32 $0x1, s1;
	s4 =	sshll.u32 s0, $0x1  }
0x5: {  	s12 =	simm.s32 $0x0;
	s1 =	rddreg [dreg:$0x2];
	s6 =	sor.u32 s4, s3  }
0x6: {  	_ =	strace $0x80000059;
	s3 =	sadd.s32 $0x734000, s8;
	s4 =	smul.u32 $0x7000, s6  }
0x7: {  	[sflag:s5] =	ssyncpa.u1 $0x0;
	p0 =	slt.u32 s6, $0x5;
	s6 =	simm.s32 $0xE0000  }
.Ltmp0:
0x8: {  	s6 =	simm.s32 @!p0 $0x0;
	s7 =	ssub.s32 $0xFC000, s4;
	(pc) =	sbr.rel .LBB2_1-.Ltmp0, $4  }
0x9: {  	s9 =	simm.s32 @!p0 $0x0;
	p0 =	sne.s32 s7, s6;
	s7 =	simm.s32 $0x1  }
0xa: {  	s8 =	sadd.s32 $0x57200, s8;
	s6 =	simm.s32 $0x2;
	s7 =	simm.s32 @!p0 $0x0  }
0xb: {  	s11 =	smov.u32 s4;
	[sflag:s6] =	ssyncpa.u1 $0x0;
	s7 =	sadd.s32 s9, s7  }
0xc: {  	vm0 =	vmmov $0xffff;
	[sflag:s10] =	ssyncpa.u1 $0x0;
	s10 =	simm.s32 $0x0;
	s9 =	sadd.s32 $0x1, s7  }
.LBB2_4:
0xd: {  	v3 =	vmul.u32 $0xF0000, v3;
	v4 =	vsel vm1, $0xFFFFFFFF, v4;
	v5 =	vsel vm1, $0xFFFFFFFF, v5  }
0xe: {  	v2 =	vmul.u32 $0xC000, v2;
	v6 =	vshll.u32 v4, $0xA;
	v62 =	vand.u32 $0x7F, v5  }
0xf: {  	v5 =	vshll.u32 v5, $0x3;
	v4 =	vshll.u32 v4, $0x7;
	v6 =	vand.u32 $0xFFFFE000, v6  }
0x10: {  	v1 =	vadd.s32 v1, v3;
	v5 =	vand.u32 $0xFFFFFC00, v5;
	v3 =	vor.u32 v62, v6  }
0x11: {  	v63 =	vand.u32 $0x380, v4;
	v1 =	vadd.s32 v2, v1;
	v3 =	vadd.s32 v5, v3  }
0x12: {  	v1 =	vsel vm1, $0xFFC34000, v1;
	v2 =	vor.u32 v63, v3  }
0x13: {  	v1 =	vadd.s32 v1, v2;
	_ =	sdelay $0x1  }
0x14: {  	(ifvalue) =	ssetifvalue $0x7FFFFFFF;
	s15 =	sadd.s32 $0x10, s15  }
0x15: {  	[tilespmem:s15], [sflag:$0x1] =	stream.indirect_vreg.gather [hbm4b:s3+s10], $0x1, v0, vm0, $0x4038;
	[tilespmem:$0x1C000] =	vst v63  }
0x16: {  	(ifvalue) =	ssetifvalue $0x7FFFFFFF;
	s15 =	sadd.s32 $0x10, s15  }
0x17: {  	[tilespmem:s15], [sflag:$0x1] =	stream.indirect_vreg.gather [hbm4b:s3+s10], $0x1, v1, vm0, $0x4038;
	[tilespmem:$0x1C000] =	vst v63  }
0x18: {  	_ =	swait.ge [sflag:s5], $0x7000  }
0x19: {  	s30 =	sshrl.u32 s13, $0x3;
	[sflag:s5] =	ssyncset.done $0x0  }
0x1a: {  	s31 =	sand.u32 $0x7, s13;
	s15 =	sadd.s32 s8, s30;
	[sflag:s5] =	ssyncadd.s32 $0xFFFF9000  }
0x1b: {  	[hbm4b:s15+s31] =	stream.linear.scatter [tilespmem:s14], [sflag:$0x3], $0x7000, $0x38;
	[tilespmem:$0x1C000] =	vst v63  }
.LBB2_5:
0x1c: {  	s15 =	sadd.s32 $0xE0000, s11  }
0x1d: {  	p1 =	sgt.s32 s15, $0xFBFFF  }
0x1e: {  	s15 =	smov.u32 @p1 s4;
	p1 =	sne.s32 s12, s9  }
.Ltmp1:
0x1f: {  	p0 =	slt.u32 s12, $0x2;
	(pc) =	sbr.rel @!p1 .LBB2_6-.Ltmp1, $4  }
0x20: {  	s14 =	simm.s32 @!p0 $0x3  }
0x21: {  	_ =	swait.ge @!p0 [sflag:s14], $0x7000  }
0x22: {  	s16 =	sadd.s32 $0x1, s12;
	s13 =	smov.u32 s11;
	[sflag:s14] =	ssyncset.done @!p0 $0x0  }
0x23: {  	s12 =	smov.u32 s16;
	s11 =	smov.u32 s15;
	[sflag:s14] =	ssyncadd.s32 @!p0 $0xFFFF9000  }
.LBB2_1:
0x24: {  	p0 =	sge.u32 s12, s7  }
0x25: {  	s14 =	sxor.u32 @!p0 $0x1, s12  }
0x26: {  	s14 =	smul.u32 @!p0 $0x1C000, s14  }
0x27: {  	s31 =	sadd.s32 $0xFFFFFFFF, s12;
	s15 =	sshrl.u32 @!p0 s11, $0x3  }
0x28: {  	s16 =	sand.u32 @!p0 $0x7, s11;
	s15 =	sadd.s32 @!p0 s2, s15;
	s14 =	sshra.s32 @!p0 s14, $0x2  }
0x29: {  	[tilespmem:s14], [sflag:$0x2] =	stream.linear.gather @!p0 [hbm4b:s15+s16], $0x7000, $0x38;
	[tilespmem:$0x1C000] =	vst v63  }
0x2a: {  	p0 =	sge.u32 s31, s7  }
.Ltmp2:
0x2b: {  	_ = 	snop;
	(pc) =	sbr.rel @p0 .LBB2_5-.Ltmp2, $1  }
0x2c: {  	_ =	sdelay $0x3  }
0x2d: {  	s14 =	sand.u32 $0x1, s12  }
0x2e: {  	_ =	swait.ge [sflag:s6], $0x7000;
	p0 =	seq.s32 s14, $0x1;
	s14 =	simm.s32 $0x7000  }
0x2f: {  	[sflag:s6] =	ssyncset.done $0x0;
	s14 =	simm.s32 @!p0 $0x0  }
0x30: {  	[sflag:s6] =	ssyncadd.s32 $0xFFFF9000;
	(ifvalue) =	ssetifvalue $0x7FFFFFFF;
	v0 =	vld.msk [tilespmem:s14+$0x0 ss:$0x1], $0xffff;
	_ =	sdelay $0x4  }
0x31: {  	v1 =	vand.u32 $0x7, v0  }
0x32: {  	v2 =	vshrl.u32 v0, $0x15;
	vm1 =	veq.s32 v0, $0x80000000;
	v3 =	vshrl.u32 v0, $0x9  }
0x33: {  	v4 =	vshrl.u32 v0, $0xB;
	v0 =	vshrl.u32 v0, $0x3;
	v2 =	vand.u32 $0x1F, v2  }
0x34: {  	s15 =	sadd.s32 $0x10, s14;
	v1 =	vmul.u32 $0x2D0000, v1;
	v0 =	vand.u32 $0x3F, v0;
	v4 =	vand.u32 $0x3FF, v4  }
0x35: {  	v5 =	vld.msk [tilespmem:s15+$0x0 ss:$0x1], $0xffff;
	v3 =	vand.u32 $0x3, v3;
	v0 =	vsel vm1, $0xFFFFFFFF, v0;
	v4 =	vsel vm1, $0xFFFFFFFF, v4  }
0x36: {  	v2 =	vmul.u32 $0xC000, v2;
	v3 =	vmul.u32 $0xF0000, v3;
	v6 =	vshll.u32 v0, $0xA  }
0x37: {  	v0 =	vshll.u32 v0, $0x7;
	v7 =	vand.u32 $0x7F, v4;
	v4 =	vshll.u32 v4, $0x3  }
0x38: {  	v6 =	vand.u32 $0xFFFFE000, v6;
	v1 =	vadd.s32 v1, v3;
	v3 =	vand.u32 $0xFFFFFC00, v4  }
0x39: {  	v0 =	vand.u32 $0x380, v0;
	v4 =	vor.u32 v7, v6;
	v1 =	vadd.s32 v2, v1  }
0x3a: {  	v2 =	vadd.s32 v3, v4;
	v1 =	vsel vm1, $0xFFC34000, v1;
	v3 =	vshrl.u32 v5, $0x15  }
0x3b: {  	vm1 =	veq.s32 v5, $0x80000000;
	v4 =	vshrl.u32 v5, $0xB;
	v0 =	vor.u32 v0, v2  }
0x3c: {  	v2 =	vand.u32 $0x7, v5;
	v1 =	vadd.s32 v1, v0;
	v0 =	vshrl.u32 v5, $0x9  }
0x3d: {  	v4 =	vand.u32 $0x3FF, v4;
	v5 =	vshrl.u32 v5, $0x3;
	v0 =	vand.u32 $0x3, v0  }
0x3e: {  	v2 =	vmul.u32 $0x2D0000, v2;
	v5 =	vand.u32 $0x3F, v5;
	v0 =	vmul.u32 $0xF0000, v0  }
0x3f: {  	s15 =	sadd.s32 $0x10, s15;
	v3 =	vand.u32 $0x1F, v3;
	v4 =	vsel vm1, $0xFFFFFFFF, v4;
	v5 =	vsel vm1, $0xFFFFFFFF, v5  }
0x40: {  	v6 =	vld.msk [tilespmem:s15+$0x0 ss:$0x1], $0xffff;
	v3 =	vmul.u32 $0xC000, v3;
	v7 =	vshll.u32 v5, $0xA;
	v0 =	vadd.s32 v2, v0  }
0x41: {  	v2 =	vand.u32 $0x7F, v4;
	v7 =	vand.u32 $0xFFFFE000, v7;
	v4 =	vshll.u32 v4, $0x3  }
0x42: {  	v5 =	vshll.u32 v5, $0x7;
	v4 =	vand.u32 $0xFFFFFC00, v4;
	v2 =	vor.u32 v2, v7  }
0x43: {  	v0 =	vadd.s32 v3, v0;
	v3 =	vand.u32 $0x380, v5;
	v2 =	vadd.s32 v4, v2  }
0x44: {  	v0 =	vsel vm1, $0xFFC34000, v0;
	v2 =	vor.u32 v3, v2  }
0x45: {  	v5 =	vshrl.u32 v6, $0x9;
	v7 =	vshrl.u32 v6, $0xB;
	v0 =	vadd.s32 v0, v2  }
0x46: {  	s14 =	sadd.s32 $0xE000, s14;
	(ifvalue) =	ssetifvalue $0x7FFFFFFF;
	v4 =	vshrl.u32 v6, $0x15;
	vm1 =	veq.s32 v6, $0x80000000;
	v3 =	vand.u32 $0x7, v6  }
0x47: {  	[tilespmem:s14], [sflag:$0x1] =	stream.indirect_vreg.gather [hbm4b:s3+s10], $0x1, v1, vm0, $0x4038;
	v6 =	vshrl.u32 v6, $0x3;
	v2 =	vand.u32 $0x1F, v4;
	v1 =	vmul.u32 $0x2D0000, v3;
	[tilespmem:$0x1C000] =	vst v63  }
0x48: {  	s16 =	simm.s32 $0x20;
	s17 =	sadd.s32 $0x10, s15;
	s15 =	smov.u32 s14;
	v4 =	vand.u32 $0x3F, v6;
	v3 =	vand.u32 $0x3, v5;
	v5 =	vand.u32 $0x3FF, v7  }
.LBB2_3:
0x49: {  	v6 =	vld.msk [tilespmem:s17+$0x0 ss:$0x1], $0xffff;
	v4 =	vsel vm1, $0xFFFFFFFF, v4;
	v5 =	vsel vm1, $0xFFFFFFFF, v5;
	v2 =	vmul.u32 $0xC000, v2;
	(ifvalue) =	ssetifvalue $0x7FFFFFFF;
	s15 =	sadd.s32 $0x10, s15  }
0x4a: {  	v3 =	vmul.u32 $0xF0000, v3;
	v7 =	vshll.u32 v4, $0xA;
	v4 =	vshll.u32 v4, $0x7;
	[tilespmem:s15], [sflag:$0x1] =	stream.indirect_vreg.gather [hbm4b:s3+s10], $0x1, v0, vm0, $0x4038;
	[tilespmem:$0x1C000] =	vst v63  }
0x4b: {  	s16 =	sadd.s32 $0x10, s16;
	v0 =	vand.u32 $0x7F, v5;
	v5 =	vshll.u32 v5, $0x3;
	v7 =	vand.u32 $0xFFFFE000, v7  }
0x4c: {  	p0 =	slt.u32 s16, $0x6FF0;
	v1 =	vadd.s32 v1, v3;
	v3 =	vand.u32 $0xFFFFFC00, v5;
	v0 =	vor.u32 v0, v7  }
0x4d: {  	v1 =	vadd.s32 v2, v1;
	v2 =	vand.u32 $0x380, v4;
	v0 =	vadd.s32 v3, v0  }
.Ltmp3:
0x4e: {  	v1 =	vsel vm1, $0xFFC34000, v1;
	v0 =	vor.u32 v2, v0;
	(pc) =	sbr.rel @p0 .LBB2_3-.Ltmp3, $4  }
0x4f: {  	v3 =	vand.u32 $0x7, v6;
	v2 =	vshrl.u32 v6, $0x15;
	v0 =	vadd.s32 v1, v0  }
0x50: {  	vm1 =	veq.s32 v6, $0x80000000;
	v5 =	vshrl.u32 v6, $0x9;
	v7 =	vshrl.u32 v6, $0xB  }
0x51: {  	v4 =	vshrl.u32 v6, $0x3;
	v2 =	vand.u32 $0x1F, v2;
	v1 =	vmul.u32 $0x2D0000, v3  }
0x52: {  	s17 =	sadd.s32 $0x10, s17;
	v4 =	vand.u32 $0x3F, v4;
	v3 =	vand.u32 $0x3, v5;
	v5 =	vand.u32 $0x3FF, v7  }
.Ltmp4:
0x53: {  	_ = 	snop;
	(pc) =	sbr.rel .LBB2_4-.Ltmp4, $1  }
0x54: {  	_ =	sdelay $0x3  }
.LBB2_6:
0x55: {  	_ =	sfence.sel $0x180000  }
0x56: {  	s2 =	simm.s32 $0x2;
	[bflag:$0x0] =	sbarrier.arrive $0xFFFF  }
0x57: {  	s30 =	simm.s32 $0x3;
	[sflag:s2] =	ssyncpa.u1 $0x1  }
0x58: {  	s31 =	simm.s32 $0x1;
	[sflag:s30] =	ssyncpa.u1 $0x1  }
0x59: {  	[sflag:s31] =	ssyncpa.u1 $0x1  }
0x5a: {  	p0 =	sne.s32 s0, $0x0;
	_ =	strace $0x90000059  }
0x5b: {  	s0 =	sadd.s32 @!p0 $0x100000, s1;
	[bflag:$0x2] =	sbarrier.arrive $0xFFFF  }
0x5c: {  	[sflag:s0] =	ssyncadd.tile.s32 @!p0 $0x1;
	_ =	shalt  }
.Lfunc_end2:
_tile_overlayer_lowered:
.L_overlay_start_2:
0x5d: {  	(tag) =	ssettag $0x2  }
0x5e: {  	s0 =	rddreg [dreg:$0x0];
	s2 =	stileid.u32  }
0x5f: {  	s1 =	rddreg [dreg:$0x1];
	p0 =	sne.s32 s2, $0x0  }
0x60: {  	s3 =	rddreg [dreg:$0x2];
	[bflag:$0x3] =	sbarrier.arrive $0xFFFF;
	s2 =	simm.s32 @!p0 $0x1C01  }
0x61: {  	[timem:s3], [sflag:s2] =	dma.local @!p0 [hbm:s0], s1  }
0x62: {  	s0 =	simm.s32 @!p0 $0x1  }
0x63: {  	_ =	swait.ge @!p0 [sflag:s0], s1  }
0x64: {  	s1 =	ssub.s32 @!p0 $0x0, s1;
	[sflag:s0] =	ssyncset.done @!p0 $0x0  }
0x65: {  	[sflag:s0] =	ssyncadd.s32 @!p0 s1  }
0x66: {  	[bflag:$0x3] =	sbarrier.arrive $0xFFFF  }
0x67: {  	_ =	shalt  }

// kernel: sparse-core-data-format-call.1.cloned.1.call-start
scs
called_computation.1_lowered:
.L_overlay_start_0:
0x0: {  	s1 =	sld [smem:$0x3FD9]  }
0x1: {  	s2 =	sld [smem:$0x3FFE];
	_ =	sdelay $0x1  }
0x2: {  	s3 =	srdreg.scid  }
0x3: {  	s0 =	sand.u32 $0x1, s3  }
0x4: {  	s17 =	sshll.u32 s0, $0xA;
	s1 =	sadd.s32 s2, s1  }
0x5: {  	s1 =	sadd.s32 s1, s17  }
0x6: {  	[smem:$0x3FBB] =	sst s1  }
0x7: {  	_ = 	snop  }
0x8: {  	(tm) =	ssettm $0x1  }
0x9: {  	s18 =	sld [smem:$0x3FFB];
	_ =	sdelay $0x3  }
0xa: {  	_ =	strace s18  }
0xb: {  	s1 =	sld [smem:$0x3FFC];
	_ =	sdelay $0x3  }
0xc: {  	_ =	strace s1  }
0xd: {  	s1 =	sld [smem:$0x3FFD];
	_ =	sdelay $0x3  }
0xe: {  	_ =	strace s1  }
0xf: {  	_ =	strace $0x8FFFFFFF  }
0x10: {  	s19 =	sld [smem:$0x3FDB];
	_ =	sdelay $0x1  }
0x11: {  	s20 =	simm.s32 $_scs_section_size  }
0x12: {  	s4 =	simm.s32 $_size__tile_overlayer_lowered;
	s5 =	simm.s32 $_tile_overlayer_lowered  }
0x13: {  	s23 =	simm.s32 $0x1BFF;
	s22 =	sshll.u32 s5, $0x1;
	s1 =	sadd.s32 s20, s19  }
0x14: {  	s6 =	simm.s32 $0x0;
	s21 =	sshll.u32 s4, $0x1;
	s4 =	sadd.s32 s22, s1  }
0x15: {  	[timem:s6], [sflag:s23] =	dma.local [hbm:s4], s21  }
0x16: {  	_ =	swait.ge [sflag:s23], s21  }
0x17: {  	s2 =	ssub.s32 $0x0, s21;
	[sflag:s23] =	ssyncset.done $0x0  }
0x18: {  	[sflag:s23] =	ssyncadd.s32 s2;
	_ =	sdelay $0x1  }
0x19: {  	s24 =	simm.s32 $0x1B8B  }
0x1a: {  	_ =	swait.ge [sflag:s24], $0x1  }
0x1b: {  	[sflag:s24] =	ssyncset.done $0x0  }
0x1c: {  	s26 =	simm.s32 $0x1B8E;
	s25 =	sld [smem:$0x3FFE];
	[sflag:s24] =	ssyncadd.s32 $0xFFFFFFFF  }
0x1d: {  	s27 =	simm.s32 $execute0_lowered;
	[smem:$0x3FD2] =	sst s26  }
0x1e: {  	s4 =	sshll.u32 s27, $0x1;
	_ =	strace $0x8000005B;
	[dreg:$0x1] =	wrdreg $0xFFFFFFFF  }
0x1f: {  	s28 =	simm.s32 $_size_execute0_lowered;
	s1 =	sadd.s32 s1, s4;
	[dreg:$0x0] =	wrdreg $0x0  }
0x20: {  	s4 =	sshll.u32 s28, $0x1;
	[dreg:$0x2] =	wrdreg s1  }
0x21: {  	[dreg:$0x3] =	wrdreg s4  }
0x22: {  	[dreg:$0x4] =	wrdreg $0xC0  }
0x23: {  	_ =	task [dreg:s6], $0x5FFFF  }
0x24: {  	[dreg:$0x1] =	wrdreg $0xFFFFFFFF  }
0x25: {  	[dreg:$0x0] =	wrdreg $0x60  }
0x26: {  	[dreg:$0x2] =	wrdreg s25  }
0x27: {  	[dreg:$0x3] =	wrdreg $0x9  }
0x28: {  	_ =	task.clear_ibuf [dreg:s6], $0x4FFFF;
	_ =	strace $0x9000005B  }
0x29: {  	s29 =	simm.s32 $0x9;
	_ =	strace $0x8000005D  }
0x2a: {  	_ =	swait.ge [sflag:s29], $0x1  }
0x2b: {  	[sflag:s29] =	ssyncadd.s32 $0xFFFFFFFF  }
0x2c: {  	_ =	strace $0x9000005D  }
0x2d: {  	_ =	sfence  }
0x2e: {  	s30 =	sld [smem:$0x0];
	_ =	sdelay $0x2  }
0x2f: {  	s31 =	sshll.u32 s3, $0xD;
	s3 =	sshrl.u32 s3, $0x2  }
0x30: {  	s2 =	sand.u32 $0x4000, s31;
	s1 =	sadd.s32 s3, s30  }
0x31: {  	s0 =	sor.u32 s2, s0;
	s1 =	sshll.u32 s1, $0x11  }
0x32: {  	s0 =	sor.u32 s1, s0  }
0x33: {  	s0 =	sadd.s32 $0x8F2B, s0  }
0x34: {  	[sflag:s0] =	ssyncadd.remote.s32 $0x1  }
0x35: {  	_ =	sfence.sel $0xFFFF  }
0x36: {  	[dreg:$0x0] =	wrdreg $0xFFFFFFFF;
	(pc) =	sbr.abs _section_cstart, $3  }
0x37: {  	[dreg:$0x1] =	wrdreg $0xFFFFFFFF  }
0x38: {  	_ =	task.clear_ibuf [dreg:s6], $0x2FFFF;
	_ =	strace $0x9FFFFFFF  }
0x39: {  	(tm) =	ssettm $0x7FFFFFFF  }
tec
execute0_lowered:
.L_overlay_start_1:
0x0: {  	(tag) =	ssettag $0x1  }
0x1: {  	s0 =	srdreg.scid  }
0x2: {  	s1 =	sshll.u32 s0, $0x4  }
0x3: {  	s4 =	rddreg [dreg:$0x0];
	s0 =	stileid.u32;
	s1 =	sand.u32 $0x10, s1  }
0x4: {  	s7 =	simm.s32 $0x1;
	s8 =	simm.s32 $0x2;
	s1 =	sor.u32 s0, s1  }
0x5: {  	s11 =	simm.s32 $0x0;
	s10 =	simm.s32 $0x0;
	s2 =	sshll.u32 s1, $0x7  }
0x6: {  	s3 =	sadd.s32 $0x4A000, s4;
	s4 =	sadd.s32 $0x2CA000, s4;
	s6 =	ssub.s32 $0x28000, s2  }
.Ltmp0:
0x7: {  	s1 =	rddreg [dreg:$0x1];
	s5 =	sand.u32 $0xF80, s6;
	(pc) =	sbr.rel .LBB1_1-.Ltmp0, $4  }
0x8: {  	_ =	strace $0x8000005C;
	s9 =	smov.u32 s2;
	p0 =	sne.s32 s5, $0x0  }
0x9: {  	s6 =	sshrl.u32 s6, $0xC;
	s5 =	simm.s32 $0x1;
	s7 =	simm.s32 @!p0 $0x0  }
0xa: {  	[sflag:s5] =	ssyncpa.u1 $0x0;
	p0 =	por $0x0, $0x0;
	s6 =	sadd.s32 s7, s6  }
0xb: {  	[sflag:s8] =	ssyncpa.u1 $0x0;
	s8 =	simm.s32 $0x140000;
	s7 =	sadd.s32 $0x1, s6  }
.LBB1_4:
0xc: {  	v5 =	vld [tilespmem:s15+$0xFFFFFFD0];
	[tilespmem:s14+$0x2040 ss:$0x81] =	vst.msk $0xffff, v3;
	s17 =	sshll.u32 s11, $0x3  }
0xd: {  	v58 =	vld [tilespmem:s15+$0xFFFFFFE0];
	[tilespmem:s14+$0x2850 ss:$0x81] =	vst.msk $0xffff, v4;
	s25 =	sand.u32 $0x7F, s11;
	s18 =	sand.u32 $0xFFFFFC00, s17  }
0xe: {  	s16 =	sshra.s32 s16, $0x2;
	v59 =	vld [tilespmem:s15+$0xFFFFFFF0];
	[tilespmem:s14+$0x3060 ss:$0x81] =	vst.msk $0xffff, v2;
	s11 =	sor.u32 s25, s18  }
0xf: {  	v60 =	vld [tilespmem:s15+$0x0];
	[tilespmem:s14+$0x0 ss:$0x81] =	vst.msk $0xffff, v0;
	s13 =	sadd.s32 s16, s13;
	s26 =	smulhi.u32 $0xCCCCCCCD, s11  }
0x10: {  	v61 =	vld [tilespmem:s15+$0x10];
	s27 =	smulhi.u32 $0xCCCCCCCD, s17;
	[tilespmem:s13+$0x3870 ss:$0x81] =	vst.msk $0xffff, v1  }
0x11: {  	v62 =	vld [tilespmem:s15+$0x20];
	[tilespmem:s13+$0x810 ss:$0x81] =	vst.msk $0xffff, v5;
	s14 =	sshrl.u32 s26, $0x11  }
0x12: {  	v63 =	vld [tilespmem:s15+$0xFFFFFFC0];
	s28 =	sshrl.u32 s27, $0x11;
	[tilespmem:s13+$0x1020 ss:$0x81] =	vst.msk $0xffff, v58;
	s14 =	smul.u32 $0x28000, s14  }
0x13: {  	s15 =	sand.u32 $0x7F, s28;
	[tilespmem:s13+$0x1830 ss:$0x81] =	vst.msk $0xffff, v59  }
0x14: {  	[tilespmem:s13+$0x2040 ss:$0x81] =	vst.msk $0xffff, v60;
	s29 =	smul.u32 $0x5000, s15;
	s11 =	ssub.s32 s11, s14  }
0x15: {  	[tilespmem:s13+$0x2850 ss:$0x81] =	vst.msk $0xffff, v61;
	s30 =	sand.u32 $0x7, s11  }
0x16: {  	[tilespmem:s13+$0x3060 ss:$0x81] =	vst.msk $0xffff, v62;
	s14 =	sadd.s32 s4, s29;
	s11 =	sshrl.u32 s11, $0x3;
	s15 =	sshll.u32 s30, $0x12  }
0x17: {  	[tilespmem:s13+$0x0 ss:$0x81] =	vst.msk $0xffff, v63;
	s11 =	sadd.s32 s11, s14;
	s31 =	sor.u32 $0x400, s15  }
0x18: {  	[hbm4b:s11+s31] =	stream.strided.scatter [tilespmem:s12], [sflag:$0x2], $0x4000, s8, s31, $0x20;
	[tilespmem:$0x10100] =	vst v63  }
.LBB1_5:
0x19: {  	s13 =	sadd.s32 $0x1000, s9  }
0x1a: {  	p2 =	sgt.s32 s13, $0x27FFF  }
0x1b: {  	s13 =	smov.u32 @p2 s2;
	p2 =	sne.s32 s10, s7  }
.Ltmp1:
0x1c: {  	p1 =	slt.u32 s10, $0x2;
	(pc) =	sbr.rel @!p2 .LBB1_6-.Ltmp1, $4  }
0x1d: {  	s12 =	simm.s32 @!p1 $0x2  }
0x1e: {  	s14 =	sadd.s32 $0x1, s10;
	_ =	swait.ge @!p1 [sflag:s12], $0x4000  }
0x1f: {  	s11 =	smov.u32 s9;
	p0 =	por !p0, !p0;
	[sflag:s12] =	ssyncset.done @!p1 $0x0  }
0x20: {  	s10 =	smov.u32 s14;
	s9 =	smov.u32 s13;
	[sflag:s12] =	ssyncadd.s32 @!p1 $0xFFFFC000  }
.LBB1_1:
0x21: {  	p1 =	sge.u32 s10, s6  }
0x22: {  	s12 =	sand.u32 @!p1 $0x1FFFFFF, s9  }
0x23: {  	s13 =	smulhi.u32 @!p1 $0xCCCCCD, s12;
	_ =	sdelay $0x1  }
0x24: {  	s13 =	sshrl.u32 @!p1 s13, $0x9  }
0x25: {  	s13 =	smul.u32 @!p1 $0x28000, s13;
	_ =	sdelay $0x1  }
0x26: {  	s14 =	sxor.u32 @!p1 $0xFFFFFFFF, s10;
	s12 =	ssub.s32 @!p1 s12, s13  }
0x27: {  	s31 =	sadd.s32 $0xFFFFFFFF, s10;
	s13 =	sshll.u32 @!p1 s14, $0xE;
	s12 =	sshll.u32 @!p1 s12, $0x4  }
0x28: {  	s14 =	simm.s32 @!p1 $0x0;
	s13 =	sand.u32 @!p1 $0x4000, s13;
	s12 =	sadd.s32 @!p1 s3, s12  }
0x29: {  	[tilespmem:s13], [sflag:$0x1] =	stream.linear.gather @!p1 [hbm4b:s12+s14], $0x4000, $0x38;
	[tilespmem:$0x10100] =	vst v63  }
0x2a: {  	p1 =	sge.u32 s31, s6  }
.Ltmp2:
0x2b: {  	_ = 	snop;
	(pc) =	sbr.rel @p1 .LBB1_5-.Ltmp2, $1  }
0x2c: {  	_ =	sdelay $0x3  }
0x2d: {  	s12 =	simm.s32 $0x1  }
0x2e: {  	_ =	swait.ge [sflag:s5], $0x4000;
	s12 =	simm.s32 @!p0 $0x0  }
0x2f: {  	[sflag:s5] =	ssyncset.done $0x0;
	s13 =	sshll.u32 s12, $0xE  }
0x30: {  	[sflag:s5] =	ssyncadd.s32 $0xFFFFC000;
	s15 =	sor.u32 $0x40, s13  }
0x31: {  	s12 =	smul.u32 $0x10200, s12;
	v0 =	vld [tilespmem:s15+$0x30]  }
0x32: {  	v1 =	vld [tilespmem:s15+$0xFFFFFFD0]  }
0x33: {  	s12 =	sshrl.u32 s12, $0x2;
	v5 =	vld [tilespmem:s15+$0xFFFFFFE0]  }
0x34: {  	v6 =	vld [tilespmem:s15+$0xFFFFFFF0];
	s13 =	sor.u32 $0x8000, s12  }
0x35: {  	s31 =	sand.u32 $0x1, s10;
	v3 =	vld [tilespmem:s15+$0x0];
	s14 =	sadd.s32 $0x0, s13  }
0x36: {  	v4 =	vld [tilespmem:s15+$0x10];
	s12 =	smul.u32 $0x10200, s31;
	[tilespmem:s14+$0x3870 ss:$0x81] =	vst.msk $0xffff, v0  }
0x37: {  	v2 =	vld [tilespmem:s15+$0x20];
	[tilespmem:s14+$0x810 ss:$0x81] =	vst.msk $0xffff, v1  }
0x38: {  	s12 =	sshrl.u32 s12, $0x2;
	v0 =	vld [tilespmem:s15+$0xFFFFFFC0];
	[tilespmem:s14+$0x1020 ss:$0x81] =	vst.msk $0xffff, v5;
	s15 =	sadd.s32 $0x80, s15  }
0x39: {  	s16 =	simm.s32 $0x4;
	s17 =	simm.s32 $0x8;
	s12 =	sor.u32 $0x8000, s12;
	[tilespmem:s14+$0x1830 ss:$0x81] =	vst.msk $0xffff, v6;
	v1 =	vld [tilespmem:s15+$0x30]  }
.LBB1_3:
0x3a: {  	p1 =	sne.s32 s17, $0x1FC;
	v5 =	vld [tilespmem:s15+$0xFFFFFFD0];
	[tilespmem:s14+$0x2040 ss:$0x81] =	vst.msk $0xffff, v3  }
0x3b: {  	v6 =	vld [tilespmem:s15+$0xFFFFFFE0];
	[tilespmem:s14+$0x2850 ss:$0x81] =	vst.msk $0xffff, v4  }
0x3c: {  	s18 =	sshra.s32 s16, $0x2;
	s16 =	smov.u32 s17;
	v7 =	vld [tilespmem:s15+$0xFFFFFFF0];
	[tilespmem:s14+$0x3060 ss:$0x81] =	vst.msk $0xffff, v2  }
.Ltmp3:
0x3d: {  	v3 =	vld [tilespmem:s15+$0x0];
	[tilespmem:s14+$0x0 ss:$0x81] =	vst.msk $0xffff, v0;
	s14 =	sadd.s32 s18, s13;
	(pc) =	sbr.rel @p1 .LBB1_3-.Ltmp3, $4  }
0x3e: {  	v4 =	vld [tilespmem:s15+$0x10];
	[tilespmem:s14+$0x3870 ss:$0x81] =	vst.msk $0xffff, v1  }
0x3f: {  	[tilespmem:s14+$0x810 ss:$0x81] =	vst.msk $0xffff, v5;
	v2 =	vld [tilespmem:s15+$0x20]  }
0x40: {  	v0 =	vld [tilespmem:s15+$0xFFFFFFC0];
	[tilespmem:s14+$0x1020 ss:$0x81] =	vst.msk $0xffff, v6;
	s15 =	sadd.s32 $0x80, s15  }
0x41: {  	s17 =	sadd.s32 $0x4, s17;
	v1 =	vld [tilespmem:s15+$0x30];
	[tilespmem:s14+$0x1830 ss:$0x81] =	vst.msk $0xffff, v7  }
.Ltmp4:
0x42: {  	_ = 	snop;
	(pc) =	sbr.rel .LBB1_4-.Ltmp4, $1  }
0x43: {  	_ =	sdelay $0x3  }
.LBB1_6:
0x44: {  	_ =	sfence.sel $0x180000  }
0x45: {  	s2 =	simm.s32 $0x1;
	[bflag:$0x0] =	sbarrier.arrive $0xFFFF  }
0x46: {  	s31 =	simm.s32 $0x2;
	[sflag:s2] =	ssyncpa.u1 $0x1  }
0x47: {  	[sflag:s31] =	ssyncpa.u1 $0x1  }
0x48: {  	p0 =	sne.s32 s0, $0x0;
	_ =	strace $0x9000005C  }
0x49: {  	s0 =	sadd.s32 @!p0 $0x100000, s1;
	[bflag:$0x2] =	sbarrier.arrive $0xFFFF  }
0x4a: {  	[sflag:s0] =	ssyncadd.tile.s32 @!p0 $0x1;
	_ =	shalt  }
.Lfunc_end1:
_tile_overlayer_lowered:
.L_overlay_start_2:
0x4b: {  	(tag) =	ssettag $0x2  }
0x4c: {  	s0 =	rddreg [dreg:$0x0];
	s2 =	stileid.u32  }
0x4d: {  	s1 =	rddreg [dreg:$0x1];
	p0 =	sne.s32 s2, $0x0  }
0x4e: {  	s3 =	rddreg [dreg:$0x2];
	[bflag:$0x3] =	sbarrier.arrive $0xFFFF;
	s2 =	simm.s32 @!p0 $0x1C01  }
0x4f: {  	[timem:s3], [sflag:s2] =	dma.local @!p0 [hbm:s0], s1  }
0x50: {  	s0 =	simm.s32 @!p0 $0x1  }
0x51: {  	_ =	swait.ge @!p0 [sflag:s0], s1  }
0x52: {  	s1 =	ssub.s32 @!p0 $0x0, s1;
	[sflag:s0] =	ssyncset.done @!p0 $0x0  }
0x53: {  	[sflag:s0] =	ssyncadd.s32 @!p0 s1  }
0x54: {  	[bflag:$0x3] =	sbarrier.arrive $0xFFFF  }
0x55: {  	_ =	shalt  }

// kernel: sparse-core-data-format-call.2.cloned.1.call-start
scs
called_computation.2_lowered:
.L_overlay_start_0:
0x0: {  	s1 =	sld [smem:$0x3FD9]  }
0x1: {  	s2 =	sld [smem:$0x3FFE];
	_ =	sdelay $0x1  }
0x2: {  	s3 =	srdreg.scid  }
0x3: {  	s0 =	sand.u32 $0x1, s3  }
0x4: {  	s17 =	sshll.u32 s0, $0xA;
	s1 =	sadd.s32 s2, s1  }
0x5: {  	s1 =	sadd.s32 s1, s17  }
0x6: {  	[smem:$0x3FBB] =	sst s1  }
0x7: {  	_ = 	snop  }
0x8: {  	(tm) =	ssettm $0x1  }
0x9: {  	s18 =	sld [smem:$0x3FFB];
	_ =	sdelay $0x3  }
0xa: {  	_ =	strace s18  }
0xb: {  	s1 =	sld [smem:$0x3FFC];
	_ =	sdelay $0x3  }
0xc: {  	_ =	strace s1  }
0xd: {  	s1 =	sld [smem:$0x3FFD];
	_ =	sdelay $0x3  }
0xe: {  	_ =	strace s1  }
0xf: {  	_ =	strace $0x8FFFFFFF  }
0x10: {  	s19 =	sld [smem:$0x3FDB];
	_ =	sdelay $0x1  }
0x11: {  	s20 =	simm.s32 $_scs_section_size  }
0x12: {  	s4 =	simm.s32 $_size__tile_overlayer_lowered;
	s5 =	simm.s32 $_tile_overlayer_lowered  }
0x13: {  	s23 =	simm.s32 $0x1BFF;
	s22 =	sshll.u32 s5, $0x1;
	s1 =	sadd.s32 s20, s19  }
0x14: {  	s6 =	simm.s32 $0x0;
	s21 =	sshll.u32 s4, $0x1;
	s4 =	sadd.s32 s22, s1  }
0x15: {  	[timem:s6], [sflag:s23] =	dma.local [hbm:s4], s21  }
0x16: {  	_ =	swait.ge [sflag:s23], s21  }
0x17: {  	s2 =	ssub.s32 $0x0, s21;
	[sflag:s23] =	ssyncset.done $0x0  }
0x18: {  	[sflag:s23] =	ssyncadd.s32 s2;
	_ =	sdelay $0x1  }
0x19: {  	s24 =	simm.s32 $0x1B8B  }
0x1a: {  	_ =	swait.ge [sflag:s24], $0x1  }
0x1b: {  	[sflag:s24] =	ssyncset.done $0x0  }
0x1c: {  	s26 =	simm.s32 $0x1B8E;
	s25 =	sld [smem:$0x3FFE];
	[sflag:s24] =	ssyncadd.s32 $0xFFFFFFFF  }
0x1d: {  	s27 =	simm.s32 $execute0_lowered;
	[smem:$0x3FD2] =	sst s26  }
0x1e: {  	s4 =	sshll.u32 s27, $0x1;
	_ =	strace $0x80000055;
	[dreg:$0x1] =	wrdreg $0xFFFFFFFF  }
0x1f: {  	s28 =	simm.s32 $_size_execute0_lowered;
	s1 =	sadd.s32 s1, s4;
	[dreg:$0x0] =	wrdreg $0x0  }
0x20: {  	s4 =	sshll.u32 s28, $0x1;
	[dreg:$0x2] =	wrdreg s1  }
0x21: {  	[dreg:$0x3] =	wrdreg s4  }
0x22: {  	[dreg:$0x4] =	wrdreg $0xC0  }
0x23: {  	_ =	task [dreg:s6], $0x5FFFF  }
0x24: {  	[dreg:$0x1] =	wrdreg $0xFFFFFFFF  }
0x25: {  	[dreg:$0x0] =	wrdreg $0x60  }
0x26: {  	[dreg:$0x2] =	wrdreg s25  }
0x27: {  	[dreg:$0x3] =	wrdreg $0x9  }
0x28: {  	_ =	task.clear_ibuf [dreg:s6], $0x4FFFF;
	_ =	strace $0x90000055  }
0x29: {  	s29 =	simm.s32 $0x9;
	_ =	strace $0x80000057  }
0x2a: {  	_ =	swait.ge [sflag:s29], $0x1  }
0x2b: {  	[sflag:s29] =	ssyncadd.s32 $0xFFFFFFFF  }
0x2c: {  	_ =	strace $0x90000057  }
0x2d: {  	_ =	sfence  }
0x2e: {  	s30 =	sld [smem:$0x0];
	_ =	sdelay $0x2  }
0x2f: {  	s31 =	sshll.u32 s3, $0xD;
	s3 =	sshrl.u32 s3, $0x2  }
0x30: {  	s2 =	sand.u32 $0x4000, s31;
	s1 =	sadd.s32 s3, s30  }
0x31: {  	s0 =	sor.u32 s2, s0;
	s1 =	sshll.u32 s1, $0x11  }
0x32: {  	s0 =	sor.u32 s1, s0  }
0x33: {  	s0 =	sadd.s32 $0x8F2B, s0  }
0x34: {  	[sflag:s0] =	ssyncadd.remote.s32 $0x1  }
0x35: {  	_ =	sfence.sel $0xFFFF  }
0x36: {  	[dreg:$0x0] =	wrdreg $0xFFFFFFFF;
	(pc) =	sbr.abs _section_cstart, $3  }
0x37: {  	[dreg:$0x1] =	wrdreg $0xFFFFFFFF  }
0x38: {  	_ =	task.clear_ibuf [dreg:s6], $0x2FFFF;
	_ =	strace $0x9FFFFFFF  }
0x39: {  	(tm) =	ssettm $0x7FFFFFFF  }
tec
execute0_lowered:
.L_overlay_start_1:
0x0: {  	(tag) =	ssettag $0x1  }
0x1: {  	s3 =	stileid.u32  }
0x2: {  	s0 =	srdreg.scid;
	s2 =	rddreg [dreg:$0x0]  }
0x3: {  	_ =	strace $0x80000056;
	s30 =	simm.s32 $0x1;
	s31 =	simm.s32 $0x2  }
0x4: {  	s23 =	simm.s32 $0x0;
	s21 =	simm.s32 $0x0;
	s25 =	simm.s32 $0x0  }
0x5: {  	s24 =	simm.s32 $0x0;
	s22 =	simm.s32 $0x0;
	s10 =	simm.s32 $0x0  }
0x6: {  	s11 =	simm.s32 $0x0;
	s1 =	sshll.u32 s3, $0x4;
	s0 =	sshll.u32 s0, $0x8  }
0x7: {  	s12 =	simm.s32 $0x0;
	s18 =	simm.s32 $0x0;
	s0 =	sor.u32 s1, s0  }
0x8: {  	s14 =	simm.s32 $0x0;
	s15 =	simm.s32 $0x0;
	s7 =	sand.u32 $0x180, s0  }
0x9: {  	s27 =	simm.s32 $0x0;
	s19 =	simm.s32 $0x0;
	s0 =	ssub.s32 $0x400, s7  }
0xa: {  	s8 =	sadd.s32 $0x40A000, s2;
	s29 =	sadd.s32 $0x4A000, s2;
	s28 =	sand.u32 $0x180, s0  }
0xb: {  	s13 =	sand.u32 $0x7, s3;
	s1 =	simm.s32 $0x1;
	p0 =	sne.s32 s28, $0x0  }
0xc: {  	[dreg:$0x4] =	wrdreg s29;
	s0 =	sshrl.u32 s0, $0x9;
	s1 =	simm.s32 @!p0 $0x0  }
.Ltmp0:
0xd: {  	[dreg:$0x3] =	wrdreg s8;
	s0 =	sadd.s32 s1, s0;
	(pc) =	sbr.rel .LBB1_1-.Ltmp0, $4  }
0xe: {  	[sflag:s30] =	ssyncpa.u1 $0x0;
	[dreg:$0x6] =	wrdreg s13;
	s9 =	smul.u32 $0xBD, s0  }
0xf: {  	s20 =	simm.s32 $0x0;
	[sflag:s31] =	ssyncpa.u1 $0x0;
	[dreg:$0x2] =	wrdreg s7  }
0x10: {  	s17 =	smov.u32 s13;
	s26 =	sadd.s32 $0x1, s9;
	[dreg:$0x5] =	wrdreg s9  }
0x11: {  	s16 =	smov.u32 s7;
	p0 =	por $0x0, $0x0;
	[dreg:$0x7] =	wrdreg s26  }
.LBB1_4:
0x12: {  	[tilespmem:s4+$0xFFFFFFFA ss:$0x81] =	vst.msk $0xff, v4  }
0x13: {  	v4 =	vld.msk [tilespmem:s3+$0xFFFFFFF0], $0xff;
	_ =	sdelay $0x3  }
0x14: {  	[tilespmem:s30+$0xFFFFFFFB ss:$0x81] =	vst.msk $0xff, v3  }
0x15: {  	v3 =	vld.msk [tilespmem:s9+$0xFFFFFFF8], $0xff;
	[tilespmem:s4+$0xFFFFFFFB ss:$0x81] =	vst.msk $0xff, v4  }
0x16: {  	v4 =	vld.msk [tilespmem:s3+$0xFFFFFFF8], $0xff;
	_ =	sdelay $0x2  }
0x17: {  	v5 =	vld.msk [tilespmem:s0+$0x0], $0xff  }
0x18: {  	[tilespmem:s30+$0xFFFFFFFC ss:$0x81] =	vst.msk $0xff, v3  }
0x19: {  	s2 =	sshll.u32 s14, $0xA;
	p1 =	sgt.s32 s12, $0x7;
	v3 =	vld.msk [tilespmem:s9+$0x0], $0xff;
	[tilespmem:s4+$0xFFFFFFFC ss:$0x81] =	vst.msk $0xff, v4  }
0x1a: {  	s8 =	smov.u32 s12;
	s7 =	sshll.u32 s11, $0x3;
	s6 =	sshra.s32 s12, $0x1F;
	v4 =	vld.msk [tilespmem:s3+$0x0], $0xff  }
0x1b: {  	s13 =	smov.u32 s18;
	s5 =	sshra.s32 s18, $0x1F;
	s2 =	sand.u32 $0xFFFFE000, s2  }
0x1c: {  	p2 =	sgt.s32 s14, $0x17;
	s8 =	simm.s32 @!p1 $0x7;
	s2 =	sadd.s32 s2, s7;
	[tilespmem:s29+$0xFFFFFFFD ss:$0x81] =	vst.msk $0xff, v5  }
0x1d: {  	s6 =	sand.u32 s6, s12;
	p1 =	sgt.s32 s18, $0x2;
	[dreg:$0xa] =	wrdreg s2  }
0x1e: {  	s5 =	sand.u32 s5, s18;
	s6 =	ssub.s32 s8, s6;
	s13 =	simm.s32 @!p1 $0x2;
	v5 =	vld.msk [tilespmem:s0+$0x8], $0xff;
	[tilespmem:s30+$0xFFFFFFFD ss:$0x81] =	vst.msk $0xff, v3  }
0x1f: {  	s8 =	sadd.s32 $0xFFFFFFF9, s6;
	s5 =	ssub.s32 s13, s5;
	s6 =	ssub.s32 $0x8, s6;
	v3 =	vld.msk [tilespmem:s9+$0x8], $0xff;
	[tilespmem:s4+$0xFFFFFFFD ss:$0x81] =	vst.msk $0xff, v4  }
0x20: {  	p1 =	sgt.s32 s8, $0x0;
	s13 =	sadd.s32 $0xFFFFFFFE, s5;
	s8 =	smov.u32 s14;
	v4 =	vld.msk [tilespmem:s3+$0x8], $0xff  }
0x21: {  	s5 =	ssub.s32 $0x3, s5;
	p3 =	sgt.s32 s13, $0x0;
	s2 =	sshra.s32 s14, $0x1F  }
0x22: {  	s8 =	simm.s32 @!p2 $0x17;
	p2 =	sgt.s32 s11, $0x380;
	s7 =	sand.u32 s2, s14;
	[tilespmem:s28+$0xFFFFFFFE ss:$0x81] =	vst.msk $0xff, v2  }
0x23: {  	s13 =	smov.u32 s11;
	s2 =	sshra.s32 s11, $0x1F;
	s7 =	ssub.s32 s8, s7;
	v2 =	vld.msk [tilespmem:s1+$0x10], $0xff;
	[tilespmem:s29+$0xFFFFFFFE ss:$0x81] =	vst.msk $0xff, v5  }
0x24: {  	s13 =	simm.s32 @!p2 $0x380;
	s2 =	sand.u32 s2, s11;
	s8 =	sadd.s32 $0xFFFFFFE9, s7;
	v5 =	vld.msk [tilespmem:s0+$0x10], $0xff;
	[tilespmem:s30+$0xFFFFFFFE ss:$0x81] =	vst.msk $0xff, v3  }
0x25: {  	s2 =	ssub.s32 s13, s2;
	s7 =	ssub.s32 $0x18, s7;
	p4 =	sgt.s32 s8, $0x0;
	v3 =	vld.msk [tilespmem:s9+$0x10], $0xff;
	[tilespmem:s4+$0xFFFFFFFE ss:$0x81] =	vst.msk $0xff, v4  }
0x26: {  	s5 =	simm.s32 @p3 $0x0;
	s13 =	sadd.s32 $0xFFFFFC80, s2;
	s7 =	simm.s32 @p4 $0x0;
	v4 =	vld.msk [tilespmem:s3+$0x10], $0xff  }
0x27: {  	p2 =	sgt.s32 s13, $0x7F;
	s5 =	smul.u32 s7, s5;
	s13 =	rddreg [dreg:$0xa];
	[tilespmem:s27+$0xFFFFFFFF ss:$0x81] =	vst.msk $0xff, v1  }
0x28: {  	s6 =	simm.s32 @p1 $0x0;
	[tilespmem:s28+$0xFFFFFFFF ss:$0x81] =	vst.msk $0xff, v2;
	v1 =	vld.msk [tilespmem:s31+$0x18], $0xff  }
0x29: {  	s2 =	ssub.s32 $0x400, s2;
	s5 =	smul.u32 s6, s5;
	[tilespmem:s29+$0xFFFFFFFF ss:$0x81] =	vst.msk $0xff, v5;
	v2 =	vld.msk [tilespmem:s1+$0x18], $0xff  }
0x2a: {  	p3 =	sgt.s32 s10, $0xC;
	s7 =	smov.u32 s10;
	s2 =	simm.s32 @p2 $0x0;
	[tilespmem:s30+$0xFFFFFFFF ss:$0x81] =	vst.msk $0xff, v3;
	v61 =	vld.msk [tilespmem:s0+$0x18], $0xff  }
0x2b: {  	s6 =	sshra.s32 s10, $0x1F;
	s2 =	smul.u32 s2, s5;
	s8 =	sshrl.u32 s13, $0xA;
	v62 =	vld.msk [tilespmem:s9+$0x18], $0xff;
	[tilespmem:s4+$0xFFFFFFFF ss:$0x81] =	vst.msk $0xff, v4  }
0x2c: {  	s7 =	simm.s32 @!p3 $0xC;
	s6 =	sand.u32 s6, s10;
	[tilespmem:s26+$0x0 ss:$0x81] =	vst.msk $0xff, v0;
	s13 =	smulhi.u32 $0xAAAAAAB, s8;
	v63 =	vld.msk [tilespmem:s3+$0x18], $0xff  }
0x2d: {  	s26 =	smul.u32 $0x2D000, s12;
	s1 =	ssub.s32 s7, s6;
	[tilespmem:s27+$0x0 ss:$0x81] =	vst.msk $0xff, v1  }
0x2e: {  	s7 =	sshll.u32 s14, $0x7;
	s6 =	smul.u32 $0x18, s13;
	s13 =	rddreg [dreg:$0x4];
	[tilespmem:s28+$0x0 ss:$0x81] =	vst.msk $0xff, v2  }
0x2f: {  	s31 =	sand.u32 $0x78, s11;
	s5 =	sand.u32 $0x380, s7;
	s7 =	sadd.s32 $0xFFFFFFF4, s1;
	[tilespmem:s29+$0x0 ss:$0x81] =	vst.msk $0xff, v61  }
0x30: {  	s9 =	smul.u32 $0xF000, s18;
	s1 =	ssub.s32 $0x14, s1;
	p1 =	sgt.s32 s7, $0x7;
	[tilespmem:s30+$0x0 ss:$0x81] =	vst.msk $0xff, v62  }
0x31: {  	s0 =	sor.u32 s5, s31;
	s31 =	smul.u32 $0xC00, s10;
	s1 =	simm.s32 @p1 $0x0;
	[tilespmem:s4+$0x0 ss:$0x81] =	vst.msk $0xff, v63  }
0x32: {  	s0 =	sshrl.u32 s0, $0x3;
	s7 =	sadd.s32 s13, s9;
	s4 =	rddreg [dreg:$0x9]  }
0x33: {  	s1 =	smul.u32 s1, s2;
	s26 =	sadd.s32 s26, s7;
	s7 =	rddreg [dreg:$0x2]  }
0x34: {  	s6 =	ssub.s32 s8, s6;
	s28 =	sand.u32 $0x7, s11;
	s8 =	rddreg [dreg:$0x3]  }
0x35: {  	s29 =	sshll.u32 s6, $0x7;
	s1 =	sand.u32 $0x3FFFFFFF, s1;
	s9 =	rddreg [dreg:$0x5]  }
0x36: {  	s30 =	sshll.u32 s28, $0x12;
	s2 =	sadd.s32 s31, s26;
	s13 =	rddreg [dreg:$0x6]  }
0x37: {  	s31 =	simm.s32 $0x6000;
	s0 =	sadd.s32 s0, s2;
	s26 =	rddreg [dreg:$0x7]  }
0x38: {  	s2 =	sor.u32 $0x80, s30;
	s0 =	sadd.s32 s29, s0;
	s27 =	rddreg [dreg:$0x8]  }
0x39: {  	[hbm4b:s0+s2] =	stream.strided.scatter [tilespmem:s4], [sflag:$0x2], s1, s31, s2, $0x20;
	[tilespmem:$0x1010] =	vst v63  }
.LBB1_5:
0x3a: {  	p1 =	slt.u32 s20, $0x2;
	s0 =	smov.u32 s25  }
0x3b: {  	p0 =	por !p0, !p0;
	p2 =	sgt.s32 @!p1 s25, $0x7;
	s1 =	sshra.s32 @!p1 s25, $0x1F  }
0x3c: {  	s2 =	sshra.s32 @!p1 s24, $0x1F;
	p3 =	sgt.s32 @!p1 s23, $0xC;
	s4 =	sshra.s32 @!p1 s22, $0x1F  }
0x3d: {  	s5 =	sshra.s32 @!p1 s21, $0x1F;
	p2 =	por !p2, p1;
	s1 =	sand.u32 @!p1 s1, s25  }
0x3e: {  	s2 =	sand.u32 @!p1 s2, s24;
	p3 =	por !p3, p1;
	s4 =	sand.u32 @!p1 s4, s22  }
0x3f: {  	s5 =	sand.u32 @!p1 s5, s21;
	s0 =	simm.s32 @p2 $0x7;
	p2 =	sgt.s32 @!p1 s24, $0x2  }
0x40: {  	s0 =	ssub.s32 @!p1 s0, s1;
	p2 =	por !p2, p1;
	s1 =	smov.u32 s24  }
0x41: {  	s25 =	smov.u32 s12;
	s3 =	sadd.s32 @!p1 $0xFFFFFFF9, s0;
	s1 =	simm.s32 @p2 $0x2  }
0x42: {  	s0 =	ssub.s32 @!p1 $0x8, s0;
	p2 =	sgt.s32 @!p1 s3, $0x0;
	s1 =	ssub.s32 @!p1 s1, s2  }
0x43: {  	s3 =	sshra.s32 @!p1 s23, $0x1F;
	s2 =	sadd.s32 @!p1 $0xFFFFFFFE, s1;
	p2 =	por !p2, p1  }
0x44: {  	s3 =	sand.u32 @!p1 s3, s23;
	p4 =	sgt.s32 @!p1 s2, $0x0;
	s2 =	smov.u32 s23  }
0x45: {  	s1 =	ssub.s32 @!p1 $0x3, s1;
	s2 =	simm.s32 @p3 $0xC;
	p3 =	por !p4, p1  }
0x46: {  	s0 =	simm.s32 @!p2 $0x0;
	s2 =	ssub.s32 @!p1 s2, s3;
	s1 =	simm.s32 @!p3 $0x0  }
0x47: {  	p3 =	sgt.s32 @!p1 s22, $0x17;
	s3 =	sadd.s32 @!p1 $0xFFFFFFF4, s2;
	s2 =	ssub.s32 @!p1 $0x14, s2  }
0x48: {  	p3 =	por !p3, p1;
	p2 =	sgt.s32 @!p1 s3, $0x7;
	s3 =	smov.u32 s22  }
0x49: {  	p2 =	por !p2, p1;
	s3 =	simm.s32 @p3 $0x17;
	p3 =	sgt.s32 @!p1 s21, $0x380  }
0x4a: {  	s3 =	ssub.s32 @!p1 s3, s4;
	p3 =	por !p3, p1;
	s4 =	smov.u32 s21  }
0x4b: {  	s2 =	simm.s32 @!p2 $0x0;
	s6 =	sadd.s32 @!p1 $0xFFFFFFE9, s3;
	s4 =	simm.s32 @p3 $0x380  }
0x4c: {  	s3 =	ssub.s32 @!p1 $0x18, s3;
	p2 =	sgt.s32 @!p1 s6, $0x0;
	s4 =	ssub.s32 @!p1 s4, s5  }
0x4d: {  	s6 =	smov.u32 s16;
	p2 =	por !p2, p1;
	s5 =	sadd.s32 @!p1 $0xFFFFFC80, s4  }
0x4e: {  	s3 =	simm.s32 @!p2 $0x0;
	p3 =	sgt.s32 @!p1 s5, $0x7F;
	s5 =	sadd.s32 $0x8, s15  }
0x4f: {  	s1 =	smul.u32 @!p1 s3, s1;
	p2 =	sgt.s32 s5, $0x13;
	s3 =	sadd.s32 $0x200, s16  }
0x50: {  	s12 =	smov.u32 s17;
	s6 =	smov.u32 @p2 s3;
	s3 =	smov.u32 s17  }
0x51: {  	s0 =	smul.u32 @!p1 s0, s1;
	p4 =	sgt.s32 s6, $0x3FF;
	s1 =	sadd.s32 $0x8, s17  }
0x52: {  	s4 =	ssub.s32 @!p1 $0x400, s4;
	p3 =	por !p3, p1;
	s3 =	smov.u32 @p4 s1  }
0x53: {  	s4 =	simm.s32 @!p3 $0x0;
	s1 =	simm.s32 $0x1;
	p3 =	sgt.s32 s3, $0x7  }
0x54: {  	s24 =	smov.u32 s18;
	s0 =	smul.u32 @!p1 s4, s0;
	s1 =	simm.s32 @!p3 $0x0  }
0x55: {  	s18 =	smov.u32 s27;
	s5 =	simm.s32 @p2 $0x0;
	s1 =	sadd.s32 s1, s27  }
0x56: {  	s0 =	smul.u32 @!p1 s2, s0;
	s2 =	simm.s32 $0x1;
	p2 =	sgt.s32 s1, $0x2  }
0x57: {  	s23 =	smov.u32 s10;
	s10 =	smov.u32 s15;
	s2 =	simm.s32 @!p2 $0x0  }
0x58: {  	s22 =	smov.u32 s14;
	s14 =	smov.u32 s19;
	s2 =	sadd.s32 s2, s19  }
0x59: {  	s21 =	smov.u32 s11;
	s1 =	simm.s32 @p2 $0x0;
	p2 =	sgt.s32 s2, $0x14  }
0x5a: {  	s11 =	smov.u32 s16;
	s2 =	simm.s32 @p2 $0x0;
	p2 =	sne.s32 s20, s26  }
.Ltmp1:
0x5b: {  	s15 =	smov.u32 s5;
	s6 =	smov.u32 @p4 s7;
	(pc) =	sbr.rel @!p2 .LBB1_6-.Ltmp1, $4  }
0x5c: {  	s4 =	simm.s32 @!p1 $0x2;
	s3 =	smov.u32 @p3 s13;
	s0 =	sand.u32 @!p1 $0x3FFFFFFF, s0  }
0x5d: {  	s16 =	smov.u32 s6;
	s17 =	smov.u32 s3;
	_ =	swait.ge @!p1 [sflag:s4], s0  }
0x5e: {  	s0 =	ssub.s32 @!p1 $0x0, s0;
	s27 =	smov.u32 s1;
	[sflag:s4] =	ssyncset.done @!p1 $0x0  }
0x5f: {  	s20 =	sadd.s32 $0x1, s20;
	[sflag:s4] =	ssyncadd.s32 @!p1 s0;
	s19 =	smov.u32 s2  }
.LBB1_1:
0x60: {  	p1 =	sge.u32 s20, s9  }
0x61: {  	s31 =	sadd.s32 $0xFFFFFFFF, s20;
	s1 =	sshll.u32 @!p1 s16, $0x7;
	s2 =	sshll.u32 @!p1 s15, $0x3  }
0x62: {  	s0 =	sxor.u32 @!p1 $0xFFFFFFFF, s20;
	s3 =	sand.u32 @!p1 $0x1FC00, s1;
	s2 =	sand.u32 @!p1 $0x1FC00, s2  }
0x63: {  	s4 =	sshll.u32 @!p1 s17, $0xE;
	s2 =	sadd.s32 @!p1 s3, s2;
	s3 =	smul.u32 @!p1 $0x60000, s19  }
0x64: {  	s5 =	sshrl.u32 @!p1 s15, $0x3;
	s0 =	sshll.u32 @!p1 s0, $0xA;
	s1 =	sand.u32 @!p1 $0x380, s1  }
0x65: {  	s1 =	sor.u32 @!p1 s1, s2;
	s2 =	sshll.u32 @!p1 s27, $0x11;
	s3 =	sadd.s32 @!p1 s8, s3  }
0x66: {  	s0 =	sand.u32 @!p1 $0x400, s0;
	s1 =	sshrl.u32 @!p1 s1, $0x3;
	s2 =	sadd.s32 @!p1 s2, s3  }
0x67: {  	s3 =	sand.u32 @!p1 $0xF, s5;
	s2 =	sadd.s32 @!p1 s4, s2;
	s4 =	sand.u32 @!p1 $0x7, s15  }
0x68: {  	s1 =	sand.u32 @!p1 $0x3FF0, s1;
	s2 =	sadd.s32 @!p1 s3, s2;
	s3 =	sshll.u32 @!p1 s4, $0x12  }
0x69: {  	s1 =	sadd.s32 @!p1 s1, s2;
	s2 =	sor.u32 @!p1 $0x8, s3;
	s3 =	simm.s32 @!p1 $0x80  }
0x6a: {  	[tilespmem:s0], [sflag:$0x1] =	stream.strided.gather @!p1 [hbm4b:s1+s2], $0x400, s3, s2, $0x38;
	[tilespmem:$0x1010] =	vst v63  }
0x6b: {  	p1 =	sge.u32 s31, s9  }
.Ltmp2:
0x6c: {  	_ = 	snop;
	(pc) =	sbr.rel @p1 .LBB1_5-.Ltmp2, $1  }
0x6d: {  	_ =	sdelay $0x3  }
0x6e: {  	[dreg:$0x8] =	wrdreg s27;
	s0 =	simm.s32 $0x1;
	s3 =	simm.s32 $0x1  }
0x6f: {  	s0 =	simm.s32 @!p0 $0x0;
	_ =	swait.ge [sflag:s3], $0x400  }
0x70: {  	s1 =	sshll.u32 s0, $0xA;
	[sflag:s3] =	ssyncset.done $0x0  }
0x71: {  	s2 =	sor.u32 $0x20, s1;
	[sflag:s3] =	ssyncadd.s32 $0xFFFFFC00  }
0x72: {  	v0 =	vld.msk [tilespmem:s2+$0xFFFFFFE0], $0xff  }
0x73: {  	s0 =	smul.u32 $0x1020, s0;
	_ =	sdelay $0x1  }
0x74: {  	s0 =	sshrl.u32 s0, $0x2  }
0x75: {  	s26 =	sor.u32 $0x807, s0  }
0x76: {  	[tilespmem:s26+$0xFFFFFFF9 ss:$0x81] =	vst.msk $0xff, v0  }
0x77: {  	v0 =	vld.msk [tilespmem:s2+$0xFFFFFFE8], $0xff  }
0x78: {  	s31 =	sadd.s32 $0x40, s2  }
0x79: {  	v1 =	vld.msk [tilespmem:s31+$0xFFFFFFE0], $0xff  }
0x7a: {  	s1 =	sadd.s32 $0x40, s31  }
0x7b: {  	v2 =	vld.msk [tilespmem:s1+$0xFFFFFFE0], $0xff  }
0x7c: {  	[tilespmem:s26+$0xFFFFFFFA ss:$0x81] =	vst.msk $0xff, v0  }
0x7d: {  	s27 =	sadd.s32 $0x8, s26;
	v0 =	vld.msk [tilespmem:s2+$0xFFFFFFF0], $0xff  }
0x7e: {  	[tilespmem:s27+$0xFFFFFFF9 ss:$0x81] =	vst.msk $0xff, v1  }
0x7f: {  	s28 =	sadd.s32 $0x8, s27;
	v1 =	vld.msk [tilespmem:s31+$0xFFFFFFE8], $0xff  }
0x80: {  	[tilespmem:s28+$0xFFFFFFF9 ss:$0x81] =	vst.msk $0xff, v2  }
0x81: {  	v2 =	vld.msk [tilespmem:s1+$0xFFFFFFE8], $0xff  }
0x82: {  	[tilespmem:s26+$0xFFFFFFFB ss:$0x81] =	vst.msk $0xff, v0  }
0x83: {  	v0 =	vld.msk [tilespmem:s2+$0xFFFFFFF8], $0xff  }
0x84: {  	[tilespmem:s27+$0xFFFFFFFA ss:$0x81] =	vst.msk $0xff, v1  }
0x85: {  	v1 =	vld.msk [tilespmem:s31+$0xFFFFFFF0], $0xff  }
0x86: {  	[tilespmem:s28+$0xFFFFFFFA ss:$0x81] =	vst.msk $0xff, v2  }
0x87: {  	s0 =	sadd.s32 $0x40, s1;
	v2 =	vld.msk [tilespmem:s1+$0xFFFFFFF0], $0xff  }
0x88: {  	[tilespmem:s26+$0xFFFFFFFC ss:$0x81] =	vst.msk $0xff, v0;
	v0 =	vld.msk [tilespmem:s0+$0xFFFFFFE0], $0xff  }
0x89: {  	v3 =	vld.msk [tilespmem:s2+$0x0], $0xff  }
0x8a: {  	[tilespmem:s27+$0xFFFFFFFB ss:$0x81] =	vst.msk $0xff, v1  }
0x8b: {  	v1 =	vld.msk [tilespmem:s31+$0xFFFFFFF8], $0xff  }
0x8c: {  	s29 =	sadd.s32 $0x8, s28;
	[tilespmem:s28+$0xFFFFFFFB ss:$0x81] =	vst.msk $0xff, v2  }
0x8d: {  	v2 =	vld.msk [tilespmem:s1+$0xFFFFFFF8], $0xff;
	[tilespmem:s29+$0xFFFFFFF9 ss:$0x81] =	vst.msk $0xff, v0  }
0x8e: {  	v0 =	vld.msk [tilespmem:s0+$0xFFFFFFE8], $0xff;
	[tilespmem:s26+$0xFFFFFFFD ss:$0x81] =	vst.msk $0xff, v3  }
0x8f: {  	s9 =	sadd.s32 $0x40, s0;
	v3 =	vld.msk [tilespmem:s2+$0x8], $0xff  }
0x90: {  	[tilespmem:s27+$0xFFFFFFFC ss:$0x81] =	vst.msk $0xff, v1;
	v1 =	vld.msk [tilespmem:s9+$0xFFFFFFE0], $0xff  }
0x91: {  	v4 =	vld.msk [tilespmem:s31+$0x0], $0xff  }
0x92: {  	s3 =	sadd.s32 $0x40, s9;
	[tilespmem:s28+$0xFFFFFFFC ss:$0x81] =	vst.msk $0xff, v2  }
0x93: {  	v2 =	vld.msk [tilespmem:s3+$0xFFFFFFE0], $0xff;
	[tilespmem:s29+$0xFFFFFFFA ss:$0x81] =	vst.msk $0xff, v0  }
0x94: {  	s30 =	sadd.s32 $0x8, s29;
	v0 =	vld.msk [tilespmem:s0+$0xFFFFFFF0], $0xff;
	[tilespmem:s26+$0xFFFFFFFE ss:$0x81] =	vst.msk $0xff, v3  }
0x95: {  	[tilespmem:s30+$0xFFFFFFF9 ss:$0x81] =	vst.msk $0xff, v1;
	v1 =	vld.msk [tilespmem:s2+$0x10], $0xff  }
0x96: {  	s4 =	sand.u32 $0x1, s20;
	[tilespmem:s27+$0xFFFFFFFD ss:$0x81] =	vst.msk $0xff, v4;
	v3 =	vld.msk [tilespmem:s9+$0xFFFFFFE8], $0xff  }
0x97: {  	s13 =	smul.u32 $0x1020, s4;
	s4 =	sadd.s32 $0x8, s30;
	v4 =	vld.msk [tilespmem:s31+$0x8], $0xff  }
0x98: {  	v5 =	vld.msk [tilespmem:s1+$0x0], $0xff;
	[tilespmem:s4+$0xFFFFFFF9 ss:$0x81] =	vst.msk $0xff, v2  }
0x99: {  	[tilespmem:s29+$0xFFFFFFFB ss:$0x81] =	vst.msk $0xff, v0  }
0x9a: {  	v6 =	vld.msk [tilespmem:s0+$0xFFFFFFF8], $0xff;
	[tilespmem:s26+$0xFFFFFFFF ss:$0x81] =	vst.msk $0xff, v1  }
0x9b: {  	[tilespmem:s30+$0xFFFFFFFA ss:$0x81] =	vst.msk $0xff, v3;
	v0 =	vld.msk [tilespmem:s2+$0x18], $0xff  }
0x9c: {  	[tilespmem:s27+$0xFFFFFFFE ss:$0x81] =	vst.msk $0xff, v4;
	v3 =	vld.msk [tilespmem:s9+$0xFFFFFFF0], $0xff;
	s2 =	sshrl.u32 s13, $0x2  }
0x9d: {  	[tilespmem:s28+$0xFFFFFFFD ss:$0x81] =	vst.msk $0xff, v5;
	v1 =	vld.msk [tilespmem:s31+$0x10], $0xff;
	s2 =	sor.u32 $0x800, s2  }
0x9e: {  	v4 =	vld.msk [tilespmem:s3+$0xFFFFFFE8], $0xff;
	[dreg:$0x9] =	wrdreg s2  }
0x9f: {  	s8 =	simm.s32 $0x28;
	s2 =	sadd.s32 $0x40, s3;
	v2 =	vld.msk [tilespmem:s1+$0x8], $0xff;
	[tilespmem:s29+$0xFFFFFFFC ss:$0x81] =	vst.msk $0xff, v6  }
.LBB1_3:
0xa0: {  	v5 =	vld.msk [tilespmem:s2+$0xFFFFFFE0], $0xff;
	[tilespmem:s26+$0x0 ss:$0x81] =	vst.msk $0xff, v0;
	s26 =	smov.u32 s27;
	s27 =	smov.u32 s28;
	s28 =	smov.u32 s29  }
0xa1: {  	s8 =	sadd.s32 $0x8, s8;
	s29 =	smov.u32 s30;
	[tilespmem:s30+$0xFFFFFFFB ss:$0x81] =	vst.msk $0xff, v3;
	v6 =	vld.msk [tilespmem:s0+$0x0], $0xff;
	s30 =	smov.u32 s4  }
0xa2: {  	p1 =	slt.u32 s8, $0x78;
	v7 =	vld.msk [tilespmem:s9+$0xFFFFFFF8], $0xff;
	[tilespmem:s26+$0xFFFFFFFF ss:$0x81] =	vst.msk $0xff, v1  }
.Ltmp3:
0xa3: {  	[tilespmem:s4+$0xFFFFFFFA ss:$0x81] =	vst.msk $0xff, v4;
	v0 =	vld.msk [tilespmem:s31+$0x18], $0xff;
	s31 =	smov.u32 s1;
	s1 =	smov.u32 s0;
	(pc) =	sbr.rel @p1 .LBB1_3-.Ltmp3, $4  }
0xa4: {  	s4 =	sadd.s32 $0x8, s4;
	s0 =	smov.u32 s9;
	s9 =	smov.u32 s3;
	v3 =	vld.msk [tilespmem:s3+$0xFFFFFFF0], $0xff;
	[tilespmem:s27+$0xFFFFFFFE ss:$0x81] =	vst.msk $0xff, v2  }
0xa5: {  	s3 =	smov.u32 s2;
	[tilespmem:s4+$0xFFFFFFF9 ss:$0x81] =	vst.msk $0xff, v5;
	v1 =	vld.msk [tilespmem:s31+$0x10], $0xff  }
0xa6: {  	v4 =	vld.msk [tilespmem:s2+$0xFFFFFFE8], $0xff;
	[tilespmem:s28+$0xFFFFFFFD ss:$0x81] =	vst.msk $0xff, v6  }
0xa7: {  	s2 =	sadd.s32 $0x40, s2;
	[tilespmem:s29+$0xFFFFFFFC ss:$0x81] =	vst.msk $0xff, v7;
	v2 =	vld.msk [tilespmem:s1+$0x8], $0xff  }
.Ltmp4:
0xa8: {  	_ = 	snop;
	(pc) =	sbr.rel .LBB1_4-.Ltmp4, $1  }
0xa9: {  	_ =	sdelay $0x3  }
.LBB1_6:
0xaa: {  	_ =	sfence.sel $0x180000  }
0xab: {  	s0 =	simm.s32 $0x1;
	[bflag:$0x0] =	sbarrier.arrive $0xFFFF  }
0xac: {  	s30 =	simm.s32 $0x2;
	[sflag:s0] =	ssyncpa.u1 $0x1  }
0xad: {  	[sflag:s30] =	ssyncpa.u1 $0x1  }
0xae: {  	_ =	strace $0x90000056  }
0xaf: {  	s31 =	stileid.u32;
	[bflag:$0x2] =	sbarrier.arrive $0xFFFF  }
0xb0: {  	p0 =	sne.s32 s31, $0x0;
	s0 =	rddreg [dreg:$0x1]  }
0xb1: {  	s0 =	sadd.s32 @!p0 $0x100000, s0  }
0xb2: {  	[sflag:s0] =	ssyncadd.tile.s32 @!p0 $0x1;
	_ =	shalt  }
.Lfunc_end1:
_tile_overlayer_lowered:
.L_overlay_start_2:
0xb3: {  	(tag) =	ssettag $0x2  }
0xb4: {  	s0 =	rddreg [dreg:$0x0];
	s2 =	stileid.u32  }
0xb5: {  	s1 =	rddreg [dreg:$0x1];
	p0 =	sne.s32 s2, $0x0  }
0xb6: {  	s3 =	rddreg [dreg:$0x2];
	[bflag:$0x3] =	sbarrier.arrive $0xFFFF;
	s2 =	simm.s32 @!p0 $0x1C01  }
0xb7: {  	[timem:s3], [sflag:s2] =	dma.local @!p0 [hbm:s0], s1  }
0xb8: {  	s0 =	simm.s32 @!p0 $0x1  }
0xb9: {  	_ =	swait.ge @!p0 [sflag:s0], s1  }
0xba: {  	s1 =	ssub.s32 @!p0 $0x0, s1;
	[sflag:s0] =	ssyncset.done @!p0 $0x0  }
0xbb: {  	[sflag:s0] =	ssyncadd.s32 @!p0 s1  }
0xbc: {  	[bflag:$0x3] =	sbarrier.arrive $0xFFFF  }
0xbd: {  	_ =	shalt  }

// kernel: sparse-core-data-format-call.3.cloned.1.call-start
scs
called_computation.3_lowered:
.L_overlay_start_0:
0x0: {  	s1 =	sld [smem:$0x3FD9]  }
0x1: {  	s2 =	sld [smem:$0x3FFE];
	_ =	sdelay $0x1  }
0x2: {  	s3 =	srdreg.scid  }
0x3: {  	s0 =	sand.u32 $0x1, s3  }
0x4: {  	s17 =	sshll.u32 s0, $0xA;
	s1 =	sadd.s32 s2, s1  }
0x5: {  	s1 =	sadd.s32 s1, s17  }
0x6: {  	[smem:$0x3FBB] =	sst s1  }
0x7: {  	_ = 	snop  }
0x8: {  	(tm) =	ssettm $0x1  }
0x9: {  	s18 =	sld [smem:$0x3FFB];
	_ =	sdelay $0x3  }
0xa: {  	_ =	strace s18  }
0xb: {  	s1 =	sld [smem:$0x3FFC];
	_ =	sdelay $0x3  }
0xc: {  	_ =	strace s1  }
0xd: {  	s1 =	sld [smem:$0x3FFD];
	_ =	sdelay $0x3  }
0xe: {  	_ =	strace s1  }
0xf: {  	_ =	strace $0x8FFFFFFF  }
0x10: {  	s19 =	sld [smem:$0x3FDB];
	_ =	sdelay $0x1  }
0x11: {  	s20 =	simm.s32 $_scs_section_size  }
0x12: {  	s4 =	simm.s32 $_size__tile_overlayer_lowered;
	s5 =	simm.s32 $_tile_overlayer_lowered  }
0x13: {  	s23 =	simm.s32 $0x1BFF;
	s22 =	sshll.u32 s5, $0x1;
	s1 =	sadd.s32 s20, s19  }
0x14: {  	s6 =	simm.s32 $0x0;
	s21 =	sshll.u32 s4, $0x1;
	s4 =	sadd.s32 s22, s1  }
0x15: {  	[timem:s6], [sflag:s23] =	dma.local [hbm:s4], s21  }
0x16: {  	_ =	swait.ge [sflag:s23], s21  }
0x17: {  	s2 =	ssub.s32 $0x0, s21;
	[sflag:s23] =	ssyncset.done $0x0  }
0x18: {  	[sflag:s23] =	ssyncadd.s32 s2;
	_ =	sdelay $0x1  }
0x19: {  	s24 =	simm.s32 $0x1B8B  }
0x1a: {  	_ =	swait.ge [sflag:s24], $0x1  }
0x1b: {  	[sflag:s24] =	ssyncset.done $0x0  }
0x1c: {  	s26 =	simm.s32 $0x1B8E;
	s25 =	sld [smem:$0x3FFE];
	[sflag:s24] =	ssyncadd.s32 $0xFFFFFFFF  }
0x1d: {  	s27 =	simm.s32 $execute0_lowered;
	[smem:$0x3FD2] =	sst s26  }
0x1e: {  	s4 =	sshll.u32 s27, $0x1;
	_ =	strace $0x80000052;
	[dreg:$0x1] =	wrdreg $0xFFFFFFFF  }
0x1f: {  	s28 =	simm.s32 $_size_execute0_lowered;
	s1 =	sadd.s32 s1, s4;
	[dreg:$0x0] =	wrdreg $0x0  }
0x20: {  	s4 =	sshll.u32 s28, $0x1;
	[dreg:$0x2] =	wrdreg s1  }
0x21: {  	[dreg:$0x3] =	wrdreg s4  }
0x22: {  	[dreg:$0x4] =	wrdreg $0xC0  }
0x23: {  	_ =	task [dreg:s6], $0x5FFFF  }
0x24: {  	[dreg:$0x1] =	wrdreg $0xFFFFFFFF  }
0x25: {  	[dreg:$0x0] =	wrdreg $0x60  }
0x26: {  	[dreg:$0x2] =	wrdreg s25  }
0x27: {  	[dreg:$0x3] =	wrdreg $0x9  }
0x28: {  	_ =	task.clear_ibuf [dreg:s6], $0x4FFFF;
	_ =	strace $0x90000052  }
0x29: {  	s29 =	simm.s32 $0x9;
	_ =	strace $0x80000054  }
0x2a: {  	_ =	swait.ge [sflag:s29], $0x1  }
0x2b: {  	[sflag:s29] =	ssyncadd.s32 $0xFFFFFFFF  }
0x2c: {  	_ =	strace $0x90000054  }
0x2d: {  	_ =	sfence  }
0x2e: {  	s30 =	sld [smem:$0x0];
	_ =	sdelay $0x2  }
0x2f: {  	s31 =	sshll.u32 s3, $0xD;
	s3 =	sshrl.u32 s3, $0x2  }
0x30: {  	s2 =	sand.u32 $0x4000, s31;
	s1 =	sadd.s32 s3, s30  }
0x31: {  	s0 =	sor.u32 s2, s0;
	s1 =	sshll.u32 s1, $0x11  }
0x32: {  	s0 =	sor.u32 s1, s0  }
0x33: {  	s0 =	sadd.s32 $0x8F2B, s0  }
0x34: {  	[sflag:s0] =	ssyncadd.remote.s32 $0x1  }
0x35: {  	_ =	sfence.sel $0xFFFF  }
0x36: {  	[dreg:$0x0] =	wrdreg $0xFFFFFFFF;
	(pc) =	sbr.abs _section_cstart, $3  }
0x37: {  	[dreg:$0x1] =	wrdreg $0xFFFFFFFF  }
0x38: {  	_ =	task.clear_ibuf [dreg:s6], $0x2FFFF;
	_ =	strace $0x9FFFFFFF  }
0x39: {  	(tm) =	ssettm $0x7FFFFFFF  }
tec
execute0_lowered:
.L_overlay_start_1:
0x0: {  	(tag) =	ssettag $0x1  }
0x1: {  	s0 =	srdreg.scid  }
0x2: {  	s1 =	sshll.u32 s0, $0x4  }
0x3: {  	s4 =	rddreg [dreg:$0x0];
	s0 =	stileid.u32;
	s1 =	sand.u32 $0x10, s1  }
0x4: {  	s7 =	simm.s32 $0x1;
	s8 =	simm.s32 $0x2;
	s1 =	sor.u32 s0, s1  }
0x5: {  	s11 =	simm.s32 $0x0;
	s10 =	simm.s32 $0x0;
	s2 =	sshll.u32 s1, $0x7  }
0x6: {  	s3 =	sadd.s32 $0x4A000, s4;
	s4 =	sadd.s32 $0x2CA000, s4;
	s6 =	ssub.s32 $0x28000, s2  }
.Ltmp0:
0x7: {  	s1 =	rddreg [dreg:$0x1];
	s5 =	sand.u32 $0xF80, s6;
	(pc) =	sbr.rel .LBB1_1-.Ltmp0, $4  }
0x8: {  	_ =	strace $0x80000053;
	s9 =	smov.u32 s2;
	p0 =	sne.s32 s5, $0x0  }
0x9: {  	s6 =	sshrl.u32 s6, $0xC;
	s5 =	simm.s32 $0x1;
	s7 =	simm.s32 @!p0 $0x0  }
0xa: {  	[sflag:s5] =	ssyncpa.u1 $0x0;
	p0 =	por $0x0, $0x0;
	s6 =	sadd.s32 s7, s6  }
0xb: {  	[sflag:s8] =	ssyncpa.u1 $0x0;
	s8 =	simm.s32 $0x140000;
	s7 =	sadd.s32 $0x1, s6  }
.LBB1_4:
0xc: {  	s14 =	sshll.u32 s11, $0x3  }
0xd: {  	s30 =	sand.u32 $0x7F, s11;
	s15 =	sand.u32 $0xFFFFFC00, s14  }
0xe: {  	s11 =	sor.u32 s30, s15  }
0xf: {  	s15 =	smulhi.u32 $0xCCCCCCCD, s11  }
0x10: {  	s14 =	smulhi.u32 $0xCCCCCCCD, s14  }
0x11: {  	s15 =	sshrl.u32 s15, $0x11  }
0x12: {  	s14 =	sshrl.u32 s14, $0x11;
	s15 =	smul.u32 $0x28000, s15  }
0x13: {  	s14 =	sand.u32 $0x3F, s14  }
0x14: {  	s14 =	smul.u32 $0x5000, s14;
	s11 =	ssub.s32 s11, s15  }
0x15: {  	[tilespmem:s13+$0x810 ss:$0x81] =	vst.msk $0xffff, v2;
	s15 =	sand.u32 $0x7, s11  }
0x16: {  	[tilespmem:s13+$0x1020 ss:$0x81] =	vst.msk $0xffff, v0;
	s14 =	sadd.s32 s4, s14;
	s11 =	sshrl.u32 s11, $0x3;
	s15 =	sshll.u32 s15, $0x12  }
0x17: {  	[tilespmem:s13+$0x0 ss:$0x81] =	vst.msk $0xffff, v1;
	s11 =	sadd.s32 s11, s14;
	s31 =	sor.u32 $0x400, s15  }
0x18: {  	[hbm4b:s11+s31] =	stream.strided.scatter [tilespmem:s12], [sflag:$0x2], $0x2000, s8, s31, $0x20;
	[tilespmem:$0x8080] =	vst v63  }
.LBB1_5:
0x19: {  	s13 =	sadd.s32 $0x1000, s9  }
0x1a: {  	p2 =	sgt.s32 s13, $0x27FFF  }
0x1b: {  	s13 =	smov.u32 @p2 s2;
	p2 =	sne.s32 s10, s7  }
.Ltmp1:
0x1c: {  	p1 =	slt.u32 s10, $0x2;
	(pc) =	sbr.rel @!p2 .LBB1_6-.Ltmp1, $4  }
0x1d: {  	s12 =	simm.s32 @!p1 $0x2  }
0x1e: {  	s14 =	sadd.s32 $0x1, s10;
	_ =	swait.ge @!p1 [sflag:s12], $0x2000  }
0x1f: {  	s11 =	smov.u32 s9;
	p0 =	por !p0, !p0;
	[sflag:s12] =	ssyncset.done @!p1 $0x0  }
0x20: {  	s10 =	smov.u32 s14;
	s9 =	smov.u32 s13;
	[sflag:s12] =	ssyncadd.s32 @!p1 $0xFFFFE000  }
.LBB1_1:
0x21: {  	p1 =	sge.u32 s10, s6  }
0x22: {  	s12 =	sand.u32 @!p1 $0x1FFFFFF, s9  }
0x23: {  	s13 =	smulhi.u32 @!p1 $0xCCCCCD, s12;
	_ =	sdelay $0x1  }
0x24: {  	s13 =	sshrl.u32 @!p1 s13, $0x9  }
0x25: {  	s13 =	smul.u32 @!p1 $0x28000, s13;
	_ =	sdelay $0x1  }
0x26: {  	s31 =	sadd.s32 $0xFFFFFFFF, s10;
	s14 =	sxor.u32 @!p1 $0xFFFFFFFF, s10;
	s12 =	ssub.s32 @!p1 s12, s13  }
0x27: {  	s15 =	simm.s32 @!p1 $0x80;
	s14 =	sshll.u32 @!p1 s14, $0xD;
	s12 =	sshll.u32 @!p1 s12, $0x4  }
0x28: {  	s13 =	sand.u32 @!p1 $0x2000, s14;
	s14 =	simm.s32 @!p1 $0x40;
	s12 =	sadd.s32 @!p1 s3, s12  }
0x29: {  	[tilespmem:s13], [sflag:$0x1] =	stream.strided.gather @!p1 [hbm4b:s12+s14], $0x2000, s15, s14, $0x38;
	[tilespmem:$0x8080] =	vst v63  }
0x2a: {  	p1 =	sge.u32 s31, s6  }
.Ltmp2:
0x2b: {  	_ = 	snop;
	(pc) =	sbr.rel @p1 .LBB1_5-.Ltmp2, $1  }
0x2c: {  	_ =	sdelay $0x3  }
0x2d: {  	s12 =	simm.s32 $0x1  }
0x2e: {  	_ =	swait.ge [sflag:s5], $0x2000;
	s12 =	simm.s32 @!p0 $0x0  }
0x2f: {  	[sflag:s5] =	ssyncset.done $0x0;
	s13 =	sshll.u32 s12, $0xD  }
0x30: {  	[sflag:s5] =	ssyncadd.s32 $0xFFFFE000;
	s16 =	sor.u32 $0x20, s13  }
0x31: {  	s12 =	smul.u32 $0x8100, s12;
	v3 =	vld [tilespmem:s16+$0x10]  }
0x32: {  	s30 =	sand.u32 $0x1, s10;
	v2 =	vld [tilespmem:s16+$0xFFFFFFF0]  }
0x33: {  	s13 =	smul.u32 $0x8100, s30;
	s12 =	sshrl.u32 s12, $0x2;
	v0 =	vld [tilespmem:s16+$0x0]  }
0x34: {  	v1 =	vld [tilespmem:s16+$0xFFFFFFE0];
	s14 =	sor.u32 $0x4000, s12  }
0x35: {  	s31 =	sshrl.u32 s13, $0x2;
	s13 =	sadd.s32 $0x0, s14  }
0x36: {  	s15 =	simm.s32 $0x4;
	s16 =	sadd.s32 $0x40, s16;
	s12 =	sor.u32 $0x4000, s31;
	[tilespmem:s13+$0x1830 ss:$0x81] =	vst.msk $0xffff, v3  }
.LBB1_3:
0x37: {  	v3 =	vld [tilespmem:s16+$0x10];
	p1 =	sne.s32 s15, $0x1FC;
	[tilespmem:s13+$0x810 ss:$0x81] =	vst.msk $0xffff, v2;
	s17 =	smov.u32 s15;
	s15 =	sadd.s32 $0x4, s15  }
.Ltmp3:
0x38: {  	v2 =	vld [tilespmem:s16+$0xFFFFFFF0];
	[tilespmem:s13+$0x1020 ss:$0x81] =	vst.msk $0xffff, v0;
	(pc) =	sbr.rel @p1 .LBB1_3-.Ltmp3, $4  }
0x39: {  	v0 =	vld [tilespmem:s16+$0x0];
	[tilespmem:s13+$0x0 ss:$0x81] =	vst.msk $0xffff, v1  }
0x3a: {  	s13 =	sshra.s32 s17, $0x2;
	v1 =	vld [tilespmem:s16+$0xFFFFFFE0]  }
0x3b: {  	s13 =	sadd.s32 s13, s14  }
0x3c: {  	s16 =	sadd.s32 $0x40, s16;
	[tilespmem:s13+$0x1830 ss:$0x81] =	vst.msk $0xffff, v3  }
.Ltmp4:
0x3d: {  	_ = 	snop;
	(pc) =	sbr.rel .LBB1_4-.Ltmp4, $1  }
0x3e: {  	_ =	sdelay $0x3  }
.LBB1_6:
0x3f: {  	_ =	sfence.sel $0x180000  }
0x40: {  	s2 =	simm.s32 $0x1;
	[bflag:$0x0] =	sbarrier.arrive $0xFFFF  }
0x41: {  	s31 =	simm.s32 $0x2;
	[sflag:s2] =	ssyncpa.u1 $0x1  }
0x42: {  	[sflag:s31] =	ssyncpa.u1 $0x1  }
0x43: {  	p0 =	sne.s32 s0, $0x0;
	_ =	strace $0x90000053  }
0x44: {  	s0 =	sadd.s32 @!p0 $0x100000, s1;
	[bflag:$0x2] =	sbarrier.arrive $0xFFFF  }
0x45: {  	[sflag:s0] =	ssyncadd.tile.s32 @!p0 $0x1;
	_ =	shalt  }
.Lfunc_end1:
_tile_overlayer_lowered:
.L_overlay_start_2:
0x46: {  	(tag) =	ssettag $0x2  }
0x47: {  	s0 =	rddreg [dreg:$0x0];
	s2 =	stileid.u32  }
0x48: {  	s1 =	rddreg [dreg:$0x1];
	p0 =	sne.s32 s2, $0x0  }
0x49: {  	s3 =	rddreg [dreg:$0x2];
	[bflag:$0x3] =	sbarrier.arrive $0xFFFF;
	s2 =	simm.s32 @!p0 $0x1C01  }
0x4a: {  	[timem:s3], [sflag:s2] =	dma.local @!p0 [hbm:s0], s1  }
0x4b: {  	s0 =	simm.s32 @!p0 $0x1  }
0x4c: {  	_ =	swait.ge @!p0 [sflag:s0], s1  }
0x4d: {  	s1 =	ssub.s32 @!p0 $0x0, s1;
	[sflag:s0] =	ssyncset.done @!p0 $0x0  }
0x4e: {  	[sflag:s0] =	ssyncadd.s32 @!p0 s1  }
0x4f: {  	[bflag:$0x3] =	sbarrier.arrive $0xFFFF  }
0x50: {  	_ =	shalt  }

// kernel: sparse-core-data-format-call.4.cloned.1.call-start
scs
called_computation.4_lowered:
.L_overlay_start_0:
0x0: {  	s1 =	sld [smem:$0x3FD9]  }
0x1: {  	s2 =	sld [smem:$0x3FFE];
	_ =	sdelay $0x1  }
0x2: {  	s3 =	srdreg.scid  }
0x3: {  	s0 =	sand.u32 $0x1, s3  }
0x4: {  	s17 =	sshll.u32 s0, $0xA;
	s1 =	sadd.s32 s2, s1  }
0x5: {  	s1 =	sadd.s32 s1, s17  }
0x6: {  	[smem:$0x3FBB] =	sst s1  }
0x7: {  	_ = 	snop  }
0x8: {  	(tm) =	ssettm $0x1  }
0x9: {  	s18 =	sld [smem:$0x3FFB];
	_ =	sdelay $0x3  }
0xa: {  	_ =	strace s18  }
0xb: {  	s1 =	sld [smem:$0x3FFC];
	_ =	sdelay $0x3  }
0xc: {  	_ =	strace s1  }
0xd: {  	s1 =	sld [smem:$0x3FFD];
	_ =	sdelay $0x3  }
0xe: {  	_ =	strace s1  }
0xf: {  	_ =	strace $0x8FFFFFFF  }
0x10: {  	s19 =	sld [smem:$0x3FDB];
	_ =	sdelay $0x1  }
0x11: {  	s20 =	simm.s32 $_scs_section_size  }
0x12: {  	s4 =	simm.s32 $_size__tile_overlayer_lowered;
	s5 =	simm.s32 $_tile_overlayer_lowered  }
0x13: {  	s23 =	simm.s32 $0x1BFF;
	s22 =	sshll.u32 s5, $0x1;
	s1 =	sadd.s32 s20, s19  }
0x14: {  	s6 =	simm.s32 $0x0;
	s21 =	sshll.u32 s4, $0x1;
	s4 =	sadd.s32 s22, s1  }
0x15: {  	[timem:s6], [sflag:s23] =	dma.local [hbm:s4], s21  }
0x16: {  	_ =	swait.ge [sflag:s23], s21  }
0x17: {  	s2 =	ssub.s32 $0x0, s21;
	[sflag:s23] =	ssyncset.done $0x0  }
0x18: {  	[sflag:s23] =	ssyncadd.s32 s2;
	_ =	sdelay $0x1  }
0x19: {  	s24 =	simm.s32 $0x1B8B  }
0x1a: {  	_ =	swait.ge [sflag:s24], $0x1  }
0x1b: {  	[sflag:s24] =	ssyncset.done $0x0  }
0x1c: {  	s26 =	simm.s32 $0x1B8E;
	s25 =	sld [smem:$0x3FFE];
	[sflag:s24] =	ssyncadd.s32 $0xFFFFFFFF  }
0x1d: {  	s27 =	simm.s32 $execute0_lowered;
	[smem:$0x3FD2] =	sst s26  }
0x1e: {  	s4 =	sshll.u32 s27, $0x1;
	_ =	strace $0x8000004C;
	[dreg:$0x1] =	wrdreg $0xFFFFFFFF  }
0x1f: {  	s28 =	simm.s32 $_size_execute0_lowered;
	s1 =	sadd.s32 s1, s4;
	[dreg:$0x0] =	wrdreg $0x0  }
0x20: {  	s4 =	sshll.u32 s28, $0x1;
	[dreg:$0x2] =	wrdreg s1  }
0x21: {  	[dreg:$0x3] =	wrdreg s4  }
0x22: {  	[dreg:$0x4] =	wrdreg $0xC0  }
0x23: {  	_ =	task [dreg:s6], $0x5FFFF  }
0x24: {  	[dreg:$0x1] =	wrdreg $0xFFFFFFFF  }
0x25: {  	[dreg:$0x0] =	wrdreg $0x60  }
0x26: {  	[dreg:$0x2] =	wrdreg s25  }
0x27: {  	[dreg:$0x3] =	wrdreg $0x9  }
0x28: {  	_ =	task.clear_ibuf [dreg:s6], $0x4FFFF;
	_ =	strace $0x9000004C  }
0x29: {  	s29 =	simm.s32 $0x9;
	_ =	strace $0x8000004E  }
0x2a: {  	_ =	swait.ge [sflag:s29], $0x1  }
0x2b: {  	[sflag:s29] =	ssyncadd.s32 $0xFFFFFFFF  }
0x2c: {  	_ =	strace $0x9000004E  }
0x2d: {  	_ =	sfence  }
0x2e: {  	s30 =	sld [smem:$0x0];
	_ =	sdelay $0x2  }
0x2f: {  	s31 =	sshll.u32 s3, $0xD;
	s3 =	sshrl.u32 s3, $0x2  }
0x30: {  	s2 =	sand.u32 $0x4000, s31;
	s1 =	sadd.s32 s3, s30  }
0x31: {  	s0 =	sor.u32 s2, s0;
	s1 =	sshll.u32 s1, $0x11  }
0x32: {  	s0 =	sor.u32 s1, s0  }
0x33: {  	s0 =	sadd.s32 $0x8F2B, s0  }
0x34: {  	[sflag:s0] =	ssyncadd.remote.s32 $0x1  }
0x35: {  	_ =	sfence.sel $0xFFFF  }
0x36: {  	[dreg:$0x0] =	wrdreg $0xFFFFFFFF;
	(pc) =	sbr.abs _section_cstart, $3  }
0x37: {  	[dreg:$0x1] =	wrdreg $0xFFFFFFFF  }
0x38: {  	_ =	task.clear_ibuf [dreg:s6], $0x2FFFF;
	_ =	strace $0x9FFFFFFF  }
0x39: {  	(tm) =	ssettm $0x7FFFFFFF  }
tec
execute0_lowered:
.L_overlay_start_1:
0x0: {  	(tag) =	ssettag $0x1  }
0x1: {  	s3 =	stileid.u32  }
0x2: {  	s0 =	srdreg.scid;
	s2 =	rddreg [dreg:$0x0]  }
0x3: {  	_ =	strace $0x8000004D;
	s30 =	simm.s32 $0x1;
	s31 =	simm.s32 $0x2  }
0x4: {  	s23 =	simm.s32 $0x0;
	s21 =	simm.s32 $0x0;
	s25 =	simm.s32 $0x0  }
0x5: {  	s24 =	simm.s32 $0x0;
	s22 =	simm.s32 $0x0;
	s10 =	simm.s32 $0x0  }
0x6: {  	s11 =	simm.s32 $0x0;
	s1 =	sshll.u32 s3, $0x4;
	s0 =	sshll.u32 s0, $0x8  }
0x7: {  	s12 =	simm.s32 $0x0;
	s18 =	simm.s32 $0x0;
	s0 =	sor.u32 s1, s0  }
0x8: {  	s14 =	simm.s32 $0x0;
	s15 =	simm.s32 $0x0;
	s7 =	sand.u32 $0x180, s0  }
0x9: {  	s27 =	simm.s32 $0x0;
	s19 =	simm.s32 $0x0;
	s0 =	ssub.s32 $0x400, s7  }
0xa: {  	s8 =	sadd.s32 $0x3E7800, s2;
	s29 =	sadd.s32 $0x27800, s2;
	s28 =	sand.u32 $0x180, s0  }
0xb: {  	s13 =	sand.u32 $0x7, s3;
	s1 =	simm.s32 $0x1;
	p0 =	sne.s32 s28, $0x0  }
0xc: {  	[dreg:$0x4] =	wrdreg s29;
	s0 =	sshrl.u32 s0, $0x9;
	s1 =	simm.s32 @!p0 $0x0  }
.Ltmp0:
0xd: {  	[dreg:$0x3] =	wrdreg s8;
	s0 =	sadd.s32 s1, s0;
	(pc) =	sbr.rel .LBB1_1-.Ltmp0, $4  }
0xe: {  	[sflag:s30] =	ssyncpa.u1 $0x0;
	[dreg:$0x6] =	wrdreg s13;
	s9 =	smul.u32 $0xBD, s0  }
0xf: {  	s20 =	simm.s32 $0x0;
	[sflag:s31] =	ssyncpa.u1 $0x0;
	[dreg:$0x2] =	wrdreg s7  }
0x10: {  	s17 =	smov.u32 s13;
	s26 =	sadd.s32 $0x1, s9;
	[dreg:$0x5] =	wrdreg s9  }
0x11: {  	s16 =	smov.u32 s7;
	p0 =	por $0x0, $0x0;
	[dreg:$0x7] =	wrdreg s26  }
.LBB1_4:
0x12: {  	[tilespmem:s4+$0xFFFFFFFA ss:$0x81] =	vst.msk $0xff, v4  }
0x13: {  	v4 =	vld.msk [tilespmem:s3+$0xFFFFFFF0], $0xff;
	_ =	sdelay $0x3  }
0x14: {  	[tilespmem:s30+$0xFFFFFFFB ss:$0x81] =	vst.msk $0xff, v3  }
0x15: {  	v3 =	vld.msk [tilespmem:s9+$0xFFFFFFF8], $0xff;
	[tilespmem:s4+$0xFFFFFFFB ss:$0x81] =	vst.msk $0xff, v4  }
0x16: {  	v4 =	vld.msk [tilespmem:s3+$0xFFFFFFF8], $0xff;
	_ =	sdelay $0x2  }
0x17: {  	v5 =	vld.msk [tilespmem:s0+$0x0], $0xff  }
0x18: {  	[tilespmem:s30+$0xFFFFFFFC ss:$0x81] =	vst.msk $0xff, v3  }
0x19: {  	s2 =	sshll.u32 s14, $0xA;
	p1 =	sgt.s32 s12, $0x7;
	v3 =	vld.msk [tilespmem:s9+$0x0], $0xff;
	[tilespmem:s4+$0xFFFFFFFC ss:$0x81] =	vst.msk $0xff, v4  }
0x1a: {  	s8 =	smov.u32 s12;
	s7 =	sshll.u32 s11, $0x3;
	s6 =	sshra.s32 s12, $0x1F;
	v4 =	vld.msk [tilespmem:s3+$0x0], $0xff  }
0x1b: {  	s13 =	smov.u32 s18;
	s5 =	sshra.s32 s18, $0x1F;
	s2 =	sand.u32 $0xFFFFE000, s2  }
0x1c: {  	p2 =	sgt.s32 s14, $0x17;
	s8 =	simm.s32 @!p1 $0x7;
	s2 =	sadd.s32 s2, s7;
	[tilespmem:s29+$0xFFFFFFFD ss:$0x81] =	vst.msk $0xff, v5  }
0x1d: {  	s6 =	sand.u32 s6, s12;
	p1 =	sgt.s32 s18, $0x2;
	[dreg:$0xa] =	wrdreg s2  }
0x1e: {  	s5 =	sand.u32 s5, s18;
	s6 =	ssub.s32 s8, s6;
	s13 =	simm.s32 @!p1 $0x2;
	v5 =	vld.msk [tilespmem:s0+$0x8], $0xff;
	[tilespmem:s30+$0xFFFFFFFD ss:$0x81] =	vst.msk $0xff, v3  }
0x1f: {  	s8 =	sadd.s32 $0xFFFFFFF9, s6;
	s5 =	ssub.s32 s13, s5;
	s6 =	ssub.s32 $0x8, s6;
	v3 =	vld.msk [tilespmem:s9+$0x8], $0xff;
	[tilespmem:s4+$0xFFFFFFFD ss:$0x81] =	vst.msk $0xff, v4  }
0x20: {  	p1 =	sgt.s32 s8, $0x0;
	s13 =	sadd.s32 $0xFFFFFFFE, s5;
	s8 =	smov.u32 s14;
	v4 =	vld.msk [tilespmem:s3+$0x8], $0xff  }
0x21: {  	s5 =	ssub.s32 $0x3, s5;
	p3 =	sgt.s32 s13, $0x0;
	s2 =	sshra.s32 s14, $0x1F  }
0x22: {  	s8 =	simm.s32 @!p2 $0x17;
	p2 =	sgt.s32 s11, $0x380;
	s7 =	sand.u32 s2, s14;
	[tilespmem:s28+$0xFFFFFFFE ss:$0x81] =	vst.msk $0xff, v2  }
0x23: {  	s13 =	smov.u32 s11;
	s2 =	sshra.s32 s11, $0x1F;
	s7 =	ssub.s32 s8, s7;
	v2 =	vld.msk [tilespmem:s1+$0x10], $0xff;
	[tilespmem:s29+$0xFFFFFFFE ss:$0x81] =	vst.msk $0xff, v5  }
0x24: {  	s13 =	simm.s32 @!p2 $0x380;
	s2 =	sand.u32 s2, s11;
	s8 =	sadd.s32 $0xFFFFFFE9, s7;
	v5 =	vld.msk [tilespmem:s0+$0x10], $0xff;
	[tilespmem:s30+$0xFFFFFFFE ss:$0x81] =	vst.msk $0xff, v3  }
0x25: {  	s2 =	ssub.s32 s13, s2;
	s7 =	ssub.s32 $0x18, s7;
	p4 =	sgt.s32 s8, $0x0;
	v3 =	vld.msk [tilespmem:s9+$0x10], $0xff;
	[tilespmem:s4+$0xFFFFFFFE ss:$0x81] =	vst.msk $0xff, v4  }
0x26: {  	s5 =	simm.s32 @p3 $0x0;
	s13 =	sadd.s32 $0xFFFFFC80, s2;
	s7 =	simm.s32 @p4 $0x0;
	v4 =	vld.msk [tilespmem:s3+$0x10], $0xff  }
0x27: {  	p2 =	sgt.s32 s13, $0x7F;
	s5 =	smul.u32 s7, s5;
	s13 =	rddreg [dreg:$0xa];
	[tilespmem:s27+$0xFFFFFFFF ss:$0x81] =	vst.msk $0xff, v1  }
0x28: {  	s6 =	simm.s32 @p1 $0x0;
	[tilespmem:s28+$0xFFFFFFFF ss:$0x81] =	vst.msk $0xff, v2;
	v1 =	vld.msk [tilespmem:s31+$0x18], $0xff  }
0x29: {  	s2 =	ssub.s32 $0x400, s2;
	s5 =	smul.u32 s6, s5;
	[tilespmem:s29+$0xFFFFFFFF ss:$0x81] =	vst.msk $0xff, v5;
	v2 =	vld.msk [tilespmem:s1+$0x18], $0xff  }
0x2a: {  	p3 =	sgt.s32 s10, $0xC;
	s7 =	smov.u32 s10;
	s2 =	simm.s32 @p2 $0x0;
	[tilespmem:s30+$0xFFFFFFFF ss:$0x81] =	vst.msk $0xff, v3;
	v61 =	vld.msk [tilespmem:s0+$0x18], $0xff  }
0x2b: {  	s6 =	sshra.s32 s10, $0x1F;
	s2 =	smul.u32 s2, s5;
	s8 =	sshrl.u32 s13, $0xA;
	v62 =	vld.msk [tilespmem:s9+$0x18], $0xff;
	[tilespmem:s4+$0xFFFFFFFF ss:$0x81] =	vst.msk $0xff, v4  }
0x2c: {  	s7 =	simm.s32 @!p3 $0xC;
	s6 =	sand.u32 s6, s10;
	[tilespmem:s26+$0x0 ss:$0x81] =	vst.msk $0xff, v0;
	s13 =	smulhi.u32 $0xAAAAAAB, s8;
	v63 =	vld.msk [tilespmem:s3+$0x18], $0xff  }
0x2d: {  	s26 =	smul.u32 $0x2D000, s12;
	s1 =	ssub.s32 s7, s6;
	[tilespmem:s27+$0x0 ss:$0x81] =	vst.msk $0xff, v1  }
0x2e: {  	s7 =	sshll.u32 s14, $0x7;
	s6 =	smul.u32 $0x18, s13;
	s13 =	rddreg [dreg:$0x4];
	[tilespmem:s28+$0x0 ss:$0x81] =	vst.msk $0xff, v2  }
0x2f: {  	s31 =	sand.u32 $0x78, s11;
	s5 =	sand.u32 $0x380, s7;
	s7 =	sadd.s32 $0xFFFFFFF4, s1;
	[tilespmem:s29+$0x0 ss:$0x81] =	vst.msk $0xff, v61  }
0x30: {  	s9 =	smul.u32 $0xF000, s18;
	s1 =	ssub.s32 $0x14, s1;
	p1 =	sgt.s32 s7, $0x7;
	[tilespmem:s30+$0x0 ss:$0x81] =	vst.msk $0xff, v62  }
0x31: {  	s0 =	sor.u32 s5, s31;
	s31 =	smul.u32 $0xC00, s10;
	s1 =	simm.s32 @p1 $0x0;
	[tilespmem:s4+$0x0 ss:$0x81] =	vst.msk $0xff, v63  }
0x32: {  	s0 =	sshrl.u32 s0, $0x3;
	s7 =	sadd.s32 s13, s9;
	s4 =	rddreg [dreg:$0x9]  }
0x33: {  	s1 =	smul.u32 s1, s2;
	s26 =	sadd.s32 s26, s7;
	s7 =	rddreg [dreg:$0x2]  }
0x34: {  	s6 =	ssub.s32 s8, s6;
	s28 =	sand.u32 $0x7, s11;
	s8 =	rddreg [dreg:$0x3]  }
0x35: {  	s29 =	sshll.u32 s6, $0x7;
	s1 =	sand.u32 $0x3FFFFFFF, s1;
	s9 =	rddreg [dreg:$0x5]  }
0x36: {  	s30 =	sshll.u32 s28, $0x12;
	s2 =	sadd.s32 s31, s26;
	s13 =	rddreg [dreg:$0x6]  }
0x37: {  	s31 =	simm.s32 $0x6000;
	s0 =	sadd.s32 s0, s2;
	s26 =	rddreg [dreg:$0x7]  }
0x38: {  	s2 =	sor.u32 $0x80, s30;
	s0 =	sadd.s32 s29, s0;
	s27 =	rddreg [dreg:$0x8]  }
0x39: {  	[hbm4b:s0+s2] =	stream.strided.scatter [tilespmem:s4], [sflag:$0x2], s1, s31, s2, $0x20;
	[tilespmem:$0x1010] =	vst v63  }
.LBB1_5:
0x3a: {  	p1 =	slt.u32 s20, $0x2;
	s0 =	smov.u32 s25  }
0x3b: {  	p0 =	por !p0, !p0;
	p2 =	sgt.s32 @!p1 s25, $0x7;
	s1 =	sshra.s32 @!p1 s25, $0x1F  }
0x3c: {  	s2 =	sshra.s32 @!p1 s24, $0x1F;
	p3 =	sgt.s32 @!p1 s23, $0xC;
	s4 =	sshra.s32 @!p1 s22, $0x1F  }
0x3d: {  	s5 =	sshra.s32 @!p1 s21, $0x1F;
	p2 =	por !p2, p1;
	s1 =	sand.u32 @!p1 s1, s25  }
0x3e: {  	s2 =	sand.u32 @!p1 s2, s24;
	p3 =	por !p3, p1;
	s4 =	sand.u32 @!p1 s4, s22  }
0x3f: {  	s5 =	sand.u32 @!p1 s5, s21;
	s0 =	simm.s32 @p2 $0x7;
	p2 =	sgt.s32 @!p1 s24, $0x2  }
0x40: {  	s0 =	ssub.s32 @!p1 s0, s1;
	p2 =	por !p2, p1;
	s1 =	smov.u32 s24  }
0x41: {  	s25 =	smov.u32 s12;
	s3 =	sadd.s32 @!p1 $0xFFFFFFF9, s0;
	s1 =	simm.s32 @p2 $0x2  }
0x42: {  	s0 =	ssub.s32 @!p1 $0x8, s0;
	p2 =	sgt.s32 @!p1 s3, $0x0;
	s1 =	ssub.s32 @!p1 s1, s2  }
0x43: {  	s3 =	sshra.s32 @!p1 s23, $0x1F;
	s2 =	sadd.s32 @!p1 $0xFFFFFFFE, s1;
	p2 =	por !p2, p1  }
0x44: {  	s3 =	sand.u32 @!p1 s3, s23;
	p4 =	sgt.s32 @!p1 s2, $0x0;
	s2 =	smov.u32 s23  }
0x45: {  	s1 =	ssub.s32 @!p1 $0x3, s1;
	s2 =	simm.s32 @p3 $0xC;
	p3 =	por !p4, p1  }
0x46: {  	s0 =	simm.s32 @!p2 $0x0;
	s2 =	ssub.s32 @!p1 s2, s3;
	s1 =	simm.s32 @!p3 $0x0  }
0x47: {  	p3 =	sgt.s32 @!p1 s22, $0x17;
	s3 =	sadd.s32 @!p1 $0xFFFFFFF4, s2;
	s2 =	ssub.s32 @!p1 $0x14, s2  }
0x48: {  	p3 =	por !p3, p1;
	p2 =	sgt.s32 @!p1 s3, $0x7;
	s3 =	smov.u32 s22  }
0x49: {  	p2 =	por !p2, p1;
	s3 =	simm.s32 @p3 $0x17;
	p3 =	sgt.s32 @!p1 s21, $0x380  }
0x4a: {  	s3 =	ssub.s32 @!p1 s3, s4;
	p3 =	por !p3, p1;
	s4 =	smov.u32 s21  }
0x4b: {  	s2 =	simm.s32 @!p2 $0x0;
	s6 =	sadd.s32 @!p1 $0xFFFFFFE9, s3;
	s4 =	simm.s32 @p3 $0x380  }
0x4c: {  	s3 =	ssub.s32 @!p1 $0x18, s3;
	p2 =	sgt.s32 @!p1 s6, $0x0;
	s4 =	ssub.s32 @!p1 s4, s5  }
0x4d: {  	s6 =	smov.u32 s16;
	p2 =	por !p2, p1;
	s5 =	sadd.s32 @!p1 $0xFFFFFC80, s4  }
0x4e: {  	s3 =	simm.s32 @!p2 $0x0;
	p3 =	sgt.s32 @!p1 s5, $0x7F;
	s5 =	sadd.s32 $0x8, s15  }
0x4f: {  	s1 =	smul.u32 @!p1 s3, s1;
	p2 =	sgt.s32 s5, $0x13;
	s3 =	sadd.s32 $0x200, s16  }
0x50: {  	s12 =	smov.u32 s17;
	s6 =	smov.u32 @p2 s3;
	s3 =	smov.u32 s17  }
0x51: {  	s0 =	smul.u32 @!p1 s0, s1;
	p4 =	sgt.s32 s6, $0x3FF;
	s1 =	sadd.s32 $0x8, s17  }
0x52: {  	s4 =	ssub.s32 @!p1 $0x400, s4;
	p3 =	por !p3, p1;
	s3 =	smov.u32 @p4 s1  }
0x53: {  	s4 =	simm.s32 @!p3 $0x0;
	s1 =	simm.s32 $0x1;
	p3 =	sgt.s32 s3, $0x7  }
0x54: {  	s24 =	smov.u32 s18;
	s0 =	smul.u32 @!p1 s4, s0;
	s1 =	simm.s32 @!p3 $0x0  }
0x55: {  	s18 =	smov.u32 s27;
	s5 =	simm.s32 @p2 $0x0;
	s1 =	sadd.s32 s1, s27  }
0x56: {  	s0 =	smul.u32 @!p1 s2, s0;
	s2 =	simm.s32 $0x1;
	p2 =	sgt.s32 s1, $0x2  }
0x57: {  	s23 =	smov.u32 s10;
	s10 =	smov.u32 s15;
	s2 =	simm.s32 @!p2 $0x0  }
0x58: {  	s22 =	smov.u32 s14;
	s14 =	smov.u32 s19;
	s2 =	sadd.s32 s2, s19  }
0x59: {  	s21 =	smov.u32 s11;
	s1 =	simm.s32 @p2 $0x0;
	p2 =	sgt.s32 s2, $0x14  }
0x5a: {  	s11 =	smov.u32 s16;
	s2 =	simm.s32 @p2 $0x0;
	p2 =	sne.s32 s20, s26  }
.Ltmp1:
0x5b: {  	s15 =	smov.u32 s5;
	s6 =	smov.u32 @p4 s7;
	(pc) =	sbr.rel @!p2 .LBB1_6-.Ltmp1, $4  }
0x5c: {  	s4 =	simm.s32 @!p1 $0x2;
	s3 =	smov.u32 @p3 s13;
	s0 =	sand.u32 @!p1 $0x3FFFFFFF, s0  }
0x5d: {  	s16 =	smov.u32 s6;
	s17 =	smov.u32 s3;
	_ =	swait.ge @!p1 [sflag:s4], s0  }
0x5e: {  	s0 =	ssub.s32 @!p1 $0x0, s0;
	s27 =	smov.u32 s1;
	[sflag:s4] =	ssyncset.done @!p1 $0x0  }
0x5f: {  	s20 =	sadd.s32 $0x1, s20;
	[sflag:s4] =	ssyncadd.s32 @!p1 s0;
	s19 =	smov.u32 s2  }
.LBB1_1:
0x60: {  	p1 =	sge.u32 s20, s9  }
0x61: {  	s31 =	sadd.s32 $0xFFFFFFFF, s20;
	s1 =	sshll.u32 @!p1 s16, $0x7;
	s2 =	sshll.u32 @!p1 s15, $0x3  }
0x62: {  	s0 =	sxor.u32 @!p1 $0xFFFFFFFF, s20;
	s3 =	sand.u32 @!p1 $0x1FC00, s1;
	s2 =	sand.u32 @!p1 $0x1FC00, s2  }
0x63: {  	s4 =	sshll.u32 @!p1 s17, $0xE;
	s2 =	sadd.s32 @!p1 s3, s2;
	s3 =	smul.u32 @!p1 $0x60000, s19  }
0x64: {  	s5 =	sshrl.u32 @!p1 s15, $0x3;
	s0 =	sshll.u32 @!p1 s0, $0xA;
	s1 =	sand.u32 @!p1 $0x380, s1  }
0x65: {  	s1 =	sor.u32 @!p1 s1, s2;
	s2 =	sshll.u32 @!p1 s27, $0x11;
	s3 =	sadd.s32 @!p1 s8, s3  }
0x66: {  	s0 =	sand.u32 @!p1 $0x400, s0;
	s1 =	sshrl.u32 @!p1 s1, $0x3;
	s2 =	sadd.s32 @!p1 s2, s3  }
0x67: {  	s3 =	sand.u32 @!p1 $0xF, s5;
	s2 =	sadd.s32 @!p1 s4, s2;
	s4 =	sand.u32 @!p1 $0x7, s15  }
0x68: {  	s1 =	sand.u32 @!p1 $0x3FF0, s1;
	s2 =	sadd.s32 @!p1 s3, s2;
	s3 =	sshll.u32 @!p1 s4, $0x12  }
0x69: {  	s1 =	sadd.s32 @!p1 s1, s2;
	s2 =	sor.u32 @!p1 $0x8, s3;
	s3 =	simm.s32 @!p1 $0x80  }
0x6a: {  	[tilespmem:s0], [sflag:$0x1] =	stream.strided.gather @!p1 [hbm4b:s1+s2], $0x400, s3, s2, $0x38;
	[tilespmem:$0x1010] =	vst v63  }
0x6b: {  	p1 =	sge.u32 s31, s9  }
.Ltmp2:
0x6c: {  	_ = 	snop;
	(pc) =	sbr.rel @p1 .LBB1_5-.Ltmp2, $1  }
0x6d: {  	_ =	sdelay $0x3  }
0x6e: {  	[dreg:$0x8] =	wrdreg s27;
	s0 =	simm.s32 $0x1;
	s3 =	simm.s32 $0x1  }
0x6f: {  	s0 =	simm.s32 @!p0 $0x0;
	_ =	swait.ge [sflag:s3], $0x400  }
0x70: {  	s1 =	sshll.u32 s0, $0xA;
	[sflag:s3] =	ssyncset.done $0x0  }
0x71: {  	s2 =	sor.u32 $0x20, s1;
	[sflag:s3] =	ssyncadd.s32 $0xFFFFFC00  }
0x72: {  	v0 =	vld.msk [tilespmem:s2+$0xFFFFFFE0], $0xff  }
0x73: {  	s0 =	smul.u32 $0x1020, s0;
	_ =	sdelay $0x1  }
0x74: {  	s0 =	sshrl.u32 s0, $0x2  }
0x75: {  	s26 =	sor.u32 $0x807, s0  }
0x76: {  	[tilespmem:s26+$0xFFFFFFF9 ss:$0x81] =	vst.msk $0xff, v0  }
0x77: {  	v0 =	vld.msk [tilespmem:s2+$0xFFFFFFE8], $0xff  }
0x78: {  	s31 =	sadd.s32 $0x40, s2  }
0x79: {  	v1 =	vld.msk [tilespmem:s31+$0xFFFFFFE0], $0xff  }
0x7a: {  	s1 =	sadd.s32 $0x40, s31  }
0x7b: {  	v2 =	vld.msk [tilespmem:s1+$0xFFFFFFE0], $0xff  }
0x7c: {  	[tilespmem:s26+$0xFFFFFFFA ss:$0x81] =	vst.msk $0xff, v0  }
0x7d: {  	s27 =	sadd.s32 $0x8, s26;
	v0 =	vld.msk [tilespmem:s2+$0xFFFFFFF0], $0xff  }
0x7e: {  	[tilespmem:s27+$0xFFFFFFF9 ss:$0x81] =	vst.msk $0xff, v1  }
0x7f: {  	s28 =	sadd.s32 $0x8, s27;
	v1 =	vld.msk [tilespmem:s31+$0xFFFFFFE8], $0xff  }
0x80: {  	[tilespmem:s28+$0xFFFFFFF9 ss:$0x81] =	vst.msk $0xff, v2  }
0x81: {  	v2 =	vld.msk [tilespmem:s1+$0xFFFFFFE8], $0xff  }
0x82: {  	[tilespmem:s26+$0xFFFFFFFB ss:$0x81] =	vst.msk $0xff, v0  }
0x83: {  	v0 =	vld.msk [tilespmem:s2+$0xFFFFFFF8], $0xff  }
0x84: {  	[tilespmem:s27+$0xFFFFFFFA ss:$0x81] =	vst.msk $0xff, v1  }
0x85: {  	v1 =	vld.msk [tilespmem:s31+$0xFFFFFFF0], $0xff  }
0x86: {  	[tilespmem:s28+$0xFFFFFFFA ss:$0x81] =	vst.msk $0xff, v2  }
0x87: {  	s0 =	sadd.s32 $0x40, s1;
	v2 =	vld.msk [tilespmem:s1+$0xFFFFFFF0], $0xff  }
0x88: {  	[tilespmem:s26+$0xFFFFFFFC ss:$0x81] =	vst.msk $0xff, v0;
	v0 =	vld.msk [tilespmem:s0+$0xFFFFFFE0], $0xff  }
0x89: {  	v3 =	vld.msk [tilespmem:s2+$0x0], $0xff  }
0x8a: {  	[tilespmem:s27+$0xFFFFFFFB ss:$0x81] =	vst.msk $0xff, v1  }
0x8b: {  	v1 =	vld.msk [tilespmem:s31+$0xFFFFFFF8], $0xff  }
0x8c: {  	s29 =	sadd.s32 $0x8, s28;
	[tilespmem:s28+$0xFFFFFFFB ss:$0x81] =	vst.msk $0xff, v2  }
0x8d: {  	v2 =	vld.msk [tilespmem:s1+$0xFFFFFFF8], $0xff;
	[tilespmem:s29+$0xFFFFFFF9 ss:$0x81] =	vst.msk $0xff, v0  }
0x8e: {  	v0 =	vld.msk [tilespmem:s0+$0xFFFFFFE8], $0xff;
	[tilespmem:s26+$0xFFFFFFFD ss:$0x81] =	vst.msk $0xff, v3  }
0x8f: {  	s9 =	sadd.s32 $0x40, s0;
	v3 =	vld.msk [tilespmem:s2+$0x8], $0xff  }
0x90: {  	[tilespmem:s27+$0xFFFFFFFC ss:$0x81] =	vst.msk $0xff, v1;
	v1 =	vld.msk [tilespmem:s9+$0xFFFFFFE0], $0xff  }
0x91: {  	v4 =	vld.msk [tilespmem:s31+$0x0], $0xff  }
0x92: {  	s3 =	sadd.s32 $0x40, s9;
	[tilespmem:s28+$0xFFFFFFFC ss:$0x81] =	vst.msk $0xff, v2  }
0x93: {  	v2 =	vld.msk [tilespmem:s3+$0xFFFFFFE0], $0xff;
	[tilespmem:s29+$0xFFFFFFFA ss:$0x81] =	vst.msk $0xff, v0  }
0x94: {  	s30 =	sadd.s32 $0x8, s29;
	v0 =	vld.msk [tilespmem:s0+$0xFFFFFFF0], $0xff;
	[tilespmem:s26+$0xFFFFFFFE ss:$0x81] =	vst.msk $0xff, v3  }
0x95: {  	[tilespmem:s30+$0xFFFFFFF9 ss:$0x81] =	vst.msk $0xff, v1;
	v1 =	vld.msk [tilespmem:s2+$0x10], $0xff  }
0x96: {  	s4 =	sand.u32 $0x1, s20;
	[tilespmem:s27+$0xFFFFFFFD ss:$0x81] =	vst.msk $0xff, v4;
	v3 =	vld.msk [tilespmem:s9+$0xFFFFFFE8], $0xff  }
0x97: {  	s13 =	smul.u32 $0x1020, s4;
	s4 =	sadd.s32 $0x8, s30;
	v4 =	vld.msk [tilespmem:s31+$0x8], $0xff  }
0x98: {  	v5 =	vld.msk [tilespmem:s1+$0x0], $0xff;
	[tilespmem:s4+$0xFFFFFFF9 ss:$0x81] =	vst.msk $0xff, v2  }
0x99: {  	[tilespmem:s29+$0xFFFFFFFB ss:$0x81] =	vst.msk $0xff, v0  }
0x9a: {  	v6 =	vld.msk [tilespmem:s0+$0xFFFFFFF8], $0xff;
	[tilespmem:s26+$0xFFFFFFFF ss:$0x81] =	vst.msk $0xff, v1  }
0x9b: {  	[tilespmem:s30+$0xFFFFFFFA ss:$0x81] =	vst.msk $0xff, v3;
	v0 =	vld.msk [tilespmem:s2+$0x18], $0xff  }
0x9c: {  	[tilespmem:s27+$0xFFFFFFFE ss:$0x81] =	vst.msk $0xff, v4;
	v3 =	vld.msk [tilespmem:s9+$0xFFFFFFF0], $0xff;
	s2 =	sshrl.u32 s13, $0x2  }
0x9d: {  	[tilespmem:s28+$0xFFFFFFFD ss:$0x81] =	vst.msk $0xff, v5;
	v1 =	vld.msk [tilespmem:s31+$0x10], $0xff;
	s2 =	sor.u32 $0x800, s2  }
0x9e: {  	v4 =	vld.msk [tilespmem:s3+$0xFFFFFFE8], $0xff;
	[dreg:$0x9] =	wrdreg s2  }
0x9f: {  	s8 =	simm.s32 $0x28;
	s2 =	sadd.s32 $0x40, s3;
	v2 =	vld.msk [tilespmem:s1+$0x8], $0xff;
	[tilespmem:s29+$0xFFFFFFFC ss:$0x81] =	vst.msk $0xff, v6  }
.LBB1_3:
0xa0: {  	v5 =	vld.msk [tilespmem:s2+$0xFFFFFFE0], $0xff;
	[tilespmem:s26+$0x0 ss:$0x81] =	vst.msk $0xff, v0;
	s26 =	smov.u32 s27;
	s27 =	smov.u32 s28;
	s28 =	smov.u32 s29  }
0xa1: {  	s8 =	sadd.s32 $0x8, s8;
	s29 =	smov.u32 s30;
	[tilespmem:s30+$0xFFFFFFFB ss:$0x81] =	vst.msk $0xff, v3;
	v6 =	vld.msk [tilespmem:s0+$0x0], $0xff;
	s30 =	smov.u32 s4  }
0xa2: {  	p1 =	slt.u32 s8, $0x78;
	v7 =	vld.msk [tilespmem:s9+$0xFFFFFFF8], $0xff;
	[tilespmem:s26+$0xFFFFFFFF ss:$0x81] =	vst.msk $0xff, v1  }
.Ltmp3:
0xa3: {  	[tilespmem:s4+$0xFFFFFFFA ss:$0x81] =	vst.msk $0xff, v4;
	v0 =	vld.msk [tilespmem:s31+$0x18], $0xff;
	s31 =	smov.u32 s1;
	s1 =	smov.u32 s0;
	(pc) =	sbr.rel @p1 .LBB1_3-.Ltmp3, $4  }
0xa4: {  	s4 =	sadd.s32 $0x8, s4;
	s0 =	smov.u32 s9;
	s9 =	smov.u32 s3;
	v3 =	vld.msk [tilespmem:s3+$0xFFFFFFF0], $0xff;
	[tilespmem:s27+$0xFFFFFFFE ss:$0x81] =	vst.msk $0xff, v2  }
0xa5: {  	s3 =	smov.u32 s2;
	[tilespmem:s4+$0xFFFFFFF9 ss:$0x81] =	vst.msk $0xff, v5;
	v1 =	vld.msk [tilespmem:s31+$0x10], $0xff  }
0xa6: {  	v4 =	vld.msk [tilespmem:s2+$0xFFFFFFE8], $0xff;
	[tilespmem:s28+$0xFFFFFFFD ss:$0x81] =	vst.msk $0xff, v6  }
0xa7: {  	s2 =	sadd.s32 $0x40, s2;
	[tilespmem:s29+$0xFFFFFFFC ss:$0x81] =	vst.msk $0xff, v7;
	v2 =	vld.msk [tilespmem:s1+$0x8], $0xff  }
.Ltmp4:
0xa8: {  	_ = 	snop;
	(pc) =	sbr.rel .LBB1_4-.Ltmp4, $1  }
0xa9: {  	_ =	sdelay $0x3  }
.LBB1_6:
0xaa: {  	_ =	sfence.sel $0x180000  }
0xab: {  	s0 =	simm.s32 $0x1;
	[bflag:$0x0] =	sbarrier.arrive $0xFFFF  }
0xac: {  	s30 =	simm.s32 $0x2;
	[sflag:s0] =	ssyncpa.u1 $0x1  }
0xad: {  	[sflag:s30] =	ssyncpa.u1 $0x1  }
0xae: {  	_ =	strace $0x9000004D  }
0xaf: {  	s31 =	stileid.u32;
	[bflag:$0x2] =	sbarrier.arrive $0xFFFF  }
0xb0: {  	p0 =	sne.s32 s31, $0x0;
	s0 =	rddreg [dreg:$0x1]  }
0xb1: {  	s0 =	sadd.s32 @!p0 $0x100000, s0  }
0xb2: {  	[sflag:s0] =	ssyncadd.tile.s32 @!p0 $0x1;
	_ =	shalt  }
.Lfunc_end1:
_tile_overlayer_lowered:
.L_overlay_start_2:
0xb3: {  	(tag) =	ssettag $0x2  }
0xb4: {  	s0 =	rddreg [dreg:$0x0];
	s2 =	stileid.u32  }
0xb5: {  	s1 =	rddreg [dreg:$0x1];
	p0 =	sne.s32 s2, $0x0  }
0xb6: {  	s3 =	rddreg [dreg:$0x2];
	[bflag:$0x3] =	sbarrier.arrive $0xFFFF;
	s2 =	simm.s32 @!p0 $0x1C01  }
0xb7: {  	[timem:s3], [sflag:s2] =	dma.local @!p0 [hbm:s0], s1  }
0xb8: {  	s0 =	simm.s32 @!p0 $0x1  }
0xb9: {  	_ =	swait.ge @!p0 [sflag:s0], s1  }
0xba: {  	s1 =	ssub.s32 @!p0 $0x0, s1;
	[sflag:s0] =	ssyncset.done @!p0 $0x0  }
0xbb: {  	[sflag:s0] =	ssyncadd.s32 @!p0 s1  }
0xbc: {  	[bflag:$0x3] =	sbarrier.arrive $0xFFFF  }
0xbd: {  	_ =	shalt  }

// kernel: sparse-core-data-format-call.5.cloned.1.call-start
scs
called_computation.5_lowered:
.L_overlay_start_0:
0x0: {  	s1 =	sld [smem:$0x3FD9]  }
0x1: {  	s2 =	sld [smem:$0x3FFE];
	_ =	sdelay $0x1  }
0x2: {  	s3 =	srdreg.scid  }
0x3: {  	s0 =	sand.u32 $0x1, s3  }
0x4: {  	s17 =	sshll.u32 s0, $0xA;
	s1 =	sadd.s32 s2, s1  }
0x5: {  	s1 =	sadd.s32 s1, s17  }
0x6: {  	[smem:$0x3FBB] =	sst s1  }
0x7: {  	_ = 	snop  }
0x8: {  	(tm) =	ssettm $0x1  }
0x9: {  	s18 =	sld [smem:$0x3FFB];
	_ =	sdelay $0x3  }
0xa: {  	_ =	strace s18  }
0xb: {  	s1 =	sld [smem:$0x3FFC];
	_ =	sdelay $0x3  }
0xc: {  	_ =	strace s1  }
0xd: {  	s1 =	sld [smem:$0x3FFD];
	_ =	sdelay $0x3  }
0xe: {  	_ =	strace s1  }
0xf: {  	_ =	strace $0x8FFFFFFF  }
0x10: {  	s19 =	sld [smem:$0x3FDB];
	_ =	sdelay $0x1  }
0x11: {  	s20 =	simm.s32 $_scs_section_size  }
0x12: {  	s4 =	simm.s32 $_size__tile_overlayer_lowered;
	s5 =	simm.s32 $_tile_overlayer_lowered  }
0x13: {  	s23 =	simm.s32 $0x1BFF;
	s22 =	sshll.u32 s5, $0x1;
	s1 =	sadd.s32 s20, s19  }
0x14: {  	s6 =	simm.s32 $0x0;
	s21 =	sshll.u32 s4, $0x1;
	s4 =	sadd.s32 s22, s1  }
0x15: {  	[timem:s6], [sflag:s23] =	dma.local [hbm:s4], s21  }
0x16: {  	_ =	swait.ge [sflag:s23], s21  }
0x17: {  	s2 =	ssub.s32 $0x0, s21;
	[sflag:s23] =	ssyncset.done $0x0  }
0x18: {  	[sflag:s23] =	ssyncadd.s32 s2;
	_ =	sdelay $0x1  }
0x19: {  	s24 =	simm.s32 $0x1B8B  }
0x1a: {  	_ =	swait.ge [sflag:s24], $0x1  }
0x1b: {  	[sflag:s24] =	ssyncset.done $0x0  }
0x1c: {  	s26 =	simm.s32 $0x1B8E;
	s25 =	sld [smem:$0x3FFE];
	[sflag:s24] =	ssyncadd.s32 $0xFFFFFFFF  }
0x1d: {  	s27 =	simm.s32 $execute0_lowered;
	[smem:$0x3FD2] =	sst s26  }
0x1e: {  	s4 =	sshll.u32 s27, $0x1;
	_ =	strace $0x80000049;
	[dreg:$0x1] =	wrdreg $0xFFFFFFFF  }
0x1f: {  	s28 =	simm.s32 $_size_execute0_lowered;
	s1 =	sadd.s32 s1, s4;
	[dreg:$0x0] =	wrdreg $0x0  }
0x20: {  	s4 =	sshll.u32 s28, $0x1;
	[dreg:$0x2] =	wrdreg s1  }
0x21: {  	[dreg:$0x3] =	wrdreg s4  }
0x22: {  	[dreg:$0x4] =	wrdreg $0xC0  }
0x23: {  	_ =	task [dreg:s6], $0x5FFFF  }
0x24: {  	[dreg:$0x1] =	wrdreg $0xFFFFFFFF  }
0x25: {  	[dreg:$0x0] =	wrdreg $0x60  }
0x26: {  	[dreg:$0x2] =	wrdreg s25  }
0x27: {  	[dreg:$0x3] =	wrdreg $0x9  }
0x28: {  	_ =	task.clear_ibuf [dreg:s6], $0x4FFFF;
	_ =	strace $0x90000049  }
0x29: {  	s29 =	simm.s32 $0x9;
	_ =	strace $0x8000004B  }
0x2a: {  	_ =	swait.ge [sflag:s29], $0x1  }
0x2b: {  	[sflag:s29] =	ssyncadd.s32 $0xFFFFFFFF  }
0x2c: {  	_ =	strace $0x9000004B  }
0x2d: {  	_ =	sfence  }
0x2e: {  	s30 =	sld [smem:$0x0];
	_ =	sdelay $0x2  }
0x2f: {  	s31 =	sshll.u32 s3, $0xD;
	s3 =	sshrl.u32 s3, $0x2  }
0x30: {  	s2 =	sand.u32 $0x4000, s31;
	s1 =	sadd.s32 s3, s30  }
0x31: {  	s0 =	sor.u32 s2, s0;
	s1 =	sshll.u32 s1, $0x11  }
0x32: {  	s0 =	sor.u32 s1, s0  }
0x33: {  	s0 =	sadd.s32 $0x8F2B, s0  }
0x34: {  	[sflag:s0] =	ssyncadd.remote.s32 $0x1  }
0x35: {  	_ =	sfence.sel $0xFFFF  }
0x36: {  	[dreg:$0x0] =	wrdreg $0xFFFFFFFF;
	(pc) =	sbr.abs _section_cstart, $3  }
0x37: {  	[dreg:$0x1] =	wrdreg $0xFFFFFFFF  }
0x38: {  	_ =	task.clear_ibuf [dreg:s6], $0x2FFFF;
	_ =	strace $0x9FFFFFFF  }
0x39: {  	(tm) =	ssettm $0x7FFFFFFF  }
tec
execute0_lowered:
.L_overlay_start_1:
0x0: {  	(tag) =	ssettag $0x1  }
0x1: {  	s0 =	srdreg.scid  }
0x2: {  	s1 =	sshll.u32 s0, $0x4  }
0x3: {  	s4 =	rddreg [dreg:$0x0];
	s0 =	stileid.u32;
	s1 =	sand.u32 $0x10, s1  }
0x4: {  	s7 =	simm.s32 $0x1;
	s8 =	simm.s32 $0x2;
	s1 =	sor.u32 s0, s1  }
0x5: {  	s11 =	simm.s32 $0x0;
	s10 =	simm.s32 $0x0;
	s2 =	sshll.u32 s1, $0x7  }
0x6: {  	s3 =	sadd.s32 $0x27800, s4;
	s4 =	sadd.s32 $0x2A7800, s4;
	s6 =	ssub.s32 $0x28000, s2  }
.Ltmp0:
0x7: {  	s1 =	rddreg [dreg:$0x1];
	s5 =	sand.u32 $0xF80, s6;
	(pc) =	sbr.rel .LBB1_1-.Ltmp0, $4  }
0x8: {  	_ =	strace $0x8000004A;
	s9 =	smov.u32 s2;
	p0 =	sne.s32 s5, $0x0  }
0x9: {  	s6 =	sshrl.u32 s6, $0xC;
	s5 =	simm.s32 $0x1;
	s7 =	simm.s32 @!p0 $0x0  }
0xa: {  	[sflag:s5] =	ssyncpa.u1 $0x0;
	p0 =	por $0x0, $0x0;
	s6 =	sadd.s32 s7, s6  }
0xb: {  	[sflag:s8] =	ssyncpa.u1 $0x0;
	s8 =	simm.s32 $0x140000;
	s7 =	sadd.s32 $0x1, s6  }
.LBB1_4:
0xc: {  	s14 =	sshll.u32 s11, $0x3  }
0xd: {  	s30 =	sand.u32 $0x7F, s11;
	s15 =	sand.u32 $0xFFFFFC00, s14  }
0xe: {  	s11 =	sor.u32 s30, s15  }
0xf: {  	s15 =	smulhi.u32 $0xCCCCCCCD, s11  }
0x10: {  	s14 =	smulhi.u32 $0xCCCCCCCD, s14  }
0x11: {  	s15 =	sshrl.u32 s15, $0x11  }
0x12: {  	s14 =	sshrl.u32 s14, $0x11;
	s15 =	smul.u32 $0x28000, s15  }
0x13: {  	s14 =	sand.u32 $0x3F, s14  }
0x14: {  	s14 =	smul.u32 $0x5000, s14;
	s11 =	ssub.s32 s11, s15  }
0x15: {  	[tilespmem:s13+$0x810 ss:$0x81] =	vst.msk $0xffff, v2;
	s15 =	sand.u32 $0x7, s11  }
0x16: {  	[tilespmem:s13+$0x1020 ss:$0x81] =	vst.msk $0xffff, v0;
	s14 =	sadd.s32 s4, s14;
	s11 =	sshrl.u32 s11, $0x3;
	s15 =	sshll.u32 s15, $0x12  }
0x17: {  	[tilespmem:s13+$0x0 ss:$0x81] =	vst.msk $0xffff, v1;
	s11 =	sadd.s32 s11, s14;
	s31 =	sor.u32 $0x400, s15  }
0x18: {  	[hbm4b:s11+s31] =	stream.strided.scatter [tilespmem:s12], [sflag:$0x2], $0x2000, s8, s31, $0x20;
	[tilespmem:$0x8080] =	vst v63  }
.LBB1_5:
0x19: {  	s13 =	sadd.s32 $0x1000, s9  }
0x1a: {  	p2 =	sgt.s32 s13, $0x27FFF  }
0x1b: {  	s13 =	smov.u32 @p2 s2;
	p2 =	sne.s32 s10, s7  }
.Ltmp1:
0x1c: {  	p1 =	slt.u32 s10, $0x2;
	(pc) =	sbr.rel @!p2 .LBB1_6-.Ltmp1, $4  }
0x1d: {  	s12 =	simm.s32 @!p1 $0x2  }
0x1e: {  	s14 =	sadd.s32 $0x1, s10;
	_ =	swait.ge @!p1 [sflag:s12], $0x2000  }
0x1f: {  	s11 =	smov.u32 s9;
	p0 =	por !p0, !p0;
	[sflag:s12] =	ssyncset.done @!p1 $0x0  }
0x20: {  	s10 =	smov.u32 s14;
	s9 =	smov.u32 s13;
	[sflag:s12] =	ssyncadd.s32 @!p1 $0xFFFFE000  }
.LBB1_1:
0x21: {  	p1 =	sge.u32 s10, s6  }
0x22: {  	s12 =	sand.u32 @!p1 $0x1FFFFFF, s9  }
0x23: {  	s13 =	smulhi.u32 @!p1 $0xCCCCCD, s12;
	_ =	sdelay $0x1  }
0x24: {  	s13 =	sshrl.u32 @!p1 s13, $0x9  }
0x25: {  	s13 =	smul.u32 @!p1 $0x28000, s13;
	_ =	sdelay $0x1  }
0x26: {  	s31 =	sadd.s32 $0xFFFFFFFF, s10;
	s14 =	sxor.u32 @!p1 $0xFFFFFFFF, s10;
	s12 =	ssub.s32 @!p1 s12, s13  }
0x27: {  	s15 =	simm.s32 @!p1 $0x80;
	s14 =	sshll.u32 @!p1 s14, $0xD;
	s12 =	sshll.u32 @!p1 s12, $0x4  }
0x28: {  	s13 =	sand.u32 @!p1 $0x2000, s14;
	s14 =	simm.s32 @!p1 $0x40;
	s12 =	sadd.s32 @!p1 s3, s12  }
0x29: {  	[tilespmem:s13], [sflag:$0x1] =	stream.strided.gather @!p1 [hbm4b:s12+s14], $0x2000, s15, s14, $0x38;
	[tilespmem:$0x8080] =	vst v63  }
0x2a: {  	p1 =	sge.u32 s31, s6  }
.Ltmp2:
0x2b: {  	_ = 	snop;
	(pc) =	sbr.rel @p1 .LBB1_5-.Ltmp2, $1  }
0x2c: {  	_ =	sdelay $0x3  }
0x2d: {  	s12 =	simm.s32 $0x1  }
0x2e: {  	_ =	swait.ge [sflag:s5], $0x2000;
	s12 =	simm.s32 @!p0 $0x0  }
0x2f: {  	[sflag:s5] =	ssyncset.done $0x0;
	s13 =	sshll.u32 s12, $0xD  }
0x30: {  	[sflag:s5] =	ssyncadd.s32 $0xFFFFE000;
	s16 =	sor.u32 $0x20, s13  }
0x31: {  	s12 =	smul.u32 $0x8100, s12;
	v3 =	vld [tilespmem:s16+$0x10]  }
0x32: {  	s30 =	sand.u32 $0x1, s10;
	v2 =	vld [tilespmem:s16+$0xFFFFFFF0]  }
0x33: {  	s13 =	smul.u32 $0x8100, s30;
	s12 =	sshrl.u32 s12, $0x2;
	v0 =	vld [tilespmem:s16+$0x0]  }
0x34: {  	v1 =	vld [tilespmem:s16+$0xFFFFFFE0];
	s14 =	sor.u32 $0x4000, s12  }
0x35: {  	s31 =	sshrl.u32 s13, $0x2;
	s13 =	sadd.s32 $0x0, s14  }
0x36: {  	s15 =	simm.s32 $0x4;
	s16 =	sadd.s32 $0x40, s16;
	s12 =	sor.u32 $0x4000, s31;
	[tilespmem:s13+$0x1830 ss:$0x81] =	vst.msk $0xffff, v3  }
.LBB1_3:
0x37: {  	v3 =	vld [tilespmem:s16+$0x10];
	p1 =	sne.s32 s15, $0x1FC;
	[tilespmem:s13+$0x810 ss:$0x81] =	vst.msk $0xffff, v2;
	s17 =	smov.u32 s15;
	s15 =	sadd.s32 $0x4, s15  }
.Ltmp3:
0x38: {  	v2 =	vld [tilespmem:s16+$0xFFFFFFF0];
	[tilespmem:s13+$0x1020 ss:$0x81] =	vst.msk $0xffff, v0;
	(pc) =	sbr.rel @p1 .LBB1_3-.Ltmp3, $4  }
0x39: {  	v0 =	vld [tilespmem:s16+$0x0];
	[tilespmem:s13+$0x0 ss:$0x81] =	vst.msk $0xffff, v1  }
0x3a: {  	s13 =	sshra.s32 s17, $0x2;
	v1 =	vld [tilespmem:s16+$0xFFFFFFE0]  }
0x3b: {  	s13 =	sadd.s32 s13, s14  }
0x3c: {  	s16 =	sadd.s32 $0x40, s16;
	[tilespmem:s13+$0x1830 ss:$0x81] =	vst.msk $0xffff, v3  }
.Ltmp4:
0x3d: {  	_ = 	snop;
	(pc) =	sbr.rel .LBB1_4-.Ltmp4, $1  }
0x3e: {  	_ =	sdelay $0x3  }
.LBB1_6:
0x3f: {  	_ =	sfence.sel $0x180000  }
0x40: {  	s2 =	simm.s32 $0x1;
	[bflag:$0x0] =	sbarrier.arrive $0xFFFF  }
0x41: {  	s31 =	simm.s32 $0x2;
	[sflag:s2] =	ssyncpa.u1 $0x1  }
0x42: {  	[sflag:s31] =	ssyncpa.u1 $0x1  }
0x43: {  	p0 =	sne.s32 s0, $0x0;
	_ =	strace $0x9000004A  }
0x44: {  	s0 =	sadd.s32 @!p0 $0x100000, s1;
	[bflag:$0x2] =	sbarrier.arrive $0xFFFF  }
0x45: {  	[sflag:s0] =	ssyncadd.tile.s32 @!p0 $0x1;
	_ =	shalt  }
.Lfunc_end1:
_tile_overlayer_lowered:
.L_overlay_start_2:
0x46: {  	(tag) =	ssettag $0x2  }
0x47: {  	s0 =	rddreg [dreg:$0x0];
	s2 =	stileid.u32  }
0x48: {  	s1 =	rddreg [dreg:$0x1];
	p0 =	sne.s32 s2, $0x0  }
0x49: {  	s3 =	rddreg [dreg:$0x2];
	[bflag:$0x3] =	sbarrier.arrive $0xFFFF;
	s2 =	simm.s32 @!p0 $0x1C01  }
0x4a: {  	[timem:s3], [sflag:s2] =	dma.local @!p0 [hbm:s0], s1  }
0x4b: {  	s0 =	simm.s32 @!p0 $0x1  }
0x4c: {  	_ =	swait.ge @!p0 [sflag:s0], s1  }
0x4d: {  	s1 =	ssub.s32 @!p0 $0x0, s1;
	[sflag:s0] =	ssyncset.done @!p0 $0x0  }
0x4e: {  	[sflag:s0] =	ssyncadd.s32 @!p0 s1  }
0x4f: {  	[bflag:$0x3] =	sbarrier.arrive $0xFFFF  }
0x50: {  	_ =	shalt  }

// kernel: sparse-core-data-format-call.cloned.1.call-start
scs
called_computation_lowered:
.L_overlay_start_0:
0x0: {  	s1 =	sld [smem:$0x3FD9]  }
0x1: {  	s2 =	sld [smem:$0x3FFE];
	_ =	sdelay $0x1  }
0x2: {  	s3 =	srdreg.scid  }
0x3: {  	s0 =	sand.u32 $0x1, s3  }
0x4: {  	s17 =	sshll.u32 s0, $0xA;
	s1 =	sadd.s32 s2, s1  }
0x5: {  	s1 =	sadd.s32 s1, s17  }
0x6: {  	[smem:$0x3FBB] =	sst s1  }
0x7: {  	_ = 	snop  }
0x8: {  	(tm) =	ssettm $0x1  }
0x9: {  	s18 =	sld [smem:$0x3FFB];
	_ =	sdelay $0x3  }
0xa: {  	_ =	strace s18  }
0xb: {  	s1 =	sld [smem:$0x3FFC];
	_ =	sdelay $0x3  }
0xc: {  	_ =	strace s1  }
0xd: {  	s1 =	sld [smem:$0x3FFD];
	_ =	sdelay $0x3  }
0xe: {  	_ =	strace s1  }
0xf: {  	_ =	strace $0x8FFFFFFF  }
0x10: {  	s19 =	sld [smem:$0x3FDB];
	_ =	sdelay $0x1  }
0x11: {  	s20 =	simm.s32 $_scs_section_size  }
0x12: {  	s4 =	simm.s32 $_size__tile_overlayer_lowered;
	s5 =	simm.s32 $_tile_overlayer_lowered  }
0x13: {  	s23 =	simm.s32 $0x1BFF;
	s22 =	sshll.u32 s5, $0x1;
	s1 =	sadd.s32 s20, s19  }
0x14: {  	s6 =	simm.s32 $0x0;
	s21 =	sshll.u32 s4, $0x1;
	s4 =	sadd.s32 s22, s1  }
0x15: {  	[timem:s6], [sflag:s23] =	dma.local [hbm:s4], s21  }
0x16: {  	_ =	swait.ge [sflag:s23], s21  }
0x17: {  	s2 =	ssub.s32 $0x0, s21;
	[sflag:s23] =	ssyncset.done $0x0  }
0x18: {  	[sflag:s23] =	ssyncadd.s32 s2;
	_ =	sdelay $0x1  }
0x19: {  	s24 =	simm.s32 $0x1B8B  }
0x1a: {  	_ =	swait.ge [sflag:s24], $0x1  }
0x1b: {  	[sflag:s24] =	ssyncset.done $0x0  }
0x1c: {  	s26 =	simm.s32 $0x1B8E;
	s25 =	sld [smem:$0x3FFE];
	[sflag:s24] =	ssyncadd.s32 $0xFFFFFFFF  }
0x1d: {  	s27 =	simm.s32 $execute0_lowered;
	[smem:$0x3FD2] =	sst s26  }
0x1e: {  	s4 =	sshll.u32 s27, $0x1;
	_ =	strace $0x8000005E;
	[dreg:$0x1] =	wrdreg $0xFFFFFFFF  }
0x1f: {  	s28 =	simm.s32 $_size_execute0_lowered;
	s1 =	sadd.s32 s1, s4;
	[dreg:$0x0] =	wrdreg $0x0  }
0x20: {  	s4 =	sshll.u32 s28, $0x1;
	[dreg:$0x2] =	wrdreg s1  }
0x21: {  	[dreg:$0x3] =	wrdreg s4  }
0x22: {  	[dreg:$0x4] =	wrdreg $0xC0  }
0x23: {  	_ =	task [dreg:s6], $0x5FFFF  }
0x24: {  	[dreg:$0x1] =	wrdreg $0xFFFFFFFF  }
0x25: {  	[dreg:$0x0] =	wrdreg $0x60  }
0x26: {  	[dreg:$0x2] =	wrdreg s25  }
0x27: {  	[dreg:$0x3] =	wrdreg $0x9  }
0x28: {  	_ =	task.clear_ibuf [dreg:s6], $0x4FFFF;
	_ =	strace $0x9000005E  }
0x29: {  	s29 =	simm.s32 $0x9;
	_ =	strace $0x80000060  }
0x2a: {  	_ =	swait.ge [sflag:s29], $0x1  }
0x2b: {  	[sflag:s29] =	ssyncadd.s32 $0xFFFFFFFF  }
0x2c: {  	_ =	strace $0x90000060  }
0x2d: {  	_ =	sfence  }
0x2e: {  	s30 =	sld [smem:$0x0];
	_ =	sdelay $0x2  }
0x2f: {  	s31 =	sshll.u32 s3, $0xD;
	s3 =	sshrl.u32 s3, $0x2  }
0x30: {  	s2 =	sand.u32 $0x4000, s31;
	s1 =	sadd.s32 s3, s30  }
0x31: {  	s0 =	sor.u32 s2, s0;
	s1 =	sshll.u32 s1, $0x11  }
0x32: {  	s0 =	sor.u32 s1, s0  }
0x33: {  	s0 =	sadd.s32 $0x8F2B, s0  }
0x34: {  	[sflag:s0] =	ssyncadd.remote.s32 $0x1  }
0x35: {  	_ =	sfence.sel $0xFFFF  }
0x36: {  	[dreg:$0x0] =	wrdreg $0xFFFFFFFF;
	(pc) =	sbr.abs _section_cstart, $3  }
0x37: {  	[dreg:$0x1] =	wrdreg $0xFFFFFFFF  }
0x38: {  	_ =	task.clear_ibuf [dreg:s6], $0x2FFFF;
	_ =	strace $0x9FFFFFFF  }
0x39: {  	(tm) =	ssettm $0x7FFFFFFF  }
tec
execute0_lowered:
.L_overlay_start_1:
0x0: {  	(tag) =	ssettag $0x1  }
0x1: {  	s0 =	stileid.u32  }
0x2: {  	s1 =	srdreg.scid;
	s8 =	rddreg [dreg:$0x0]  }
0x3: {  	s5 =	simm.s32 $0x1;
	s9 =	simm.s32 $0x2;
	s20 =	simm.s32 $0x0  }
0x4: {  	s10 =	simm.s32 $0xC000;
	s23 =	simm.s32 $0x0;
	s22 =	simm.s32 $0x0  }
0x5: {  	s21 =	simm.s32 $0x0;
	s2 =	sshll.u32 s0, $0x4;
	s1 =	sshll.u32 s1, $0x8  }
0x6: {  	s11 =	simm.s32 $0x0;
	s12 =	simm.s32 $0x0;
	s1 =	sor.u32 s2, s1  }
0x7: {  	s13 =	simm.s32 $0x0;
	s14 =	simm.s32 $0x0;
	s2 =	sand.u32 $0x180, s1  }
0x8: {  	s17 =	simm.s32 $0x0;
	s18 =	simm.s32 $0x0;
	s3 =	ssub.s32 $0x400, s2  }
0x9: {  	s19 =	simm.s32 $0x0;
	s7 =	sand.u32 $0x7, s0;
	s4 =	sand.u32 $0x180, s3  }
0xa: {  	s16 =	smov.u32 s7;
	s1 =	rddreg [dreg:$0x1];
	p0 =	sne.s32 s4, $0x0  }
.Ltmp0:
0xb: {  	s6 =	sshrl.u32 s3, $0x9;
	s5 =	simm.s32 @!p0 $0x0;
	(pc) =	sbr.rel .LBB1_1-.Ltmp0, $4  }
0xc: {  	_ =	strace $0x8000005F;
	s15 =	smov.u32 s2;
	s5 =	sadd.s32 s5, s6  }
0xd: {  	s3 =	sadd.s32 $0x54A000, s8;
	s4 =	simm.s32 $0x1;
	s5 =	smul.u32 $0x3F, s5  }
0xe: {  	[sflag:s4] =	ssyncpa.u1 $0x0;
	p0 =	por $0x0, $0x0;
	s6 =	sadd.s32 $0x4A000, s8  }
0xf: {  	[sflag:s9] =	ssyncpa.u1 $0x0;
	s8 =	sadd.s32 $0x5AA000, s8;
	s9 =	sadd.s32 $0x1, s5  }
.LBB1_7:
0x10: {  	p1 =	slt.u32 s19, $0x2  }
0x11: {  	p2 =	sgt.s32 @!p1 s23, $0x7  }
0x12: {  	s24 =	smov.u32 s23;
	s25 =	sshra.s32 @!p1 s23, $0x1F;
	p2 =	por !p2, p1  }
0x13: {  	s23 =	sand.u32 @!p1 s25, s23;
	s24 =	simm.s32 @p2 $0x7  }
0x14: {  	p3 =	sgt.s32 @!p1 s22, $0x2;
	p4 =	sgt.s32 @!p1 s20, $0x380;
	s23 =	ssub.s32 @!p1 s24, s23  }
0x15: {  	p3 =	por !p3, p1;
	s25 =	sshra.s32 @!p1 s22, $0x1F;
	s24 =	sadd.s32 @!p1 $0xFFFFFFF9, s23  }
0x16: {  	p4 =	por !p4, p1;
	s23 =	ssub.s32 @!p1 $0x8, s23;
	p2 =	sgt.s32 @!p1 s24, $0x0  }
0x17: {  	s24 =	smov.u32 s22;
	s22 =	sand.u32 @!p1 s25, s22;
	s25 =	sshra.s32 @!p1 s21, $0x1F  }
0x18: {  	p2 =	por !p2, p1;
	s24 =	simm.s32 @p3 $0x2;
	p3 =	sgt.s32 @!p1 s21, $0x2E  }
0x19: {  	s22 =	ssub.s32 @!p1 s24, s22;
	p3 =	por !p3, p1;
	s24 =	smov.u32 s21  }
0x1a: {  	s21 =	sand.u32 @!p1 s25, s21;
	s25 =	smov.u32 s20;
	s23 =	simm.s32 @!p2 $0x0  }
0x1b: {  	s26 =	sadd.s32 @!p1 $0xFFFFFFFE, s22;
	s24 =	simm.s32 @p3 $0x2E;
	s22 =	ssub.s32 @!p1 $0x3, s22  }
0x1c: {  	s25 =	simm.s32 @p4 $0x380;
	p3 =	sgt.s32 @!p1 s26, $0x0;
	s21 =	ssub.s32 @!p1 s24, s21  }
0x1d: {  	s26 =	sshra.s32 @!p1 s20, $0x1F;
	s24 =	sadd.s32 @!p1 $0xFFFFFFD2, s21;
	s21 =	ssub.s32 @!p1 $0x30, s21  }
0x1e: {  	s20 =	sand.u32 @!p1 s26, s20;
	p4 =	sgt.s32 @!p1 s24, $0x1;
	s21 =	smul.u32 @!p1 $0x14, s21  }
0x1f: {  	p3 =	por !p3, p1;
	s20 =	ssub.s32 @!p1 s25, s20;
	p4 =	por !p4, p1  }
0x20: {  	s22 =	simm.s32 @!p3 $0x0;
	s24 =	sadd.s32 @!p1 $0xFFFFFC80, s20;
	s21 =	simm.s32 @!p4 $0x0  }
0x21: {  	s25 =	smov.u32 s16;
	p2 =	sgt.s32 @!p1 s24, $0x7F;
	s21 =	smul.u32 @!p1 s22, s21  }
0x22: {  	s20 =	ssub.s32 @!p1 $0x400, s20;
	s24 =	sadd.s32 $0x200, s15;
	p3 =	por !p2, p1  }
0x23: {  	p2 =	sgt.s32 s24, $0x3FF;
	s22 =	sadd.s32 $0x8, s16;
	s21 =	smul.u32 @!p1 s23, s21  }
0x24: {  	s20 =	simm.s32 @!p3 $0x0;
	s25 =	smov.u32 @p2 s22  }
0x25: {  	p3 =	sgt.s32 s25, $0x7;
	s20 =	smul.u32 @!p1 s20, s21;
	s21 =	simm.s32 $0x1  }
0x26: {  	s28 =	smov.u32 s18;
	p0 =	por !p0, !p0;
	s21 =	simm.s32 @!p3 $0x0  }
0x27: {  	s27 =	simm.s32 @!p1 $0x2;
	s24 =	smov.u32 @p2 s2;
	s26 =	sadd.s32 s21, s17  }
0x28: {  	s22 =	smov.u32 s13;
	s21 =	sadd.s32 $0x2, s18;
	p4 =	sgt.s32 s26, $0x2  }
0x29: {  	s13 =	smov.u32 s17;
	s23 =	smov.u32 s12;
	s28 =	smov.u32 @p4 s21  }
0x2a: {  	s12 =	smov.u32 s16;
	s25 =	smov.u32 @p3 s7;
	p2 =	sgt.s32 s28, $0x29  }
0x2b: {  	s20 =	sand.u32 @!p1 $0x3FFFFFFC, s20;
	s28 =	simm.s32 @p2 $0x0;
	p2 =	sne.s32 s19, s9  }
.Ltmp1:
0x2c: {  	s16 =	smov.u32 s25;
	_ =	swait.ge @!p1 [sflag:s27], s20;
	(pc) =	sbr.rel @!p2 .LBB1_8-.Ltmp1, $4  }
0x2d: {  	s29 =	ssub.s32 @!p1 $0x0, s20;
	s20 =	smov.u32 s11;
	s11 =	smov.u32 s15  }
0x2e: {  	s15 =	smov.u32 s24;
	[sflag:s27] =	ssyncset.done @!p1 $0x0;
	s26 =	simm.s32 @p4 $0x0  }
0x2f: {  	s21 =	smov.u32 s14;
	s14 =	smov.u32 s18;
	[sflag:s27] =	ssyncadd.s32 @!p1 s29  }
0x30: {  	s17 =	smov.u32 s26;
	s19 =	sadd.s32 $0x1, s19;
	s18 =	smov.u32 s28  }
.LBB1_1:
0x31: {  	p1 =	sge.u32 s19, s5  }
0x32: {  	s24 =	smul.u32 @!p1 $0x60000, s18;
	s25 =	sxor.u32 @!p1 $0xFFFFFFFF, s19  }
0x33: {  	s26 =	sshll.u32 @!p1 s17, $0x11;
	s28 =	sshll.u32 @!p1 s16, $0xE;
	s29 =	sshll.u32 @!p1 s15, $0x4  }
0x34: {  	s30 =	simm.s32 @!p1 $0x20;
	s31 =	simm.s32 @!p1 $0x80;
	s27 =	sadd.s32 @!p1 s24, s26  }
0x35: {  	s25 =	sshll.u32 @!p1 s25, $0xD;
	s24 =	sadd.s32 @!p1 s24, s8;
	s27 =	sadd.s32 @!p1 s3, s27  }
0x36: {  	s29 =	sand.u32 @!p1 $0x3FF0, s29;
	s24 =	sadd.s32 @!p1 s26, s24;
	s27 =	sadd.s32 @!p1 s28, s27  }
0x37: {  	s25 =	sand.u32 @!p1 $0x2000, s25;
	s24 =	sadd.s32 @!p1 s28, s24;
	s27 =	sadd.s32 @!p1 s29, s27  }
0x38: {  	[tilespmem:s25], [sflag:$0x1] =	stream.strided.gather @!p1 [hbm4b:s27+s30], $0x1000, s31, s30, $0x38;
	[tilespmem:$0x8080] =	vst v63  }
0x39: {  	s24 =	sadd.s32 @!p1 s29, s24;
	s25 =	sor.u32 @!p1 $0x1000, s25  }
0x3a: {  	[tilespmem:s25], [sflag:$0x1] =	stream.strided.gather @!p1 [hbm4b:s24+s30], $0x1000, s31, s30, $0x38;
	[tilespmem:$0x8080] =	vst v63  }
0x3b: {  	s31 =	sadd.s32 $0xFFFFFFFF, s19  }
0x3c: {  	p1 =	sge.u32 s31, s5  }
.Ltmp2:
0x3d: {  	_ = 	snop;
	(pc) =	sbr.rel @p1 .LBB1_7-.Ltmp2, $1  }
0x3e: {  	_ =	sdelay $0x3  }
0x3f: {  	s24 =	simm.s32 $0x1;
	s26 =	sand.u32 $0x1, s19  }
0x40: {  	_ =	swait.ge [sflag:s4], $0x2000;
	s24 =	simm.s32 @!p0 $0x0;
	s26 =	smul.u32 $0x8100, s26  }
0x41: {  	p2 =	por $0x1, $0x1;
	[sflag:s4] =	ssyncset.done $0x0;
	s25 =	smul.u32 $0x8100, s24  }
0x42: {  	s27 =	sshll.u32 s24, $0xF;
	[sflag:s4] =	ssyncadd.s32 $0xFFFFE000;
	s30 =	sshrl.u32 s26, $0x2  }
0x43: {  	s31 =	sshrl.u32 s27, $0x2;
	s27 =	simm.s32 $0x0;
	s25 =	sshrl.u32 s25, $0x2  }
0x44: {  	s24 =	sor.u32 $0x4000, s30;
	s26 =	sadd.s32 $0x10, s31;
	s25 =	sor.u32 $0x4000, s25  }
.LBB1_3:
0x45: {  	s28 =	sshll.u32 s27, $0xC  }
0x46: {  	s28 =	sand.u32 $0x3FFFF000, s28  }
0x47: {  	s29 =	sadd.s32 s28, s26  }
0x48: {  	s27 =	smul.u32 $0x204, s27;
	v1 =	vld [tilespmem:s29+$0x0]  }
0x49: {  	v0 =	vld [tilespmem:s29+$0xFFFFFFF0]  }
0x4a: {  	s27 =	sshra.s32 s27, $0x2  }
0x4b: {  	s27 =	sadd.s32 s27, s25  }
0x4c: {  	s30 =	sadd.s32 $0x0, s27  }
0x4d: {  	p1 =	por p2, p2;
	s28 =	simm.s32 $0x4;
	s29 =	sadd.s32 $0x20, s29;
	[tilespmem:s30+$0x1020 ss:$0x102] =	vst.msk $0xffff, v1  }
.LBB1_4:
0x4e: {  	v1 =	vld [tilespmem:s29+$0x0];
	p2 =	sne.s32 s28, $0x1FC;
	[tilespmem:s30+$0x0 ss:$0x102] =	vst.msk $0xffff, v0;
	s30 =	smov.u32 s28;
	s28 =	sadd.s32 $0x4, s28  }
.Ltmp3:
0x4f: {  	v0 =	vld [tilespmem:s29+$0xFFFFFFF0];
	(pc) =	sbr.rel @p2 .LBB1_4-.Ltmp3, $4  }
0x50: {  	_ = 	snop  }
0x51: {  	s30 =	sshra.s32 s30, $0x2  }
0x52: {  	s30 =	sadd.s32 s30, s27  }
0x53: {  	s29 =	sadd.s32 $0x20, s29;
	[tilespmem:s30+$0x1020 ss:$0x102] =	vst.msk $0xffff, v1  }
.Ltmp4:
0x54: {  	(pc) =	sbr.rel @p1 .LBB1_3-.Ltmp4, $2  }
0x55: {  	_ =	sdelay $0x2  }
0x56: {  	[tilespmem:s30+$0x0 ss:$0x102] =	vst.msk $0xffff, v0;
	s27 =	simm.s32 $0x1;
	p2 =	por $0x0, $0x0  }
0x57: {  	s25 =	sshll.u32 s14, $0xA;
	s26 =	sshll.u32 s11, $0x3;
	p1 =	sgt.s32 s12, $0x7  }
0x58: {  	s27 =	smov.u32 s12;
	s28 =	sshra.s32 s12, $0x1F;
	p2 =	sgt.s32 s13, $0x2  }
0x59: {  	s31 =	sshra.s32 s14, $0x1F;
	s25 =	sand.u32 $0xFFFFE000, s25;
	s27 =	simm.s32 @!p1 $0x7  }
0x5a: {  	s29 =	sand.u32 s28, s12;
	s28 =	smov.u32 s13;
	s25 =	sadd.s32 s25, s26  }
0x5b: {  	s26 =	ssub.s32 s27, s29;
	s29 =	sshra.s32 s13, $0x1F;
	s28 =	simm.s32 @!p2 $0x2  }
0x5c: {  	p2 =	sgt.s32 s14, $0x2E;
	s27 =	sadd.s32 $0xFFFFFFF9, s26;
	s30 =	sand.u32 s29, s13  }
0x5d: {  	s25 =	sshrl.u32 s25, $0xA;
	p1 =	sgt.s32 s27, $0x0;
	s27 =	ssub.s32 s28, s30  }
0x5e: {  	s29 =	sand.u32 s31, s14;
	s28 =	smov.u32 s14;
	s30 =	sadd.s32 $0xFFFFFFFE, s27  }
0x5f: {  	s28 =	simm.s32 @!p2 $0x2E;
	s27 =	ssub.s32 $0x3, s27;
	p2 =	sgt.s32 s30, $0x0  }
0x60: {  	s28 =	ssub.s32 s28, s29;
	s30 =	smov.u32 s11;
	s27 =	simm.s32 @p2 $0x0  }
0x61: {  	s29 =	sadd.s32 $0xFFFFFFD2, s28;
	s28 =	ssub.s32 $0x30, s28;
	p2 =	sgt.s32 s11, $0x380  }
0x62: {  	s31 =	sshra.s32 s11, $0x1F;
	s28 =	smul.u32 $0x14, s28;
	s30 =	simm.s32 @!p2 $0x380  }
0x63: {  	p2 =	sgt.s32 s29, $0x1;
	s29 =	sand.u32 s31, s11;
	s31 =	smulhi.u32 $0x5555556, s25  }
0x64: {  	_ = 	snop  }
0x65: {  	s26 =	ssub.s32 $0x8, s26;
	s28 =	simm.s32 @p2 $0x0;
	s31 =	smul.u32 $0x30, s31  }
0x66: {  	s26 =	simm.s32 @p1 $0x0;
	s27 =	smul.u32 s27, s28;
	s28 =	sshll.u32 s14, $0x7  }
0x67: {  	s29 =	ssub.s32 s30, s29;
	s30 =	sand.u32 $0x78, s11;
	s28 =	sand.u32 $0x380, s28  }
0x68: {  	s25 =	ssub.s32 s25, s31;
	s26 =	smul.u32 s26, s27;
	s27 =	sadd.s32 $0xFFFFFC80, s29  }
0x69: {  	p1 =	sgt.s32 s27, $0x7F;
	s27 =	ssub.s32 $0x400, s29;
	s29 =	smul.u32 $0x1E000, s13  }
0x6a: {  	s31 =	sand.u32 $0x7, s11;
	s28 =	sor.u32 s28, s30;
	s30 =	smul.u32 $0x5A000, s12  }
.Ltmp5:
0x6b: {  	s27 =	simm.s32 @p1 $0x0;
	s29 =	sadd.s32 s6, s29;
	(pc) =	sbr.rel .LBB1_7-.Ltmp5, $4  }
0x6c: {  	s28 =	sshrl.u32 s28, $0x3;
	s26 =	smul.u32 s27, s26;
	s27 =	sadd.s32 s30, s29  }
0x6d: {  	s25 =	sshll.u32 s25, $0x7;
	s30 =	sshll.u32 s31, $0x12;
	s27 =	sadd.s32 s28, s27  }
0x6e: {  	s26 =	sand.u32 $0x3FFFFFFC, s26;
	s31 =	sor.u32 $0x100, s30;
	s25 =	sadd.s32 s25, s27  }
0x6f: {  	[hbm4b:s25+s31] =	stream.strided.scatter [tilespmem:s24], [sflag:$0x2], s26, s10, s31, $0x20;
	[tilespmem:$0x8080] =	vst v63  }
.LBB1_8:
0x70: {  	_ =	sfence.sel $0x180000  }
0x71: {  	s2 =	simm.s32 $0x1;
	[bflag:$0x0] =	sbarrier.arrive $0xFFFF  }
0x72: {  	s31 =	simm.s32 $0x2;
	[sflag:s2] =	ssyncpa.u1 $0x1  }
0x73: {  	[sflag:s31] =	ssyncpa.u1 $0x1  }
0x74: {  	p0 =	sne.s32 s0, $0x0;
	_ =	strace $0x9000005F  }
0x75: {  	s0 =	sadd.s32 @!p0 $0x100000, s1;
	[bflag:$0x2] =	sbarrier.arrive $0xFFFF  }
0x76: {  	[sflag:s0] =	ssyncadd.tile.s32 @!p0 $0x1;
	_ =	shalt  }
.Lfunc_end1:
_tile_overlayer_lowered:
.L_overlay_start_2:
0x77: {  	(tag) =	ssettag $0x2  }
0x78: {  	s0 =	rddreg [dreg:$0x0];
	s2 =	stileid.u32  }
0x79: {  	s1 =	rddreg [dreg:$0x1];
	p0 =	sne.s32 s2, $0x0  }
0x7a: {  	s3 =	rddreg [dreg:$0x2];
	[bflag:$0x3] =	sbarrier.arrive $0xFFFF;
	s2 =	simm.s32 @!p0 $0x1C01  }
0x7b: {  	[timem:s3], [sflag:s2] =	dma.local @!p0 [hbm:s0], s1  }
0x7c: {  	s0 =	simm.s32 @!p0 $0x1  }
0x7d: {  	_ =	swait.ge @!p0 [sflag:s0], s1  }
0x7e: {  	s1 =	ssub.s32 @!p0 $0x0, s1;
	[sflag:s0] =	ssyncset.done @!p0 $0x0  }
0x7f: {  	[sflag:s0] =	ssyncadd.s32 @!p0 s1  }
0x80: {  	[bflag:$0x3] =	sbarrier.arrive $0xFFFF  }
0x81: {  	_ =	shalt  }

</sc_bundles>
